<compile_context>
chip_gen: v7x
topology: tpu7x:2x2x1
jax: 0.10.2.dev20260603
libtpu: 0.0.44.dev20260713+nightly
codegen_flags: <defaults>
</compile_context>

<pallas_src>
import numpy as np
import jax
import jax.numpy as jnp
from jax.experimental import pallas as pl
from jax.experimental.pallas import tpu as pltpu
from jax.experimental.pallas import tpu_sc as plsc

_RVQ_SAMPLE = 4


def _sampled_layers(num_vq: int, rvq_sample: int):
    rng = np.random.default_rng(0)
    p = np.arange(num_vq, 0, -1).astype(np.float64)
    p = p / p.sum()
    return sorted(rng.choice(num_vq, p=p, size=rvq_sample, replace=False).tolist())


def _sc_gather(tab, idx, window=128):
    n = idx.shape[0]
    mesh = plsc.VectorSubcoreMesh(core_axis_name="core",
                                  subcore_axis_name="subcore")
    idx2 = idx.reshape(1, n)

    @pl.kernel(out_type=jax.ShapeDtypeStruct((n, tab.shape[1]), tab.dtype),
               mesh=mesh)
    def gk(tab_hbm, i_hbm, o_hbm):
        def body(i_vmem, o_vmem):
            pltpu.sync_copy(tab_hbm.at[i_vmem.at[0]], o_vmem)

        pltpu.emit_pipeline(
            body,
            grid=(n // window,),
            in_specs=[pl.BlockSpec((1, window), index_map=lambda i: (0, i))],
            out_specs=[pl.BlockSpec((window, tab.shape[1]),
                                    index_map=lambda i: (i, 0))],
            core_axis_name=("core", "subcore"),
            dimension_semantics=(pltpu.PARALLEL,),
        )(i_hbm, o_hbm)

    return gk(tab, idx2)


def _rvq_body(sampled, l_max, K, D, inv_ntok,
              ds_ref, tgt_ref, etgt_ref, embed_ref, win_ref, bin_ref,
              wout_ref, bout_ref,
              out_ref, eaug_ref, ewaug_ref, winaug_ref, acc_ref):
    j = pl.program_id(0)
    A = D + 8
    TN = ds_ref.shape[2]
    bf = jnp.bfloat16

    @pl.when(j == 0)
    def _init():
        acc_ref[...] = jnp.zeros_like(acc_ref)
        s = 2.0 / D
        for l in range(l_max + 1):
            e = embed_ref[l]
            e2 = jnp.sum(e * e, axis=1, keepdims=True) * (-1.0 / D)
            eaug_ref[l, :, pl.ds(0, D)] = e.astype(bf)
            eaug_ref[l, :, pl.ds(D, 8)] = jnp.concatenate(
                [e2.astype(bf), jnp.zeros((K, 7), dtype=bf)], axis=1)
            winaug_ref[l, pl.ds(0, D), pl.ds(0, D)] = (win_ref[l] * s).astype(bf)
            winaug_ref[l, pl.ds(D, 8), pl.ds(0, D)] = jnp.concatenate(
                [bin_ref[pl.ds(l, 1), :] * s, jnp.zeros((7, D), jnp.float32)],
                axis=0).astype(bf)
            col = (jax.lax.broadcasted_iota(jnp.int32, (A, 8), 0) == D) & \
                  (jax.lax.broadcasted_iota(jnp.int32, (A, 8), 1) == 0)
            winaug_ref[l, :, pl.ds(D, 8)] = col.astype(bf)
        for l in range(l_max):
            ew = (jnp.dot(embed_ref[l], wout_ref[l],
                          preferred_element_type=jnp.float32)
                  + bout_ref[pl.ds(l, 1), :])
            ewaug_ref[l, :, pl.ds(0, D)] = ew.astype(bf)
            ewaug_ref[l, :, pl.ds(D, 8)] = jnp.zeros((K, 8), dtype=bf)

    C = 3
    H = TN // C
    rt = jnp.transpose(ds_ref[0])
    ones_h = jnp.ones((H, 8), dtype=jnp.float32)
    r_augs = [jnp.concatenate([rt[c * H:(c + 1) * H], ones_h], axis=1)
              for c in range(C)]
    acc = jnp.zeros((1, 1), dtype=jnp.float32)
    for l in range(l_max + 1):
        us, xss = [], []
        for c in range(C):
            xs = jnp.dot(r_augs[c].astype(bf), winaug_ref[l],
                         preferred_element_type=jnp.float32)
            xss.append(xs)
            us.append(jax.lax.dot_general(
                xs.astype(bf), eaug_ref[l], (((1,), (1,)), ((), ())),
                preferred_element_type=jnp.float32))
        if l < l_max:
            for c in range(C):
                m = jnp.max(us[c], axis=1, keepdims=True)
                oh = (us[c] == m).astype(bf)
                r_augs[c] = r_augs[c] - jnp.dot(
                    oh, ewaug_ref[l], preferred_element_type=jnp.float32)
        if l in sampled:
            si = sampled.index(l)
            for c in range(C):
                et = etgt_ref[si, 0][c * H:(c + 1) * H].astype(jnp.float32)
                u_tgt = (jnp.sum(xss[c][:, :D] * et, axis=1, keepdims=True)
                         - jnp.sum(et * et, axis=1, keepdims=True) * (1.0 / D))
                sumexp = jnp.sum(jnp.exp(us[c]), axis=1, keepdims=True)
                nll = jnp.log(sumexp) - u_tgt
                acc = acc + jnp.sum(nll, axis=0, keepdims=True)

    acc_ref[...] += acc

    @pl.when(j == pl.num_programs(0) - 1)
    def _fin():
        out_ref[...] = acc_ref[...] * inv_ntok


def kernel(diffusion_starts, target_latent_codes, embed, Win, b_in, Wout, b_out):
    num_vq, K, D = embed.shape
    sampled = _sampled_layers(num_vq, _RVQ_SAMPLE)
    l_max = sampled[-1]
    B, _, T = diffusion_starts.shape
    N = B * T
    TPB = 1
    TN = T // TPB
    A = D + 8

    tgt = jnp.transpose(target_latent_codes, (1, 0, 2))
    tgt = jnp.stack([tgt[l] for l in sampled])
    ns = len(sampled)

    tab = embed.reshape(num_vq * K, D)
    flat_idx = (tgt + jnp.array(sampled, jnp.int32)[:, None, None] * K
                ).reshape(-1)
    npad = (-flat_idx.shape[0]) % (128 * 32)
    flat_idx = jnp.concatenate(
        [flat_idx, jnp.zeros((npad,), jnp.int32)])
    etgt = _sc_gather(tab, flat_idx)[:ns * N]
    etgt = etgt.reshape(ns, B, T, D)
    tgt = tgt[..., None]
    grid = (B,)
    body = lambda *refs: _rvq_body(sampled, l_max, K, D, 1.0 / (ns * N), *refs)
    out = pl.pallas_call(
        body,
        grid=grid,
        in_specs=[
            pl.BlockSpec((1, D, TN), lambda j: (j, 0, 0)),
            pl.BlockSpec((ns, 1, TN, 1), lambda j: (0, j, 0, 0)),
            pl.BlockSpec((ns, 1, TN, D), lambda j: (0, j, 0, 0)),
            pl.BlockSpec((l_max + 1, K, D), lambda j: (0, 0, 0)),
            pl.BlockSpec((l_max + 1, D, D), lambda j: (0, 0, 0)),
            pl.BlockSpec((l_max + 1, D), lambda j: (0, 0)),
            pl.BlockSpec((l_max, D, D), lambda j: (0, 0, 0)),
            pl.BlockSpec((l_max, D), lambda j: (0, 0)),
        ],
        out_specs=pl.BlockSpec((1, 1), lambda j: (0, 0)),
        out_shape=jax.ShapeDtypeStruct((1, 1), jnp.float32),
        scratch_shapes=[
            pltpu.VMEM((l_max + 1, K, A), jnp.bfloat16),
            pltpu.VMEM((l_max, K, A), jnp.bfloat16),
            pltpu.VMEM((l_max + 1, A, A), jnp.bfloat16),
            pltpu.VMEM((1, 1), jnp.float32),
        ],
    )(diffusion_starts, tgt, etgt, embed[:l_max + 1], Win[:l_max + 1],
      b_in[:l_max + 1], Wout[:l_max], b_out[:l_max])
    return out[0, 0]

# --- scband reference (transcript-rebuilt; emitter-appended) ---
"""Pipeline reference for scband-ce-rvq-18889266167841 (READ-ONLY COPY).

The authoritative reference and input builder live on the scoring server;
editing this copy changes nothing except your own understanding.
"""

import jax, jax.numpy as jnp
import numpy as np

NUM_VQ = 8
CODEBOOK_SIZE = 1024
DIM = 128
RVQ_SAMPLE = 4
B = 4
T = 1500


def _sample_indices(num_vq, rvq_sample):
    # deterministic stand-in for np.random.choice with linearly-decaying weights
    rng = np.random.default_rng(0)
    p = np.arange(num_vq, 0, -1).astype(np.float64)
    p = p / p.sum()
    return sorted(rng.choice(num_vq, p=p, size=rvq_sample, replace=False).tolist())


def setup_inputs(seed: int = 0) -> dict:
    key = jax.random.key(seed)
    ks = jax.random.split(key, 8)
    diffusion_starts = jax.random.normal(ks[0], (B, DIM, T), dtype=jnp.float32)
    target_latent_codes = jax.random.randint(ks[1], (B, NUM_VQ, T), 0, CODEBOOK_SIZE).astype(jnp.int32)
    embed = jax.random.normal(ks[2], (NUM_VQ, CODEBOOK_SIZE, DIM), dtype=jnp.float32)
    Win = jax.random.normal(ks[3], (NUM_VQ, DIM, DIM), dtype=jnp.float32) / np.sqrt(DIM)
    b_in = jnp.zeros((NUM_VQ, DIM), dtype=jnp.float32)
    Wout = jax.random.normal(ks[4], (NUM_VQ, DIM, DIM), dtype=jnp.float32) / np.sqrt(DIM)
    b_out = jnp.zeros((NUM_VQ, DIM), dtype=jnp.float32)
    return {
        "diffusion_starts": diffusion_starts,
        "target_latent_codes": target_latent_codes,
        "embed": embed,
        "Win": Win,
        "b_in": b_in,
        "Wout": Wout,
        "b_out": b_out,
    }


def reference(diffusion_starts, target_latent_codes, embed, Win, b_in, Wout, b_out):
    num_vq = embed.shape[0]
    sample_idx = _sample_indices(num_vq, RVQ_SAMPLE)
    residuals = diffusion_starts
    losses = []
    for l in range(num_vq):
        # project_in
        x = jnp.transpose(residuals, (0, 2, 1))  # B, T, D
        x = x @ Win[l] + b_in[l]
        e = embed[l]  # K, D
        # nearest-codebook quantization (euclidean)
        x2 = jnp.sum(x * x, axis=-1, keepdims=True)            # B, T, 1
        e2 = jnp.sum(e * e, axis=-1)                           # K
        xe = x @ e.T                                           # B, T, K
        dist = -(x2 - 2.0 * xe + e2[None, None, :])
        ind = jnp.argmax(dist, axis=-1)                        # B, T
        quant = jnp.take(e, ind, axis=0)                       # B, T, D
        # project_out
        quant = quant @ Wout[l] + b_out[l]
        quant = jnp.transpose(quant, (0, 2, 1))                # B, D, T
        residuals = residuals - jax.lax.stop_gradient(quant)
        if l in sample_idx:
            # logits = -mean((x - codebook)^2, dim=-1); expanded algebraically:
            # mean((x-c)^2) = (|x|^2 - 2 x.c + |c|^2) / D  (exact same math)
            e_sg = jax.lax.stop_gradient(e)
            e2_sg = jnp.sum(e_sg * e_sg, axis=-1)
            xe_sg = x @ e_sg.T
            logits = -(x2 - 2.0 * xe_sg + e2_sg[None, None, :]) / x.shape[-1]  # B, T, K
            logits = jnp.transpose(logits, (0, 2, 1))          # B, K, T
            logp = jax.nn.log_softmax(logits, axis=1)
            tgt = target_latent_codes[:, l, :]                 # B, T
            nll = -jnp.take_along_axis(logp, tgt[:, None, :], axis=1)[:, 0, :]
            losses.append(jnp.mean(nll))
    return jnp.mean(jnp.stack(losses))

if __name__ == "__main__":
    import jax
    _d = setup_inputs()
    print(jax.jit(kernel)(*tuple(_d.values())))

</pallas_src>

<mosaic_0001>
#map = affine_map<(d0, d1) -> (0, 0)>
module attributes {stable_mosaic.version = 14 : i64} {
  func.func @gk(%arg0: i32, %arg1: i32, %arg2: memref<8192x128xf32, #tpu.memory_space<hbm>>, %arg3: memref<1x24576xi32, #tpu.memory_space<hbm>>, %arg4: memref<24576x128xf32, #tpu.memory_space<hbm>>) attributes {dimension_semantics = [#tpu.dimension_semantics<core_parallel>, #tpu.dimension_semantics<subcore_parallel>], iteration_bounds = array<i64: 2, 16>, scalar_prefetch = 0 : i64, scratch_operands = 0 : i64, tpu.core_type = #tpu.core_type<sc_vector_subcore>, window_params = [{transform_indices = #map}, {transform_indices = #map}, {transform_indices = #map}]} {
    %mul3A = arith.constant 1 : i32
    %mul3A_0 = arith.muli %arg1, %mul3A : i32
    %add3A = arith.constant 0 : i32
    %add3A_1 = arith.addi %add3A, %mul3A_0 : i32
    %mul3A_2 = arith.constant 16 : i32
    %mul3A_3 = arith.muli %arg0, %mul3A_2 : i32
    %add3A_4 = arith.addi %add3A_1, %mul3A_3 : i32
    %mul3A_5 = arith.constant 6 : i32
    %mul3A_6 = arith.muli %add3A_4, %mul3A_5 : i32
    "tpu.region"() ({
      %run_scoped3A = memref.alloca() : memref<2x1x128xi32, #tpu.memory_space<vmem>>
      %run_scoped3A_7 = tpu.sem_alloc : memref<2x!tpu.dma_semaphore, #tpu.memory_space<semaphore_mem>>
      %run_scoped3A_8 = memref.alloca() : memref<2x128x128xf32, #tpu.memory_space<vmem>>
      %run_scoped3A_9 = tpu.sem_alloc : memref<2x!tpu.dma_semaphore, #tpu.memory_space<semaphore_mem>>
      %add3A_10 = arith.constant 0 : i32
      %add3A_11 = arith.addi %add3A_10, %mul3A_6 : i32
      %select_n3A = arith.constant true
      %select_n3A_12 = arith.constant 0 : i32
      %select_n3A_13 = arith.constant -1 : i32
      %select_n3A_14 = arith.select %select_n3A, %select_n3A_13, %select_n3A_12 : i32
      %eq3A = arith.constant -1 : i32
      %eq3A_15 = arith.cmpi eq, %select_n3A_14, %eq3A : i32
      %select_n3A_16 = arith.constant 5 : i32
      %select_n3A_17 = arith.select %eq3A_15, %select_n3A_16, %select_n3A_14 : i32
      %add3A_18 = arith.addi %select_n3A_17, %mul3A_6 : i32
      %select_n3A_19 = arith.constant true
      %select_n3A_20 = arith.constant 0 : i32
      %select_n3A_21 = arith.constant 1 : i32
      %select_n3A_22 = arith.select %select_n3A_19, %select_n3A_21, %select_n3A_20 : i32
      %eq3A_23 = arith.constant 6 : i32
      %eq3A_24 = arith.cmpi eq, %select_n3A_22, %eq3A_23 : i32
      %select_n3A_25 = arith.constant 0 : i32
      %select_n3A_26 = arith.select %eq3A_24, %select_n3A_25, %select_n3A_22 : i32
      %add3A_27 = arith.addi %select_n3A_26, %mul3A_6 : i32
      %add3A_28 = arith.constant 1 : i32
      %add3A_29 = arith.addi %select_n3A_26, %add3A_28 : i32
      %select_n3A_30 = arith.constant true
      %select_n3A_31 = arith.select %select_n3A_30, %add3A_29, %select_n3A_26 : i32
      %eq3A_32 = arith.constant 6 : i32
      %eq3A_33 = arith.cmpi eq, %select_n3A_31, %eq3A_32 : i32
      %select_n3A_34 = arith.constant 0 : i32
      %select_n3A_35 = arith.select %eq3A_33, %select_n3A_34, %select_n3A_31 : i32
      %add3A_36 = arith.addi %select_n3A_35, %mul3A_6 : i32
      "tpu.trace_start"() <{level = 10 : i32, message = "ep_initialize_0"}> : () -> ()
      %rem3A = arith.constant 0 : i32
      %rem3A_37 = arith.constant 2 : i32
      %rem3A_38 = arith.remui %rem3A, %rem3A_37 : i32
      %mul3A_39 = arith.constant 128 : i32
      %mul3A_40 = arith.muli %mul3A_39, %add3A_11 : i32
      %dma_start3A = arith.constant 0 : i32
      %dma_start3A_41 = arith.constant 0 : i32
      %dma_start3A_42 = tpu.memref_slice %run_scoped3A[%rem3A_38, %dma_start3A, %dma_start3A_41] : memref<2x1x128xi32, #tpu.memory_space<vmem>> -> memref<1x1x128xi32, #tpu.memory_space<vmem>>
      %dma_start3A_43 = tpu.memref_squeeze %dma_start3A_42 : memref<1x1x128xi32, #tpu.memory_space<vmem>> -> memref<1x128xi32, #tpu.memory_space<vmem>>
      %dma_start3A_44 = arith.constant 0 : i32
      %dma_start3A_45 = tpu.memref_slice %arg3[%dma_start3A_44, %mul3A_40] : memref<1x24576xi32, #tpu.memory_space<hbm>> -> memref<1x128xi32, #tpu.memory_space<hbm>>
      %dma_start3A_46 = tpu.memref_slice %run_scoped3A_7[%rem3A_38] : memref<2x!tpu.dma_semaphore, #tpu.memory_space<semaphore_mem>> -> memref<1x!tpu.dma_semaphore, #tpu.memory_space<semaphore_mem>>
      %dma_start3A_47 = tpu.memref_squeeze %dma_start3A_46 : memref<1x!tpu.dma_semaphore, #tpu.memory_space<semaphore_mem>> -> memref<!tpu.dma_semaphore, #tpu.memory_space<semaphore_mem>>
      %dma_start3A_48 = arith.constant 0 : i32
      %dma_start3A_49 = arith.constant 0 : i32
      %dma_start3A_50 = tpu.memref_slice %run_scoped3A[%rem3A_38, %dma_start3A_48, %dma_start3A_49] : memref<2x1x128xi32, #tpu.memory_space<vmem>> -> memref<1x1x128xi32, #tpu.memory_space<vmem>>
      %dma_start3A_51 = tpu.memref_squeeze %dma_start3A_50 : memref<1x1x128xi32, #tpu.memory_space<vmem>> -> memref<1x128xi32, #tpu.memory_space<vmem>>
      %dma_start3A_52 = arith.constant 0 : i32
      %dma_start3A_53 = tpu.memref_slice %arg3[%dma_start3A_52, %mul3A_40] : memref<1x24576xi32, #tpu.memory_space<hbm>> -> memref<1x128xi32, #tpu.memory_space<hbm>>
      tpu.enqueue_dma source(%dma_start3A_53 : memref<1x128xi32, #tpu.memory_space<hbm>>) target(%dma_start3A_51 : memref<1x128xi32, #tpu.memory_space<vmem>>) target_semaphore(%dma_start3A_47 : memref<!tpu.dma_semaphore, #tpu.memory_space<semaphore_mem>>)
      %add3A_54 = arith.constant 0 : i32
      %add3A_55 = arith.constant 1 : i32
      %add3A_56 = arith.addi %add3A_54, %add3A_55 : i32
      %select_n3A_57 = arith.constant true
      %select_n3A_58 = arith.constant 0 : i32
      %select_n3A_59 = arith.select %select_n3A_57, %add3A_56, %select_n3A_58 : i32
      "tpu.trace_stop"() : () -> ()
      %scan3A = arith.constant 0 : i32
      %scan3A_60 = arith.constant 0 : i32
      %scan3A_61 = arith.constant 0 : i32
      %scan3A_62 = arith.constant 0 : i32
      %scan3A_63 = arith.constant 0 : i32
      %scan3A_64 = arith.constant 6 : i32
      %scan3A_65 = arith.addi %scan3A_63, %scan3A_64 : i32
      %scan3A_66 = arith.constant 1 : i32
      %scan3A_67:5 = scf.for %scan3A_121 = %scan3A_63 to %scan3A_65 step %scan3A_66 iter_args(%scan3A_122 = %select_n3A_59, %scan3A_123 = %scan3A, %scan3A_124 = %scan3A_60, %scan3A_125 = %scan3A_61, %scan3A_126 = %scan3A_62) -> (i32, i32, i32, i32, i32)  : i32 {
        %eq3A_127 = arith.constant 0 : i32
        %eq3A_128 = arith.cmpi eq, %scan3A_121, %eq3A_127 : i32
        %eq3A_129 = arith.constant 5 : i32
        %eq3A_130 = arith.cmpi eq, %scan3A_121, %eq3A_129 : i32
        %add3A_131 = arith.addi %scan3A_126, %mul3A_6 : i32
        %sub3A_132 = arith.constant 1 : i32
        %sub3A_133 = arith.subi %scan3A_126, %sub3A_132 : i32
        %select_n3A_134 = arith.constant true
        %select_n3A_135 = arith.select %select_n3A_134, %sub3A_133, %scan3A_126 : i32
        %eq3A_136 = arith.constant -1 : i32
        %eq3A_137 = arith.cmpi eq, %select_n3A_135, %eq3A_136 : i32
        %select_n3A_138 = arith.constant 5 : i32
        %select_n3A_139 = arith.select %eq3A_137, %select_n3A_138, %select_n3A_135 : i32
        %add3A_140 = arith.addi %select_n3A_139, %mul3A_6 : i32
        %add3A_141 = arith.constant 1 : i32
        %add3A_142 = arith.addi %scan3A_126, %add3A_141 : i32
        %select_n3A_143 = arith.constant true
        %select_n3A_144 = arith.select %select_n3A_143, %add3A_142, %scan3A_126 : i32
        %eq3A_145 = arith.constant 6 : i32
        %eq3A_146 = arith.cmpi eq, %select_n3A_144, %eq3A_145 : i32
        %select_n3A_147 = arith.constant 0 : i32
        %select_n3A_148 = arith.select %eq3A_146, %select_n3A_147, %select_n3A_144 : i32
        %add3A_149 = arith.addi %select_n3A_148, %mul3A_6 : i32
        %add3A_150 = arith.constant 1 : i32
        %add3A_151 = arith.addi %select_n3A_148, %add3A_150 : i32
        %select_n3A_152 = arith.constant true
        %select_n3A_153 = arith.select %select_n3A_152, %add3A_151, %select_n3A_148 : i32
        %eq3A_154 = arith.constant 6 : i32
        %eq3A_155 = arith.cmpi eq, %select_n3A_153, %eq3A_154 : i32
        %select_n3A_156 = arith.constant 0 : i32
        %select_n3A_157 = arith.select %eq3A_155, %select_n3A_156, %select_n3A_153 : i32
        %add3A_158 = arith.addi %select_n3A_157, %mul3A_6 : i32
        %ne3A = arith.cmpi ne, %add3A_131, %add3A_149 : i32
        %or3A = arith.constant false
        %or3A_159 = arith.ori %or3A, %ne3A : i1
        %ge3A = arith.constant 5 : i32
        %ge3A_160 = arith.cmpi sge, %scan3A_121, %ge3A : i32
        %not3A = arith.constant true
        %not3A_161 = arith.xori %ge3A_160, %not3A : i1
        %and3A = arith.andi %or3A_159, %not3A_161 : i1
        %convert_element_type3A = arith.extui %and3A : i1 to i32
        %cond3A = arith.constant 0 : i32
        %cond3A_162 = arith.cmpi ne, %convert_element_type3A, %cond3A : i32
        scf.if %cond3A_162 {
          "tpu.trace_start"() <{level = 10 : i32, message = "ep_copy_in"}> : () -> ()
          %rem3A_264 = arith.constant 2 : i32
          %rem3A_265 = arith.remui %scan3A_122, %rem3A_264 : i32
          %mul3A_266 = arith.constant 128 : i32
          %mul3A_267 = arith.muli %mul3A_266, %add3A_149 : i32
          %dma_start3A_268 = arith.constant 0 : i32
          %dma_start3A_269 = arith.constant 0 : i32
          %dma_start3A_270 = tpu.memref_slice %run_scoped3A[%rem3A_265, %dma_start3A_268, %dma_start3A_269] : memref<2x1x128xi32, #tpu.memory_space<vmem>> -> memref<1x1x128xi32, #tpu.memory_space<vmem>>
          %dma_start3A_271 = tpu.memref_squeeze %dma_start3A_270 : memref<1x1x128xi32, #tpu.memory_space<vmem>> -> memref<1x128xi32, #tpu.memory_space<vmem>>
          %dma_start3A_272 = arith.constant 0 : i32
          %dma_start3A_273 = tpu.memref_slice %arg3[%dma_start3A_272, %mul3A_267] : memref<1x24576xi32, #tpu.memory_space<hbm>> -> memref<1x128xi32, #tpu.memory_space<hbm>>
          %dma_start3A_274 = tpu.memref_slice %run_scoped3A_7[%rem3A_265] : memref<2x!tpu.dma_semaphore, #tpu.memory_space<semaphore_mem>> -> memref<1x!tpu.dma_semaphore, #tpu.memory_space<semaphore_mem>>
          %dma_start3A_275 = tpu.memref_squeeze %dma_start3A_274 : memref<1x!tpu.dma_semaphore, #tpu.memory_space<semaphore_mem>> -> memref<!tpu.dma_semaphore, #tpu.memory_space<semaphore_mem>>
          %dma_start3A_276 = arith.constant 0 : i32
          %dma_start3A_277 = arith.constant 0 : i32
          %dma_start3A_278 = tpu.memref_slice %run_scoped3A[%rem3A_265, %dma_start3A_276, %dma_start3A_277] : memref<2x1x128xi32, #tpu.memory_space<vmem>> -> memref<1x1x128xi32, #tpu.memory_space<vmem>>
          %dma_start3A_279 = tpu.memref_squeeze %dma_start3A_278 : memref<1x1x128xi32, #tpu.memory_space<vmem>> -> memref<1x128xi32, #tpu.memory_space<vmem>>
          %dma_start3A_280 = arith.constant 0 : i32
          %dma_start3A_281 = tpu.memref_slice %arg3[%dma_start3A_280, %mul3A_267] : memref<1x24576xi32, #tpu.memory_space<hbm>> -> memref<1x128xi32, #tpu.memory_space<hbm>>
          tpu.enqueue_dma source(%dma_start3A_281 : memref<1x128xi32, #tpu.memory_space<hbm>>) target(%dma_start3A_279 : memref<1x128xi32, #tpu.memory_space<vmem>>) target_semaphore(%dma_start3A_275 : memref<!tpu.dma_semaphore, #tpu.memory_space<semaphore_mem>>)
          "tpu.trace_stop"() : () -> ()
        } else {
        }
        %and3A_163 = arith.constant true
        %and3A_164 = arith.andi %and3A, %and3A_163 : i1
        %add3A_165 = arith.constant 1 : i32
        %add3A_166 = arith.addi %scan3A_122, %add3A_165 : i32
        %select_n3A_167 = arith.select %and3A_164, %add3A_166, %scan3A_122 : i32
        %ne3A_168 = arith.cmpi ne, %add3A_131, %add3A_149 : i32
        %or3A_169 = arith.constant false
        %or3A_170 = arith.ori %or3A_169, %ne3A_168 : i1
        %or3A_171 = arith.constant false
        %or3A_172 = arith.ori %or3A_170, %or3A_171 : i1
        %ge3A_173 = arith.constant 5 : i32
        %ge3A_174 = arith.cmpi sge, %scan3A_121, %ge3A_173 : i32
        %not3A_175 = arith.constant true
        %not3A_176 = arith.xori %ge3A_174, %not3A_175 : i1
        %and3A_177 = arith.andi %or3A_172, %not3A_176 : i1
        %ne3A_178 = arith.cmpi ne, %add3A_131, %add3A_140 : i32
        %or3A_179 = arith.constant false
        %or3A_180 = arith.ori %or3A_179, %ne3A_178 : i1
        %or3A_181 = arith.ori %or3A_180, %eq3A_128 : i1
        %convert_element_type3A_182 = arith.extui %or3A_181 : i1 to i32
        %cond3A_183 = arith.constant 0 : i32
        %cond3A_184 = arith.cmpi ne, %convert_element_type3A_182, %cond3A_183 : i32
        scf.if %cond3A_184 {
          "tpu.trace_start"() <{level = 10 : i32, message = "ep_wait_in"}> : () -> ()
          %mul3A_264 = arith.constant 128 : i32
          %mul3A_265 = arith.muli %mul3A_264, %add3A_131 : i32
          %rem3A_266 = arith.constant 2 : i32
          %rem3A_267 = arith.remui %scan3A_123, %rem3A_266 : i32
          %dma_wait3A_268 = arith.constant 0 : i32
          %dma_wait3A_269 = arith.constant 0 : i32
          %dma_wait3A_270 = tpu.memref_slice %run_scoped3A[%rem3A_267, %dma_wait3A_268, %dma_wait3A_269] : memref<2x1x128xi32, #tpu.memory_space<vmem>> -> memref<1x1x128xi32, #tpu.memory_space<vmem>>
          %dma_wait3A_271 = tpu.memref_squeeze %dma_wait3A_270 : memref<1x1x128xi32, #tpu.memory_space<vmem>> -> memref<1x128xi32, #tpu.memory_space<vmem>>
          %dma_wait3A_272 = arith.constant 0 : i32
          %dma_wait3A_273 = tpu.memref_slice %arg3[%dma_wait3A_272, %mul3A_265] : memref<1x24576xi32, #tpu.memory_space<hbm>> -> memref<1x128xi32, #tpu.memory_space<hbm>>
          %dma_wait3A_274 = tpu.memref_slice %run_scoped3A_7[%rem3A_267] : memref<2x!tpu.dma_semaphore, #tpu.memory_space<semaphore_mem>> -> memref<1x!tpu.dma_semaphore, #tpu.memory_space<semaphore_mem>>
          %dma_wait3A_275 = tpu.memref_squeeze %dma_wait3A_274 : memref<1x!tpu.dma_semaphore, #tpu.memory_space<semaphore_mem>> -> memref<!tpu.dma_semaphore, #tpu.memory_space<semaphore_mem>>
          %dma_wait3A_276 = arith.constant 0 : i32
          %dma_wait3A_277 = arith.constant 0 : i32
          %dma_wait3A_278 = tpu.memref_slice %run_scoped3A[%rem3A_267, %dma_wait3A_276, %dma_wait3A_277] : memref<2x1x128xi32, #tpu.memory_space<vmem>> -> memref<1x1x128xi32, #tpu.memory_space<vmem>>
          %dma_wait3A_279 = tpu.memref_squeeze %dma_wait3A_278 : memref<1x1x128xi32, #tpu.memory_space<vmem>> -> memref<1x128xi32, #tpu.memory_space<vmem>>
          %dma_wait3A_280 = arith.constant 0 : i32
          %dma_wait3A_281 = tpu.memref_slice %arg3[%dma_wait3A_280, %mul3A_265] : memref<1x24576xi32, #tpu.memory_space<hbm>> -> memref<1x128xi32, #tpu.memory_space<hbm>>
          tpu.wait_dma2 semaphore(%dma_wait3A_275 : memref<!tpu.dma_semaphore, #tpu.memory_space<semaphore_mem>>) src(%dma_wait3A_281 : memref<1x128xi32, #tpu.memory_space<hbm>>) dst(%dma_wait3A_279 : memref<1x128xi32, #tpu.memory_space<vmem>>)
          "tpu.trace_stop"() : () -> ()
        } else {
        }
        %ne3A_185 = arith.cmpi ne, %add3A_131, %add3A_140 : i32
        %or3A_186 = arith.constant false
        %or3A_187 = arith.ori %or3A_186, %ne3A_185 : i1
        %or3A_188 = arith.constant false
        %or3A_189 = arith.ori %or3A_187, %or3A_188 : i1
        %or3A_190 = arith.ori %or3A_189, %eq3A_128 : i1
        %convert_element_type3A_191 = arith.extui %or3A_190 : i1 to i32
        %cond3A_192 = arith.constant 0 : i32
        %cond3A_193 = arith.cmpi ne, %convert_element_type3A_191, %cond3A_192 : i32
        scf.if %cond3A_193 {
        } else {
        }
        %rem3A_194 = arith.constant 2 : i32
        %rem3A_195 = arith.remui %scan3A_123, %rem3A_194 : i32
        %rem3A_196 = arith.constant 2 : i32
        %rem3A_197 = arith.remui %scan3A_124, %rem3A_196 : i32
        %run_scoped3A_198 = arith.constant 0 : i32
        "tpu.trace_start"() <{level = 10 : i32, message = "ep_run_kernel"}> : () -> ()
        "tpu.region"() ({
          %run_scoped3A_264 = tpu.sem_alloc : memref<!tpu.dma_semaphore, #tpu.memory_space<semaphore_mem>>
          %dma_start3A_265 = arith.constant 0 : i32
          %dma_start3A_266 = arith.constant 0 : i32
          %dma_start3A_267 = tpu.memref_slice %run_scoped3A_8[%rem3A_197, %dma_start3A_265, %dma_start3A_266] : memref<2x128x128xf32, #tpu.memory_space<vmem>> -> memref<1x128x128xf32, #tpu.memory_space<vmem>>
          %dma_start3A_268 = tpu.memref_squeeze %dma_start3A_267 : memref<1x128x128xf32, #tpu.memory_space<vmem>> -> memref<128x128xf32, #tpu.memory_space<vmem>>
          %dma_start3A_269 = arith.constant 0 : i32
          %dma_start3A_270 = arith.constant 0 : i32
          %dma_start3A_271 = tpu.memref_slice %run_scoped3A[%rem3A_195, %dma_start3A_269, %dma_start3A_270] : memref<2x1x128xi32, #tpu.memory_space<vmem>> -> memref<1x1x128xi32, #tpu.memory_space<vmem>>
          %dma_start3A_272 = tpu.memref_squeeze %dma_start3A_271 : memref<1x1x128xi32, #tpu.memory_space<vmem>> -> memref<1x128xi32, #tpu.memory_space<vmem>>
          %dma_start3A_273 = arith.constant 0 : i32
          %dma_start3A_274 = tpu.memref_slice %dma_start3A_272[%run_scoped3A_198, %dma_start3A_273] : memref<1x128xi32, #tpu.memory_space<vmem>> -> memref<1x128xi32, #tpu.memory_space<vmem>>
          %dma_start3A_275 = tpu.memref_squeeze %dma_start3A_274 : memref<1x128xi32, #tpu.memory_space<vmem>> -> memref<128xi32, #tpu.memory_space<vmem>>
          %dma_start3A_276 = arith.constant 0 : i32
          %dma_start3A_277 = arith.constant 0 : i32
          %dma_start3A_278 = tpu.memref_slice %arg2[%dma_start3A_276, %dma_start3A_277] : memref<8192x128xf32, #tpu.memory_space<hbm>> -> memref<8192x128xf32, #tpu.memory_space<hbm>>
          tpu.enqueue_indirect_dma source(%dma_start3A_278 : memref<8192x128xf32, #tpu.memory_space<hbm>>) target(%dma_start3A_268 : memref<128x128xf32, #tpu.memory_space<vmem>>) offsets(%dma_start3A_275 : memref<128xi32, #tpu.memory_space<vmem>>) semaphore(%run_scoped3A_264 : memref<!tpu.dma_semaphore, #tpu.memory_space<semaphore_mem>>)
          %dma_wait3A_279 = arith.constant 0 : i32
          %dma_wait3A_280 = arith.constant 0 : i32
          %dma_wait3A_281 = tpu.memref_slice %run_scoped3A_8[%rem3A_197, %dma_wait3A_279, %dma_wait3A_280] : memref<2x128x128xf32, #tpu.memory_space<vmem>> -> memref<1x128x128xf32, #tpu.memory_space<vmem>>
          %dma_wait3A_282 = tpu.memref_squeeze %dma_wait3A_281 : memref<1x128x128xf32, #tpu.memory_space<vmem>> -> memref<128x128xf32, #tpu.memory_space<vmem>>
          %dma_wait3A_283 = arith.constant 0 : i32
          %dma_wait3A_284 = arith.constant 0 : i32
          %dma_wait3A_285 = tpu.memref_slice %run_scoped3A[%rem3A_195, %dma_wait3A_283, %dma_wait3A_284] : memref<2x1x128xi32, #tpu.memory_space<vmem>> -> memref<1x1x128xi32, #tpu.memory_space<vmem>>
          %dma_wait3A_286 = tpu.memref_squeeze %dma_wait3A_285 : memref<1x1x128xi32, #tpu.memory_space<vmem>> -> memref<1x128xi32, #tpu.memory_space<vmem>>
          %dma_wait3A_287 = arith.constant 0 : i32
          %dma_wait3A_288 = tpu.memref_slice %dma_wait3A_286[%run_scoped3A_198, %dma_wait3A_287] : memref<1x128xi32, #tpu.memory_space<vmem>> -> memref<1x128xi32, #tpu.memory_space<vmem>>
          %dma_wait3A_289 = tpu.memref_squeeze %dma_wait3A_288 : memref<1x128xi32, #tpu.memory_space<vmem>> -> memref<128xi32, #tpu.memory_space<vmem>>
          %dma_wait3A_290 = arith.constant 0 : i32
          %dma_wait3A_291 = arith.constant 0 : i32
          %dma_wait3A_292 = tpu.memref_slice %arg2[%dma_wait3A_290, %dma_wait3A_291] : memref<8192x128xf32, #tpu.memory_space<hbm>> -> memref<8192x128xf32, #tpu.memory_space<hbm>>
          tpu.wait_indirect_dma semaphore(%run_scoped3A_264 : memref<!tpu.dma_semaphore, #tpu.memory_space<semaphore_mem>>) src(%dma_wait3A_292 : memref<8192x128xf32, #tpu.memory_space<hbm>>) dst(%dma_wait3A_282 : memref<128x128xf32, #tpu.memory_space<vmem>>)
          tpu.yield
        }) : () -> ()
        "tpu.trace_stop"() : () -> ()
        %ne3A_199 = arith.cmpi ne, %add3A_131, %add3A_149 : i32
        %or3A_200 = arith.constant false
        %or3A_201 = arith.ori %or3A_200, %ne3A_199 : i1
        %or3A_202 = arith.ori %or3A_201, %eq3A_130 : i1
        %convert_element_type3A_203 = arith.extui %or3A_202 : i1 to i32
        %cond3A_204 = arith.constant 0 : i32
        %cond3A_205 = arith.cmpi ne, %convert_element_type3A_203, %cond3A_204 : i32
        scf.if %cond3A_205 {
        } else {
        }
        %and3A_206 = arith.constant false
        %and3A_207 = arith.andi %or3A_202, %and3A_206 : i1
        %ne3A_208 = arith.cmpi ne, %add3A_131, %add3A_149 : i32
        %or3A_209 = arith.constant false
        %or3A_210 = arith.ori %or3A_209, %ne3A_208 : i1
        %or3A_211 = arith.constant false
        %or3A_212 = arith.ori %or3A_210, %or3A_211 : i1
        %or3A_213 = arith.ori %or3A_212, %eq3A_130 : i1
        %convert_element_type3A_214 = arith.extui %or3A_213 : i1 to i32
        %cond3A_215 = arith.constant 0 : i32
        %cond3A_216 = arith.cmpi ne, %convert_element_type3A_214, %cond3A_215 : i32
        scf.if %cond3A_216 {
          "tpu.trace_start"() <{level = 10 : i32, message = "ep_copy_out"}> : () -> ()
          %rem3A_264 = arith.constant 2 : i32
          %rem3A_265 = arith.remui %scan3A_124, %rem3A_264 : i32
          %mul3A_266 = arith.constant 128 : i32
          %mul3A_267 = arith.muli %mul3A_266, %add3A_131 : i32
          %dma_start3A_268 = arith.constant 0 : i32
          %dma_start3A_269 = arith.constant 0 : i32
          %dma_start3A_270 = tpu.memref_slice %run_scoped3A_8[%rem3A_265, %dma_start3A_268, %dma_start3A_269] : memref<2x128x128xf32, #tpu.memory_space<vmem>> -> memref<1x128x128xf32, #tpu.memory_space<vmem>>
          %dma_start3A_271 = tpu.memref_squeeze %dma_start3A_270 : memref<1x128x128xf32, #tpu.memory_space<vmem>> -> memref<128x128xf32, #tpu.memory_space<vmem>>
          %dma_start3A_272 = arith.constant 0 : i32
          %dma_start3A_273 = tpu.memref_slice %arg4[%mul3A_267, %dma_start3A_272] : memref<24576x128xf32, #tpu.memory_space<hbm>> -> memref<128x128xf32, #tpu.memory_space<hbm>>
          %dma_start3A_274 = tpu.memref_slice %run_scoped3A_9[%rem3A_265] : memref<2x!tpu.dma_semaphore, #tpu.memory_space<semaphore_mem>> -> memref<1x!tpu.dma_semaphore, #tpu.memory_space<semaphore_mem>>
          %dma_start3A_275 = tpu.memref_squeeze %dma_start3A_274 : memref<1x!tpu.dma_semaphore, #tpu.memory_space<semaphore_mem>> -> memref<!tpu.dma_semaphore, #tpu.memory_space<semaphore_mem>>
          %dma_start3A_276 = arith.constant 0 : i32
          %dma_start3A_277 = tpu.memref_slice %arg4[%mul3A_267, %dma_start3A_276] : memref<24576x128xf32, #tpu.memory_space<hbm>> -> memref<128x128xf32, #tpu.memory_space<hbm>>
          %dma_start3A_278 = arith.constant 0 : i32
          %dma_start3A_279 = arith.constant 0 : i32
          %dma_start3A_280 = tpu.memref_slice %run_scoped3A_8[%rem3A_265, %dma_start3A_278, %dma_start3A_279] : memref<2x128x128xf32, #tpu.memory_space<vmem>> -> memref<1x128x128xf32, #tpu.memory_space<vmem>>
          %dma_start3A_281 = tpu.memref_squeeze %dma_start3A_280 : memref<1x128x128xf32, #tpu.memory_space<vmem>> -> memref<128x128xf32, #tpu.memory_space<vmem>>
          tpu.enqueue_dma source(%dma_start3A_281 : memref<128x128xf32, #tpu.memory_space<vmem>>) target(%dma_start3A_277 : memref<128x128xf32, #tpu.memory_space<hbm>>) target_semaphore(%dma_start3A_275 : memref<!tpu.dma_semaphore, #tpu.memory_space<semaphore_mem>>)
          "tpu.trace_stop"() : () -> ()
        } else {
        }
        %and3A_217 = arith.constant true
        %and3A_218 = arith.andi %or3A_213, %and3A_217 : i1
        %add3A_219 = arith.constant 1 : i32
        %add3A_220 = arith.addi %scan3A_124, %add3A_219 : i32
        %select_n3A_221 = arith.select %and3A_218, %add3A_220, %scan3A_124 : i32
        %ne3A_222 = arith.cmpi ne, %add3A_131, %add3A_140 : i32
        %or3A_223 = arith.constant false
        %or3A_224 = arith.ori %or3A_223, %ne3A_222 : i1
        %not3A_225 = arith.constant true
        %not3A_226 = arith.xori %eq3A_128, %not3A_225 : i1
        %and3A_227 = arith.andi %or3A_224, %not3A_226 : i1
        %convert_element_type3A_228 = arith.extui %and3A_227 : i1 to i32
        %cond3A_229 = arith.constant 0 : i32
        %cond3A_230 = arith.cmpi ne, %convert_element_type3A_228, %cond3A_229 : i32
        scf.if %cond3A_230 {
        } else {
        }
        %and3A_231 = arith.constant false
        %and3A_232 = arith.andi %and3A_227, %and3A_231 : i1
        %ne3A_233 = arith.cmpi ne, %add3A_131, %add3A_140 : i32
        %or3A_234 = arith.constant false
        %or3A_235 = arith.ori %or3A_234, %ne3A_233 : i1
        %or3A_236 = arith.constant false
        %or3A_237 = arith.ori %or3A_235, %or3A_236 : i1
        %not3A_238 = arith.constant true
        %not3A_239 = arith.xori %eq3A_128, %not3A_238 : i1
        %and3A_240 = arith.andi %or3A_237, %not3A_239 : i1
        %convert_element_type3A_241 = arith.extui %and3A_240 : i1 to i32
        %cond3A_242 = arith.constant 0 : i32
        %cond3A_243 = arith.cmpi ne, %convert_element_type3A_241, %cond3A_242 : i32
        scf.if %cond3A_243 {
          "tpu.trace_start"() <{level = 10 : i32, message = "ep_wait_out"}> : () -> ()
          %rem3A_264 = arith.constant 2 : i32
          %rem3A_265 = arith.remui %scan3A_125, %rem3A_264 : i32
          %mul3A_266 = arith.constant 128 : i32
          %mul3A_267 = arith.muli %mul3A_266, %add3A_140 : i32
          %dma_wait3A_268 = arith.constant 0 : i32
          %dma_wait3A_269 = arith.constant 0 : i32
          %dma_wait3A_270 = tpu.memref_slice %run_scoped3A_8[%rem3A_265, %dma_wait3A_268, %dma_wait3A_269] : memref<2x128x128xf32, #tpu.memory_space<vmem>> -> memref<1x128x128xf32, #tpu.memory_space<vmem>>
          %dma_wait3A_271 = tpu.memref_squeeze %dma_wait3A_270 : memref<1x128x128xf32, #tpu.memory_space<vmem>> -> memref<128x128xf32, #tpu.memory_space<vmem>>
          %dma_wait3A_272 = arith.constant 0 : i32
          %dma_wait3A_273 = tpu.memref_slice %arg4[%mul3A_267, %dma_wait3A_272] : memref<24576x128xf32, #tpu.memory_space<hbm>> -> memref<128x128xf32, #tpu.memory_space<hbm>>
          %dma_wait3A_274 = tpu.memref_slice %run_scoped3A_9[%rem3A_265] : memref<2x!tpu.dma_semaphore, #tpu.memory_space<semaphore_mem>> -> memref<1x!tpu.dma_semaphore, #tpu.memory_space<semaphore_mem>>
          %dma_wait3A_275 = tpu.memref_squeeze %dma_wait3A_274 : memref<1x!tpu.dma_semaphore, #tpu.memory_space<semaphore_mem>> -> memref<!tpu.dma_semaphore, #tpu.memory_space<semaphore_mem>>
          %dma_wait3A_276 = arith.constant 0 : i32
          %dma_wait3A_277 = tpu.memref_slice %arg4[%mul3A_267, %dma_wait3A_276] : memref<24576x128xf32, #tpu.memory_space<hbm>> -> memref<128x128xf32, #tpu.memory_space<hbm>>
          %dma_wait3A_278 = arith.constant 0 : i32
          %dma_wait3A_279 = arith.constant 0 : i32
          %dma_wait3A_280 = tpu.memref_slice %run_scoped3A_8[%rem3A_265, %dma_wait3A_278, %dma_wait3A_279] : memref<2x128x128xf32, #tpu.memory_space<vmem>> -> memref<1x128x128xf32, #tpu.memory_space<vmem>>
          %dma_wait3A_281 = tpu.memref_squeeze %dma_wait3A_280 : memref<1x128x128xf32, #tpu.memory_space<vmem>> -> memref<128x128xf32, #tpu.memory_space<vmem>>
          tpu.wait_dma2 semaphore(%dma_wait3A_275 : memref<!tpu.dma_semaphore, #tpu.memory_space<semaphore_mem>>) src(%dma_wait3A_281 : memref<128x128xf32, #tpu.memory_space<vmem>>) dst(%dma_wait3A_277 : memref<128x128xf32, #tpu.memory_space<hbm>>)
          "tpu.trace_stop"() : () -> ()
        } else {
        }
        %and3A_244 = arith.constant true
        %and3A_245 = arith.andi %and3A_240, %and3A_244 : i1
        %add3A_246 = arith.constant 1 : i32
        %add3A_247 = arith.addi %scan3A_125, %add3A_246 : i32
        %select_n3A_248 = arith.select %and3A_245, %add3A_247, %scan3A_125 : i32
        %ne3A_249 = arith.cmpi ne, %add3A_131, %add3A_149 : i32
        %or3A_250 = arith.constant false
        %or3A_251 = arith.ori %or3A_250, %ne3A_249 : i1
        %or3A_252 = arith.ori %or3A_251, %eq3A_130 : i1
        %add3A_253 = arith.constant 1 : i32
        %add3A_254 = arith.addi %scan3A_123, %add3A_253 : i32
        %select_n3A_255 = arith.select %or3A_252, %add3A_254, %scan3A_123 : i32
        %add3A_256 = arith.constant 1 : i32
        %add3A_257 = arith.addi %scan3A_126, %add3A_256 : i32
        %select_n3A_258 = arith.constant true
        %select_n3A_259 = arith.select %select_n3A_258, %add3A_257, %scan3A_126 : i32
        %eq3A_260 = arith.constant 6 : i32
        %eq3A_261 = arith.cmpi eq, %select_n3A_259, %eq3A_260 : i32
        %select_n3A_262 = arith.constant 0 : i32
        %select_n3A_263 = arith.select %eq3A_261, %select_n3A_262, %select_n3A_259 : i32
        scf.yield %select_n3A_167, %select_n3A_255, %select_n3A_221, %select_n3A_248, %select_n3A_263 : i32, i32, i32, i32, i32
      }
      %scan3A_68 = arith.constant 6 : i32
      %sub3A = arith.constant 1 : i32
      %sub3A_69 = arith.subi %scan3A_67#4, %sub3A : i32
      %select_n3A_70 = arith.constant true
      %select_n3A_71 = arith.select %select_n3A_70, %sub3A_69, %scan3A_67#4 : i32
      %eq3A_72 = arith.constant -1 : i32
      %eq3A_73 = arith.cmpi eq, %select_n3A_71, %eq3A_72 : i32
      %select_n3A_74 = arith.constant 5 : i32
      %select_n3A_75 = arith.select %eq3A_73, %select_n3A_74, %select_n3A_71 : i32
      %add3A_76 = arith.addi %select_n3A_75, %mul3A_6 : i32
      %sub3A_77 = arith.constant 1 : i32
      %sub3A_78 = arith.subi %select_n3A_75, %sub3A_77 : i32
      %select_n3A_79 = arith.constant true
      %select_n3A_80 = arith.select %select_n3A_79, %sub3A_78, %select_n3A_75 : i32
      %eq3A_81 = arith.constant -1 : i32
      %eq3A_82 = arith.cmpi eq, %select_n3A_80, %eq3A_81 : i32
      %select_n3A_83 = arith.constant 5 : i32
      %select_n3A_84 = arith.select %eq3A_82, %select_n3A_83, %select_n3A_80 : i32
      %add3A_85 = arith.addi %select_n3A_84, %mul3A_6 : i32
      %add3A_86 = arith.constant 1 : i32
      %add3A_87 = arith.addi %select_n3A_75, %add3A_86 : i32
      %select_n3A_88 = arith.constant true
      %select_n3A_89 = arith.select %select_n3A_88, %add3A_87, %select_n3A_75 : i32
      %eq3A_90 = arith.constant 6 : i32
      %eq3A_91 = arith.cmpi eq, %select_n3A_89, %eq3A_90 : i32
      %select_n3A_92 = arith.constant 0 : i32
      %select_n3A_93 = arith.select %eq3A_91, %select_n3A_92, %select_n3A_89 : i32
      %add3A_94 = arith.addi %select_n3A_93, %mul3A_6 : i32
      %add3A_95 = arith.constant 1 : i32
      %add3A_96 = arith.addi %select_n3A_93, %add3A_95 : i32
      %select_n3A_97 = arith.constant true
      %select_n3A_98 = arith.select %select_n3A_97, %add3A_96, %select_n3A_93 : i32
      %eq3A_99 = arith.constant 6 : i32
      %eq3A_100 = arith.cmpi eq, %select_n3A_98, %eq3A_99 : i32
      %select_n3A_101 = arith.constant 0 : i32
      %select_n3A_102 = arith.select %eq3A_100, %select_n3A_101, %select_n3A_98 : i32
      %add3A_103 = arith.addi %select_n3A_102, %mul3A_6 : i32
      "tpu.trace_start"() <{level = 10 : i32, message = "ep_finalize"}> : () -> ()
      %rem3A_104 = arith.constant 2 : i32
      %rem3A_105 = arith.remui %scan3A_67#3, %rem3A_104 : i32
      %mul3A_106 = arith.constant 128 : i32
      %mul3A_107 = arith.muli %mul3A_106, %add3A_76 : i32
      %dma_wait3A = arith.constant 0 : i32
      %dma_wait3A_108 = arith.constant 0 : i32
      %dma_wait3A_109 = tpu.memref_slice %run_scoped3A_8[%rem3A_105, %dma_wait3A, %dma_wait3A_108] : memref<2x128x128xf32, #tpu.memory_space<vmem>> -> memref<1x128x128xf32, #tpu.memory_space<vmem>>
      %dma_wait3A_110 = tpu.memref_squeeze %dma_wait3A_109 : memref<1x128x128xf32, #tpu.memory_space<vmem>> -> memref<128x128xf32, #tpu.memory_space<vmem>>
      %dma_wait3A_111 = arith.constant 0 : i32
      %dma_wait3A_112 = tpu.memref_slice %arg4[%mul3A_107, %dma_wait3A_111] : memref<24576x128xf32, #tpu.memory_space<hbm>> -> memref<128x128xf32, #tpu.memory_space<hbm>>
      %dma_wait3A_113 = tpu.memref_slice %run_scoped3A_9[%rem3A_105] : memref<2x!tpu.dma_semaphore, #tpu.memory_space<semaphore_mem>> -> memref<1x!tpu.dma_semaphore, #tpu.memory_space<semaphore_mem>>
      %dma_wait3A_114 = tpu.memref_squeeze %dma_wait3A_113 : memref<1x!tpu.dma_semaphore, #tpu.memory_space<semaphore_mem>> -> memref<!tpu.dma_semaphore, #tpu.memory_space<semaphore_mem>>
      %dma_wait3A_115 = arith.constant 0 : i32
      %dma_wait3A_116 = tpu.memref_slice %arg4[%mul3A_107, %dma_wait3A_115] : memref<24576x128xf32, #tpu.memory_space<hbm>> -> memref<128x128xf32, #tpu.memory_space<hbm>>
      %dma_wait3A_117 = arith.constant 0 : i32
      %dma_wait3A_118 = arith.constant 0 : i32
      %dma_wait3A_119 = tpu.memref_slice %run_scoped3A_8[%rem3A_105, %dma_wait3A_117, %dma_wait3A_118] : memref<2x128x128xf32, #tpu.memory_space<vmem>> -> memref<1x128x128xf32, #tpu.memory_space<vmem>>
      %dma_wait3A_120 = tpu.memref_squeeze %dma_wait3A_119 : memref<1x128x128xf32, #tpu.memory_space<vmem>> -> memref<128x128xf32, #tpu.memory_space<vmem>>
      tpu.wait_dma2 semaphore(%dma_wait3A_114 : memref<!tpu.dma_semaphore, #tpu.memory_space<semaphore_mem>>) src(%dma_wait3A_120 : memref<128x128xf32, #tpu.memory_space<vmem>>) dst(%dma_wait3A_116 : memref<128x128xf32, #tpu.memory_space<hbm>>)
      "tpu.trace_stop"() : () -> ()
      tpu.yield
    }) : () -> ()
    return
  }
}

module attributes {stable_mosaic.version = 14 : i64} {
  func.func @_lambda_(%arg0: i32, %arg1: memref<1x128x1500xf32, #tpu.memory_space<vmem>>, %arg2: memref<4x1x1500x1xi32, #tpu.memory_space<vmem>>, %arg3: memref<4x1x1500x128xf32, #tpu.memory_space<vmem>>, %arg4: memref<7x1024x128xf32, #tpu.memory_space<vmem>>, %arg5: memref<7x128x128xf32, #tpu.memory_space<vmem>>, %arg6: memref<7x128xf32, #tpu.memory_space<vmem>>, %arg7: memref<6x128x128xf32, #tpu.memory_space<vmem>>, %arg8: memref<6x128xf32, #tpu.memory_space<vmem>>, %arg9: memref<1x1xf32, #tpu.memory_space<vmem>>, %arg10: memref<7x1024x136xbf16, #tpu.memory_space<vmem>>, %arg11: memref<6x1024x136xbf16, #tpu.memory_space<vmem>>, %arg12: memref<7x136x136xbf16, #tpu.memory_space<vmem>>, %arg13: memref<1x1xf32, #tpu.memory_space<vmem>>) attributes {dimension_semantics = [#tpu.dimension_semantics<arbitrary>], iteration_bounds = array<i64: 4>, scalar_prefetch = 0 : i64, scratch_operands = 4 : i64, tpu.core_type = #tpu.core_type<tc>, window_params = [{transform_indices = @transform_0, window_bounds = array<i64: 1, 128, 1500>}, {transform_indices = @transform_1, window_bounds = array<i64: 4, 1, 1500, 1>}, {transform_indices = @transform_2, window_bounds = array<i64: 4, 1, 1500, 128>}, {pipeline_mode = #tpu.pipeline_mode<synchronous>, transform_indices = @transform_3, window_bounds = array<i64: 7, 1024, 128>}, {pipeline_mode = #tpu.pipeline_mode<synchronous>, transform_indices = @transform_4, window_bounds = array<i64: 7, 128, 128>}, {pipeline_mode = #tpu.pipeline_mode<synchronous>, transform_indices = @transform_5, window_bounds = array<i64: 7, 128>}, {pipeline_mode = #tpu.pipeline_mode<synchronous>, transform_indices = @transform_6, window_bounds = array<i64: 6, 128, 128>}, {pipeline_mode = #tpu.pipeline_mode<synchronous>, transform_indices = @transform_7, window_bounds = array<i64: 6, 128>}, {pipeline_mode = #tpu.pipeline_mode<synchronous>, transform_indices = @transform_8, window_bounds = array<i64: 1, 1>}]} {
    %eq3A = arith.constant 0 : i32
    %eq3A_0 = arith.cmpi eq, %arg0, %eq3A : i32
    %convert_element_type3A = arith.extui %eq3A_0 : i1 to i32
    %cond3A = arith.constant 0 : i32
    %cond3A_1 = arith.cmpi ne, %convert_element_type3A, %cond3A : i32
    scf.if %cond3A_1 {
      %broadcast_in_dim3A_1000 = arith.constant 0.000000e+00 : f32
      %broadcast_in_dim3A_1001 = vector.broadcast %broadcast_in_dim3A_1000 : f32 to vector<1x1xf32>
      %swap3A_1002 = arith.constant 0 : index
      %swap3A_1003 = arith.constant 0 : index
      %swap3A_1004 = vector.load %arg13[%swap3A_1002, %swap3A_1003] : memref<1x1xf32, #tpu.memory_space<vmem>>, vector<1x1xf32>
      tpu.vector_store %arg13[%swap3A_1002, %swap3A_1003], %broadcast_in_dim3A_1001 {strides = array<i32>} : memref<1x1xf32, #tpu.memory_space<vmem>>, vector<1x1xf32>,
      %get3A_1005 = arith.constant 0 : index
      %get3A_1006 = arith.constant 0 : index
      %get3A_1007 = arith.constant 0 : index
      %get3A_1008 = vector.load %arg4[%get3A_1005, %get3A_1006, %get3A_1007] : memref<7x1024x128xf32, #tpu.memory_space<vmem>>, vector<1x1024x128xf32>
      %get3A_1009 = vector.shape_cast %get3A_1008 : vector<1x1024x128xf32> to vector<1024x128xf32>
      %mul3A_1010 = arith.mulf %get3A_1009, %get3A_1009 : vector<1024x128xf32>
      %reduce_sum3A_1011 = arith.constant dense<0.000000e+00> : vector<1024xf32>
      %reduce_sum3A_1012 = vector.multi_reduction <add>, %mul3A_1010, %reduce_sum3A_1011 [1] : vector<1024x128xf32> to vector<1024xf32>
      %broadcast_in_dim3A_1013 = vector.shape_cast %reduce_sum3A_1012 : vector<1024xf32> to vector<1024x1xf32>
      %mul3A_1014 = arith.constant -7.812500e-03 : f32
      %mul3A_1015 = vector.broadcast %mul3A_1014 : f32 to vector<1024x1xf32>
      %mul3A_1016 = arith.mulf %broadcast_in_dim3A_1013, %mul3A_1015 : vector<1024x1xf32>
      %convert_element_type3A_1017 = arith.truncf %get3A_1009 : vector<1024x128xf32> to vector<1024x128xbf16>
      %swap3A_1018 = arith.constant 0 : index
      %swap3A_1019 = arith.constant 0 : index
      %swap3A_1020 = arith.constant 0 : index
      %swap3A_1021 = vector.load %arg10[%swap3A_1018, %swap3A_1019, %swap3A_1020] : memref<7x1024x136xbf16, #tpu.memory_space<vmem>>, vector<1x1024x128xbf16>
      %swap3A_1022 = vector.shape_cast %swap3A_1021 : vector<1x1024x128xbf16> to vector<1024x128xbf16>
      %swap3A_1023 = vector.shape_cast %convert_element_type3A_1017 : vector<1024x128xbf16> to vector<1x1024x128xbf16>
      tpu.vector_store %arg10[%swap3A_1018, %swap3A_1019, %swap3A_1020], %swap3A_1023 {strides = array<i32>} : memref<7x1024x136xbf16, #tpu.memory_space<vmem>>, vector<1x1024x128xbf16>,
      %convert_element_type3A_1024 = arith.truncf %mul3A_1016 : vector<1024x1xf32> to vector<1024x1xbf16>
      %broadcast_in_dim3A_1025 = arith.constant 0.000000e+00 : bf16
      %broadcast_in_dim3A_1026 = vector.broadcast %broadcast_in_dim3A_1025 : bf16 to vector<1024x7xbf16>
      %concatenate3A_1027 = tpu.concatenate %convert_element_type3A_1024, %broadcast_in_dim3A_1026 in 1 : vector<1024x1xbf16>, vector<1024x7xbf16> -> vector<1024x8xbf16>
      %swap3A_1028 = arith.constant 0 : index
      %swap3A_1029 = arith.constant 0 : index
      %swap3A_1030 = arith.constant 128 : index
      %swap3A_1031 = vector.load %arg10[%swap3A_1028, %swap3A_1029, %swap3A_1030] : memref<7x1024x136xbf16, #tpu.memory_space<vmem>>, vector<1x1024x8xbf16>
      %swap3A_1032 = vector.shape_cast %swap3A_1031 : vector<1x1024x8xbf16> to vector<1024x8xbf16>
      %swap3A_1033 = vector.shape_cast %concatenate3A_1027 : vector<1024x8xbf16> to vector<1x1024x8xbf16>
      tpu.vector_store %arg10[%swap3A_1028, %swap3A_1029, %swap3A_1030], %swap3A_1033 {strides = array<i32>} : memref<7x1024x136xbf16, #tpu.memory_space<vmem>>, vector<1x1024x8xbf16>,
      %get3A_1034 = arith.constant 0 : index
      %get3A_1035 = arith.constant 0 : index
      %get3A_1036 = arith.constant 0 : index
      %get3A_1037 = vector.load %arg5[%get3A_1034, %get3A_1035, %get3A_1036] : memref<7x128x128xf32, #tpu.memory_space<vmem>>, vector<1x128x128xf32>
      %get3A_1038 = vector.shape_cast %get3A_1037 : vector<1x128x128xf32> to vector<128x128xf32>
      %mul3A_1039 = arith.constant 1.562500e-02 : f32
      %mul3A_1040 = vector.broadcast %mul3A_1039 : f32 to vector<128x128xf32>
      %mul3A_1041 = arith.mulf %get3A_1038, %mul3A_1040 : vector<128x128xf32>
      %convert_element_type3A_1042 = arith.truncf %mul3A_1041 : vector<128x128xf32> to vector<128x128xbf16>
      %swap3A_1043 = arith.constant 0 : index
      %swap3A_1044 = arith.constant 0 : index
      %swap3A_1045 = arith.constant 0 : index
      %swap3A_1046 = vector.load %arg12[%swap3A_1043, %swap3A_1044, %swap3A_1045] : memref<7x136x136xbf16, #tpu.memory_space<vmem>>, vector<1x128x128xbf16>
      %swap3A_1047 = vector.shape_cast %swap3A_1046 : vector<1x128x128xbf16> to vector<128x128xbf16>
      %swap3A_1048 = vector.shape_cast %convert_element_type3A_1042 : vector<128x128xbf16> to vector<1x128x128xbf16>
      tpu.vector_store %arg12[%swap3A_1043, %swap3A_1044, %swap3A_1045], %swap3A_1048 {strides = array<i32>} : memref<7x136x136xbf16, #tpu.memory_space<vmem>>, vector<1x128x128xbf16>,
      %get3A_1049 = arith.constant 0 : index
      %get3A_1050 = arith.constant 0 : index
      %get3A_1051 = vector.load %arg6[%get3A_1049, %get3A_1050] : memref<7x128xf32, #tpu.memory_space<vmem>>, vector<1x128xf32>
      %mul3A_1052 = arith.constant 1.562500e-02 : f32
      %mul3A_1053 = vector.broadcast %mul3A_1052 : f32 to vector<1x128xf32>
      %mul3A_1054 = arith.mulf %get3A_1051, %mul3A_1053 : vector<1x128xf32>
      %broadcast_in_dim3A_1055 = arith.constant 0.000000e+00 : f32
      %broadcast_in_dim3A_1056 = vector.broadcast %broadcast_in_dim3A_1055 : f32 to vector<7x128xf32>
      %concatenate3A_1057 = tpu.concatenate %mul3A_1054, %broadcast_in_dim3A_1056 in 0 : vector<1x128xf32>, vector<7x128xf32> -> vector<8x128xf32>
      %convert_element_type3A_1058 = arith.truncf %concatenate3A_1057 : vector<8x128xf32> to vector<8x128xbf16>
      %swap3A_1059 = arith.constant 0 : index
      %swap3A_1060 = arith.constant 128 : index
      %swap3A_1061 = arith.constant 0 : index
      %swap3A_1062 = vector.load %arg12[%swap3A_1059, %swap3A_1060, %swap3A_1061] : memref<7x136x136xbf16, #tpu.memory_space<vmem>>, vector<1x8x128xbf16>
      %swap3A_1063 = vector.shape_cast %swap3A_1062 : vector<1x8x128xbf16> to vector<8x128xbf16>
      %swap3A_1064 = vector.shape_cast %convert_element_type3A_1058 : vector<8x128xbf16> to vector<1x8x128xbf16>
      tpu.vector_store %arg12[%swap3A_1059, %swap3A_1060, %swap3A_1061], %swap3A_1064 {strides = array<i32>} : memref<7x136x136xbf16, #tpu.memory_space<vmem>>, vector<1x8x128xbf16>,
      %iota3A = tpu.iota {dimensions = array<i32: 0>} : vector<136x8xi32>
      %eq3A_1065 = arith.constant 128 : i32
      %eq3A_1066 = vector.broadcast %eq3A_1065 : i32 to vector<136x8xi32>
      %eq3A_1067 = arith.cmpi eq, %iota3A, %eq3A_1066 : vector<136x8xi32>
      %iota3A_1068 = tpu.iota {dimensions = array<i32: 1>} : vector<136x8xi32>
      %eq3A_1069 = arith.constant 0 : i32
      %eq3A_1070 = vector.broadcast %eq3A_1069 : i32 to vector<136x8xi32>
      %eq3A_1071 = arith.cmpi eq, %iota3A_1068, %eq3A_1070 : vector<136x8xi32>
      %and3A = arith.andi %eq3A_1067, %eq3A_1071 : vector<136x8xi1>
      %convert_element_type3A_1072 = arith.extui %and3A : vector<136x8xi1> to vector<136x8xi32>
      %convert_element_type3A_1073 = arith.sitofp %convert_element_type3A_1072 : vector<136x8xi32> to vector<136x8xf32>
      %convert_element_type3A_1074 = arith.truncf %convert_element_type3A_1073 : vector<136x8xf32> to vector<136x8xbf16>
      %swap3A_1075 = arith.constant 0 : index
      %swap3A_1076 = arith.constant 0 : index
      %swap3A_1077 = arith.constant 128 : index
      %swap3A_1078 = vector.load %arg12[%swap3A_1075, %swap3A_1076, %swap3A_1077] : memref<7x136x136xbf16, #tpu.memory_space<vmem>>, vector<1x136x8xbf16>
      %swap3A_1079 = vector.shape_cast %swap3A_1078 : vector<1x136x8xbf16> to vector<136x8xbf16>
      %swap3A_1080 = vector.shape_cast %convert_element_type3A_1074 : vector<136x8xbf16> to vector<1x136x8xbf16>
      tpu.vector_store %arg12[%swap3A_1075, %swap3A_1076, %swap3A_1077], %swap3A_1080 {strides = array<i32>} : memref<7x136x136xbf16, #tpu.memory_space<vmem>>, vector<1x136x8xbf16>,
      %get3A_1081 = arith.constant 1 : index
      %get3A_1082 = arith.constant 0 : index
      %get3A_1083 = arith.constant 0 : index
      %get3A_1084 = vector.load %arg4[%get3A_1081, %get3A_1082, %get3A_1083] : memref<7x1024x128xf32, #tpu.memory_space<vmem>>, vector<1x1024x128xf32>
      %get3A_1085 = vector.shape_cast %get3A_1084 : vector<1x1024x128xf32> to vector<1024x128xf32>
      %mul3A_1086 = arith.mulf %get3A_1085, %get3A_1085 : vector<1024x128xf32>
      %reduce_sum3A_1087 = arith.constant dense<0.000000e+00> : vector<1024xf32>
      %reduce_sum3A_1088 = vector.multi_reduction <add>, %mul3A_1086, %reduce_sum3A_1087 [1] : vector<1024x128xf32> to vector<1024xf32>
      %broadcast_in_dim3A_1089 = vector.shape_cast %reduce_sum3A_1088 : vector<1024xf32> to vector<1024x1xf32>
      %mul3A_1090 = arith.constant -7.812500e-03 : f32
      %mul3A_1091 = vector.broadcast %mul3A_1090 : f32 to vector<1024x1xf32>
      %mul3A_1092 = arith.mulf %broadcast_in_dim3A_1089, %mul3A_1091 : vector<1024x1xf32>
      %convert_element_type3A_1093 = arith.truncf %get3A_1085 : vector<1024x128xf32> to vector<1024x128xbf16>
      %swap3A_1094 = arith.constant 1 : index
      %swap3A_1095 = arith.constant 0 : index
      %swap3A_1096 = arith.constant 0 : index
      %swap3A_1097 = vector.load %arg10[%swap3A_1094, %swap3A_1095, %swap3A_1096] : memref<7x1024x136xbf16, #tpu.memory_space<vmem>>, vector<1x1024x128xbf16>
      %swap3A_1098 = vector.shape_cast %swap3A_1097 : vector<1x1024x128xbf16> to vector<1024x128xbf16>
      %swap3A_1099 = vector.shape_cast %convert_element_type3A_1093 : vector<1024x128xbf16> to vector<1x1024x128xbf16>
      tpu.vector_store %arg10[%swap3A_1094, %swap3A_1095, %swap3A_1096], %swap3A_1099 {strides = array<i32>} : memref<7x1024x136xbf16, #tpu.memory_space<vmem>>, vector<1x1024x128xbf16>,
      %convert_element_type3A_1100 = arith.truncf %mul3A_1092 : vector<1024x1xf32> to vector<1024x1xbf16>
      %broadcast_in_dim3A_1101 = arith.constant 0.000000e+00 : bf16
      %broadcast_in_dim3A_1102 = vector.broadcast %broadcast_in_dim3A_1101 : bf16 to vector<1024x7xbf16>
      %concatenate3A_1103 = tpu.concatenate %convert_element_type3A_1100, %broadcast_in_dim3A_1102 in 1 : vector<1024x1xbf16>, vector<1024x7xbf16> -> vector<1024x8xbf16>
      %swap3A_1104 = arith.constant 1 : index
      %swap3A_1105 = arith.constant 0 : index
      %swap3A_1106 = arith.constant 128 : index
      %swap3A_1107 = vector.load %arg10[%swap3A_1104, %swap3A_1105, %swap3A_1106] : memref<7x1024x136xbf16, #tpu.memory_space<vmem>>, vector<1x1024x8xbf16>
      %swap3A_1108 = vector.shape_cast %swap3A_1107 : vector<1x1024x8xbf16> to vector<1024x8xbf16>
      %swap3A_1109 = vector.shape_cast %concatenate3A_1103 : vector<1024x8xbf16> to vector<1x1024x8xbf16>
      tpu.vector_store %arg10[%swap3A_1104, %swap3A_1105, %swap3A_1106], %swap3A_1109 {strides = array<i32>} : memref<7x1024x136xbf16, #tpu.memory_space<vmem>>, vector<1x1024x8xbf16>,
      %get3A_1110 = arith.constant 1 : index
      %get3A_1111 = arith.constant 0 : index
      %get3A_1112 = arith.constant 0 : index
      %get3A_1113 = vector.load %arg5[%get3A_1110, %get3A_1111, %get3A_1112] : memref<7x128x128xf32, #tpu.memory_space<vmem>>, vector<1x128x128xf32>
      %get3A_1114 = vector.shape_cast %get3A_1113 : vector<1x128x128xf32> to vector<128x128xf32>
      %mul3A_1115 = arith.constant 1.562500e-02 : f32
      %mul3A_1116 = vector.broadcast %mul3A_1115 : f32 to vector<128x128xf32>
      %mul3A_1117 = arith.mulf %get3A_1114, %mul3A_1116 : vector<128x128xf32>
      %convert_element_type3A_1118 = arith.truncf %mul3A_1117 : vector<128x128xf32> to vector<128x128xbf16>
      %swap3A_1119 = arith.constant 1 : index
      %swap3A_1120 = arith.constant 0 : index
      %swap3A_1121 = arith.constant 0 : index
      %swap3A_1122 = vector.load %arg12[%swap3A_1119, %swap3A_1120, %swap3A_1121] : memref<7x136x136xbf16, #tpu.memory_space<vmem>>, vector<1x128x128xbf16>
      %swap3A_1123 = vector.shape_cast %swap3A_1122 : vector<1x128x128xbf16> to vector<128x128xbf16>
      %swap3A_1124 = vector.shape_cast %convert_element_type3A_1118 : vector<128x128xbf16> to vector<1x128x128xbf16>
      tpu.vector_store %arg12[%swap3A_1119, %swap3A_1120, %swap3A_1121], %swap3A_1124 {strides = array<i32>} : memref<7x136x136xbf16, #tpu.memory_space<vmem>>, vector<1x128x128xbf16>,
      %get3A_1125 = arith.constant 1 : index
      %get3A_1126 = arith.constant 0 : index
      %get3A_1127 = vector.load %arg6[%get3A_1125, %get3A_1126] : memref<7x128xf32, #tpu.memory_space<vmem>>, vector<1x128xf32>
      %mul3A_1128 = arith.constant 1.562500e-02 : f32
      %mul3A_1129 = vector.broadcast %mul3A_1128 : f32 to vector<1x128xf32>
      %mul3A_1130 = arith.mulf %get3A_1127, %mul3A_1129 : vector<1x128xf32>
      %broadcast_in_dim3A_1131 = arith.constant 0.000000e+00 : f32
      %broadcast_in_dim3A_1132 = vector.broadcast %broadcast_in_dim3A_1131 : f32 to vector<7x128xf32>
      %concatenate3A_1133 = tpu.concatenate %mul3A_1130, %broadcast_in_dim3A_1132 in 0 : vector<1x128xf32>, vector<7x128xf32> -> vector<8x128xf32>
      %convert_element_type3A_1134 = arith.truncf %concatenate3A_1133 : vector<8x128xf32> to vector<8x128xbf16>
      %swap3A_1135 = arith.constant 1 : index
      %swap3A_1136 = arith.constant 128 : index
      %swap3A_1137 = arith.constant 0 : index
      %swap3A_1138 = vector.load %arg12[%swap3A_1135, %swap3A_1136, %swap3A_1137] : memref<7x136x136xbf16, #tpu.memory_space<vmem>>, vector<1x8x128xbf16>
      %swap3A_1139 = vector.shape_cast %swap3A_1138 : vector<1x8x128xbf16> to vector<8x128xbf16>
      %swap3A_1140 = vector.shape_cast %convert_element_type3A_1134 : vector<8x128xbf16> to vector<1x8x128xbf16>
      tpu.vector_store %arg12[%swap3A_1135, %swap3A_1136, %swap3A_1137], %swap3A_1140 {strides = array<i32>} : memref<7x136x136xbf16, #tpu.memory_space<vmem>>, vector<1x8x128xbf16>,
      %iota3A_1141 = tpu.iota {dimensions = array<i32: 0>} : vector<136x8xi32>
      %eq3A_1142 = arith.constant 128 : i32
      %eq3A_1143 = vector.broadcast %eq3A_1142 : i32 to vector<136x8xi32>
      %eq3A_1144 = arith.cmpi eq, %iota3A_1141, %eq3A_1143 : vector<136x8xi32>
      %iota3A_1145 = tpu.iota {dimensions = array<i32: 1>} : vector<136x8xi32>
      %eq3A_1146 = arith.constant 0 : i32
      %eq3A_1147 = vector.broadcast %eq3A_1146 : i32 to vector<136x8xi32>
      %eq3A_1148 = arith.cmpi eq, %iota3A_1145, %eq3A_1147 : vector<136x8xi32>
      %and3A_1149 = arith.andi %eq3A_1144, %eq3A_1148 : vector<136x8xi1>
      %convert_element_type3A_1150 = arith.extui %and3A_1149 : vector<136x8xi1> to vector<136x8xi32>
      %convert_element_type3A_1151 = arith.sitofp %convert_element_type3A_1150 : vector<136x8xi32> to vector<136x8xf32>
      %convert_element_type3A_1152 = arith.truncf %convert_element_type3A_1151 : vector<136x8xf32> to vector<136x8xbf16>
      %swap3A_1153 = arith.constant 1 : index
      %swap3A_1154 = arith.constant 0 : index
      %swap3A_1155 = arith.constant 128 : index
      %swap3A_1156 = vector.load %arg12[%swap3A_1153, %swap3A_1154, %swap3A_1155] : memref<7x136x136xbf16, #tpu.memory_space<vmem>>, vector<1x136x8xbf16>
      %swap3A_1157 = vector.shape_cast %swap3A_1156 : vector<1x136x8xbf16> to vector<136x8xbf16>
      %swap3A_1158 = vector.shape_cast %convert_element_type3A_1152 : vector<136x8xbf16> to vector<1x136x8xbf16>
      tpu.vector_store %arg12[%swap3A_1153, %swap3A_1154, %swap3A_1155], %swap3A_1158 {strides = array<i32>} : memref<7x136x136xbf16, #tpu.memory_space<vmem>>, vector<1x136x8xbf16>,
      %get3A_1159 = arith.constant 2 : index
      %get3A_1160 = arith.constant 0 : index
      %get3A_1161 = arith.constant 0 : index
      %get3A_1162 = vector.load %arg4[%get3A_1159, %get3A_1160, %get3A_1161] : memref<7x1024x128xf32, #tpu.memory_space<vmem>>, vector<1x1024x128xf32>
      %get3A_1163 = vector.shape_cast %get3A_1162 : vector<1x1024x128xf32> to vector<1024x128xf32>
      %mul3A_1164 = arith.mulf %get3A_1163, %get3A_1163 : vector<1024x128xf32>
      %reduce_sum3A_1165 = arith.constant dense<0.000000e+00> : vector<1024xf32>
      %reduce_sum3A_1166 = vector.multi_reduction <add>, %mul3A_1164, %reduce_sum3A_1165 [1] : vector<1024x128xf32> to vector<1024xf32>
      %broadcast_in_dim3A_1167 = vector.shape_cast %reduce_sum3A_1166 : vector<1024xf32> to vector<1024x1xf32>
      %mul3A_1168 = arith.constant -7.812500e-03 : f32
      %mul3A_1169 = vector.broadcast %mul3A_1168 : f32 to vector<1024x1xf32>
      %mul3A_1170 = arith.mulf %broadcast_in_dim3A_1167, %mul3A_1169 : vector<1024x1xf32>
      %convert_element_type3A_1171 = arith.truncf %get3A_1163 : vector<1024x128xf32> to vector<1024x128xbf16>
      %swap3A_1172 = arith.constant 2 : index
      %swap3A_1173 = arith.constant 0 : index
      %swap3A_1174 = arith.constant 0 : index
      %swap3A_1175 = vector.load %arg10[%swap3A_1172, %swap3A_1173, %swap3A_1174] : memref<7x1024x136xbf16, #tpu.memory_space<vmem>>, vector<1x1024x128xbf16>
      %swap3A_1176 = vector.shape_cast %swap3A_1175 : vector<1x1024x128xbf16> to vector<1024x128xbf16>
      %swap3A_1177 = vector.shape_cast %convert_element_type3A_1171 : vector<1024x128xbf16> to vector<1x1024x128xbf16>
      tpu.vector_store %arg10[%swap3A_1172, %swap3A_1173, %swap3A_1174], %swap3A_1177 {strides = array<i32>} : memref<7x1024x136xbf16, #tpu.memory_space<vmem>>, vector<1x1024x128xbf16>,
      %convert_element_type3A_1178 = arith.truncf %mul3A_1170 : vector<1024x1xf32> to vector<1024x1xbf16>
      %broadcast_in_dim3A_1179 = arith.constant 0.000000e+00 : bf16
      %broadcast_in_dim3A_1180 = vector.broadcast %broadcast_in_dim3A_1179 : bf16 to vector<1024x7xbf16>
      %concatenate3A_1181 = tpu.concatenate %convert_element_type3A_1178, %broadcast_in_dim3A_1180 in 1 : vector<1024x1xbf16>, vector<1024x7xbf16> -> vector<1024x8xbf16>
      %swap3A_1182 = arith.constant 2 : index
      %swap3A_1183 = arith.constant 0 : index
      %swap3A_1184 = arith.constant 128 : index
      %swap3A_1185 = vector.load %arg10[%swap3A_1182, %swap3A_1183, %swap3A_1184] : memref<7x1024x136xbf16, #tpu.memory_space<vmem>>, vector<1x1024x8xbf16>
      %swap3A_1186 = vector.shape_cast %swap3A_1185 : vector<1x1024x8xbf16> to vector<1024x8xbf16>
      %swap3A_1187 = vector.shape_cast %concatenate3A_1181 : vector<1024x8xbf16> to vector<1x1024x8xbf16>
      tpu.vector_store %arg10[%swap3A_1182, %swap3A_1183, %swap3A_1184], %swap3A_1187 {strides = array<i32>} : memref<7x1024x136xbf16, #tpu.memory_space<vmem>>, vector<1x1024x8xbf16>,
      %get3A_1188 = arith.constant 2 : index
      %get3A_1189 = arith.constant 0 : index
      %get3A_1190 = arith.constant 0 : index
      %get3A_1191 = vector.load %arg5[%get3A_1188, %get3A_1189, %get3A_1190] : memref<7x128x128xf32, #tpu.memory_space<vmem>>, vector<1x128x128xf32>
      %get3A_1192 = vector.shape_cast %get3A_1191 : vector<1x128x128xf32> to vector<128x128xf32>
      %mul3A_1193 = arith.constant 1.562500e-02 : f32
      %mul3A_1194 = vector.broadcast %mul3A_1193 : f32 to vector<128x128xf32>
      %mul3A_1195 = arith.mulf %get3A_1192, %mul3A_1194 : vector<128x128xf32>
      %convert_element_type3A_1196 = arith.truncf %mul3A_1195 : vector<128x128xf32> to vector<128x128xbf16>
      %swap3A_1197 = arith.constant 2 : index
      %swap3A_1198 = arith.constant 0 : index
      %swap3A_1199 = arith.constant 0 : index
      %swap3A_1200 = vector.load %arg12[%swap3A_1197, %swap3A_1198, %swap3A_1199] : memref<7x136x136xbf16, #tpu.memory_space<vmem>>, vector<1x128x128xbf16>
      %swap3A_1201 = vector.shape_cast %swap3A_1200 : vector<1x128x128xbf16> to vector<128x128xbf16>
      %swap3A_1202 = vector.shape_cast %convert_element_type3A_1196 : vector<128x128xbf16> to vector<1x128x128xbf16>
      tpu.vector_store %arg12[%swap3A_1197, %swap3A_1198, %swap3A_1199], %swap3A_1202 {strides = array<i32>} : memref<7x136x136xbf16, #tpu.memory_space<vmem>>, vector<1x128x128xbf16>,
      %get3A_1203 = arith.constant 2 : index
      %get3A_1204 = arith.constant 0 : index
      %get3A_1205 = vector.load %arg6[%get3A_1203, %get3A_1204] : memref<7x128xf32, #tpu.memory_space<vmem>>, vector<1x128xf32>
      %mul3A_1206 = arith.constant 1.562500e-02 : f32
      %mul3A_1207 = vector.broadcast %mul3A_1206 : f32 to vector<1x128xf32>
      %mul3A_1208 = arith.mulf %get3A_1205, %mul3A_1207 : vector<1x128xf32>
      %broadcast_in_dim3A_1209 = arith.constant 0.000000e+00 : f32
      %broadcast_in_dim3A_1210 = vector.broadcast %broadcast_in_dim3A_1209 : f32 to vector<7x128xf32>
      %concatenate3A_1211 = tpu.concatenate %mul3A_1208, %broadcast_in_dim3A_1210 in 0 : vector<1x128xf32>, vector<7x128xf32> -> vector<8x128xf32>
      %convert_element_type3A_1212 = arith.truncf %concatenate3A_1211 : vector<8x128xf32> to vector<8x128xbf16>
      %swap3A_1213 = arith.constant 2 : index
      %swap3A_1214 = arith.constant 128 : index
      %swap3A_1215 = arith.constant 0 : index
      %swap3A_1216 = vector.load %arg12[%swap3A_1213, %swap3A_1214, %swap3A_1215] : memref<7x136x136xbf16, #tpu.memory_space<vmem>>, vector<1x8x128xbf16>
      %swap3A_1217 = vector.shape_cast %swap3A_1216 : vector<1x8x128xbf16> to vector<8x128xbf16>
      %swap3A_1218 = vector.shape_cast %convert_element_type3A_1212 : vector<8x128xbf16> to vector<1x8x128xbf16>
      tpu.vector_store %arg12[%swap3A_1213, %swap3A_1214, %swap3A_1215], %swap3A_1218 {strides = array<i32>} : memref<7x136x136xbf16, #tpu.memory_space<vmem>>, vector<1x8x128xbf16>,
      %iota3A_1219 = tpu.iota {dimensions = array<i32: 0>} : vector<136x8xi32>
      %eq3A_1220 = arith.constant 128 : i32
      %eq3A_1221 = vector.broadcast %eq3A_1220 : i32 to vector<136x8xi32>
      %eq3A_1222 = arith.cmpi eq, %iota3A_1219, %eq3A_1221 : vector<136x8xi32>
      %iota3A_1223 = tpu.iota {dimensions = array<i32: 1>} : vector<136x8xi32>
      %eq3A_1224 = arith.constant 0 : i32
      %eq3A_1225 = vector.broadcast %eq3A_1224 : i32 to vector<136x8xi32>
      %eq3A_1226 = arith.cmpi eq, %iota3A_1223, %eq3A_1225 : vector<136x8xi32>
      %and3A_1227 = arith.andi %eq3A_1222, %eq3A_1226 : vector<136x8xi1>
      %convert_element_type3A_1228 = arith.extui %and3A_1227 : vector<136x8xi1> to vector<136x8xi32>
      %convert_element_type3A_1229 = arith.sitofp %convert_element_type3A_1228 : vector<136x8xi32> to vector<136x8xf32>
      %convert_element_type3A_1230 = arith.truncf %convert_element_type3A_1229 : vector<136x8xf32> to vector<136x8xbf16>
      %swap3A_1231 = arith.constant 2 : index
      %swap3A_1232 = arith.constant 0 : index
      %swap3A_1233 = arith.constant 128 : index
      %swap3A_1234 = vector.load %arg12[%swap3A_1231, %swap3A_1232, %swap3A_1233] : memref<7x136x136xbf16, #tpu.memory_space<vmem>>, vector<1x136x8xbf16>
      %swap3A_1235 = vector.shape_cast %swap3A_1234 : vector<1x136x8xbf16> to vector<136x8xbf16>
      %swap3A_1236 = vector.shape_cast %convert_element_type3A_1230 : vector<136x8xbf16> to vector<1x136x8xbf16>
      tpu.vector_store %arg12[%swap3A_1231, %swap3A_1232, %swap3A_1233], %swap3A_1236 {strides = array<i32>} : memref<7x136x136xbf16, #tpu.memory_space<vmem>>, vector<1x136x8xbf16>,
      %get3A_1237 = arith.constant 3 : index
      %get3A_1238 = arith.constant 0 : index
      %get3A_1239 = arith.constant 0 : index
      %get3A_1240 = vector.load %arg4[%get3A_1237, %get3A_1238, %get3A_1239] : memref<7x1024x128xf32, #tpu.memory_space<vmem>>, vector<1x1024x128xf32>
      %get3A_1241 = vector.shape_cast %get3A_1240 : vector<1x1024x128xf32> to vector<1024x128xf32>
      %mul3A_1242 = arith.mulf %get3A_1241, %get3A_1241 : vector<1024x128xf32>
      %reduce_sum3A_1243 = arith.constant dense<0.000000e+00> : vector<1024xf32>
      %reduce_sum3A_1244 = vector.multi_reduction <add>, %mul3A_1242, %reduce_sum3A_1243 [1] : vector<1024x128xf32> to vector<1024xf32>
      %broadcast_in_dim3A_1245 = vector.shape_cast %reduce_sum3A_1244 : vector<1024xf32> to vector<1024x1xf32>
      %mul3A_1246 = arith.constant -7.812500e-03 : f32
      %mul3A_1247 = vector.broadcast %mul3A_1246 : f32 to vector<1024x1xf32>
      %mul3A_1248 = arith.mulf %broadcast_in_dim3A_1245, %mul3A_1247 : vector<1024x1xf32>
      %convert_element_type3A_1249 = arith.truncf %get3A_1241 : vector<1024x128xf32> to vector<1024x128xbf16>
      %swap3A_1250 = arith.constant 3 : index
      %swap3A_1251 = arith.constant 0 : index
      %swap3A_1252 = arith.constant 0 : index
      %swap3A_1253 = vector.load %arg10[%swap3A_1250, %swap3A_1251, %swap3A_1252] : memref<7x1024x136xbf16, #tpu.memory_space<vmem>>, vector<1x1024x128xbf16>
      %swap3A_1254 = vector.shape_cast %swap3A_1253 : vector<1x1024x128xbf16> to vector<1024x128xbf16>
      %swap3A_1255 = vector.shape_cast %convert_element_type3A_1249 : vector<1024x128xbf16> to vector<1x1024x128xbf16>
      tpu.vector_store %arg10[%swap3A_1250, %swap3A_1251, %swap3A_1252], %swap3A_1255 {strides = array<i32>} : memref<7x1024x136xbf16, #tpu.memory_space<vmem>>, vector<1x1024x128xbf16>,
      %convert_element_type3A_1256 = arith.truncf %mul3A_1248 : vector<1024x1xf32> to vector<1024x1xbf16>
      %broadcast_in_dim3A_1257 = arith.constant 0.000000e+00 : bf16
      %broadcast_in_dim3A_1258 = vector.broadcast %broadcast_in_dim3A_1257 : bf16 to vector<1024x7xbf16>
      %concatenate3A_1259 = tpu.concatenate %convert_element_type3A_1256, %broadcast_in_dim3A_1258 in 1 : vector<1024x1xbf16>, vector<1024x7xbf16> -> vector<1024x8xbf16>
      %swap3A_1260 = arith.constant 3 : index
      %swap3A_1261 = arith.constant 0 : index
      %swap3A_1262 = arith.constant 128 : index
      %swap3A_1263 = vector.load %arg10[%swap3A_1260, %swap3A_1261, %swap3A_1262] : memref<7x1024x136xbf16, #tpu.memory_space<vmem>>, vector<1x1024x8xbf16>
      %swap3A_1264 = vector.shape_cast %swap3A_1263 : vector<1x1024x8xbf16> to vector<1024x8xbf16>
      %swap3A_1265 = vector.shape_cast %concatenate3A_1259 : vector<1024x8xbf16> to vector<1x1024x8xbf16>
      tpu.vector_store %arg10[%swap3A_1260, %swap3A_1261, %swap3A_1262], %swap3A_1265 {strides = array<i32>} : memref<7x1024x136xbf16, #tpu.memory_space<vmem>>, vector<1x1024x8xbf16>,
      %get3A_1266 = arith.constant 3 : index
      %get3A_1267 = arith.constant 0 : index
      %get3A_1268 = arith.constant 0 : index
      %get3A_1269 = vector.load %arg5[%get3A_1266, %get3A_1267, %get3A_1268] : memref<7x128x128xf32, #tpu.memory_space<vmem>>, vector<1x128x128xf32>
      %get3A_1270 = vector.shape_cast %get3A_1269 : vector<1x128x128xf32> to vector<128x128xf32>
      %mul3A_1271 = arith.constant 1.562500e-02 : f32
      %mul3A_1272 = vector.broadcast %mul3A_1271 : f32 to vector<128x128xf32>
      %mul3A_1273 = arith.mulf %get3A_1270, %mul3A_1272 : vector<128x128xf32>
      %convert_element_type3A_1274 = arith.truncf %mul3A_1273 : vector<128x128xf32> to vector<128x128xbf16>
      %swap3A_1275 = arith.constant 3 : index
      %swap3A_1276 = arith.constant 0 : index
      %swap3A_1277 = arith.constant 0 : index
      %swap3A_1278 = vector.load %arg12[%swap3A_1275, %swap3A_1276, %swap3A_1277] : memref<7x136x136xbf16, #tpu.memory_space<vmem>>, vector<1x128x128xbf16>
      %swap3A_1279 = vector.shape_cast %swap3A_1278 : vector<1x128x128xbf16> to vector<128x128xbf16>
      %swap3A_1280 = vector.shape_cast %convert_element_type3A_1274 : vector<128x128xbf16> to vector<1x128x128xbf16>
      tpu.vector_store %arg12[%swap3A_1275, %swap3A_1276, %swap3A_1277], %swap3A_1280 {strides = array<i32>} : memref<7x136x136xbf16, #tpu.memory_space<vmem>>, vector<1x128x128xbf16>,
      %get3A_1281 = arith.constant 3 : index
      %get3A_1282 = arith.constant 0 : index
      %get3A_1283 = vector.load %arg6[%get3A_1281, %get3A_1282] : memref<7x128xf32, #tpu.memory_space<vmem>>, vector<1x128xf32>
      %mul3A_1284 = arith.constant 1.562500e-02 : f32
      %mul3A_1285 = vector.broadcast %mul3A_1284 : f32 to vector<1x128xf32>
      %mul3A_1286 = arith.mulf %get3A_1283, %mul3A_1285 : vector<1x128xf32>
      %broadcast_in_dim3A_1287 = arith.constant 0.000000e+00 : f32
      %broadcast_in_dim3A_1288 = vector.broadcast %broadcast_in_dim3A_1287 : f32 to vector<7x128xf32>
      %concatenate3A_1289 = tpu.concatenate %mul3A_1286, %broadcast_in_dim3A_1288 in 0 : vector<1x128xf32>, vector<7x128xf32> -> vector<8x128xf32>
      %convert_element_type3A_1290 = arith.truncf %concatenate3A_1289 : vector<8x128xf32> to vector<8x128xbf16>
      %swap3A_1291 = arith.constant 3 : index
      %swap3A_1292 = arith.constant 128 : index
      %swap3A_1293 = arith.constant 0 : index
      %swap3A_1294 = vector.load %arg12[%swap3A_1291, %swap3A_1292, %swap3A_1293] : memref<7x136x136xbf16, #tpu.memory_space<vmem>>, vector<1x8x128xbf16>
      %swap3A_1295 = vector.shape_cast %swap3A_1294 : vector<1x8x128xbf16> to vector<8x128xbf16>
      %swap3A_1296 = vector.shape_cast %convert_element_type3A_1290 : vector<8x128xbf16> to vector<1x8x128xbf16>
      tpu.vector_store %arg12[%swap3A_1291, %swap3A_1292, %swap3A_1293], %swap3A_1296 {strides = array<i32>} : memref<7x136x136xbf16, #tpu.memory_space<vmem>>, vector<1x8x128xbf16>,
      %iota3A_1297 = tpu.iota {dimensions = array<i32: 0>} : vector<136x8xi32>
      %eq3A_1298 = arith.constant 128 : i32
      %eq3A_1299 = vector.broadcast %eq3A_1298 : i32 to vector<136x8xi32>
      %eq3A_1300 = arith.cmpi eq, %iota3A_1297, %eq3A_1299 : vector<136x8xi32>
      %iota3A_1301 = tpu.iota {dimensions = array<i32: 1>} : vector<136x8xi32>
      %eq3A_1302 = arith.constant 0 : i32
      %eq3A_1303 = vector.broadcast %eq3A_1302 : i32 to vector<136x8xi32>
      %eq3A_1304 = arith.cmpi eq, %iota3A_1301, %eq3A_1303 : vector<136x8xi32>
      %and3A_1305 = arith.andi %eq3A_1300, %eq3A_1304 : vector<136x8xi1>
      %convert_element_type3A_1306 = arith.extui %and3A_1305 : vector<136x8xi1> to vector<136x8xi32>
      %convert_element_type3A_1307 = arith.sitofp %convert_element_type3A_1306 : vector<136x8xi32> to vector<136x8xf32>
      %convert_element_type3A_1308 = arith.truncf %convert_element_type3A_1307 : vector<136x8xf32> to vector<136x8xbf16>
      %swap3A_1309 = arith.constant 3 : index
      %swap3A_1310 = arith.constant 0 : index
      %swap3A_1311 = arith.constant 128 : index
      %swap3A_1312 = vector.load %arg12[%swap3A_1309, %swap3A_1310, %swap3A_1311] : memref<7x136x136xbf16, #tpu.memory_space<vmem>>, vector<1x136x8xbf16>
      %swap3A_1313 = vector.shape_cast %swap3A_1312 : vector<1x136x8xbf16> to vector<136x8xbf16>
      %swap3A_1314 = vector.shape_cast %convert_element_type3A_1308 : vector<136x8xbf16> to vector<1x136x8xbf16>
      tpu.vector_store %arg12[%swap3A_1309, %swap3A_1310, %swap3A_1311], %swap3A_1314 {strides = array<i32>} : memref<7x136x136xbf16, #tpu.memory_space<vmem>>, vector<1x136x8xbf16>,
      %get3A_1315 = arith.constant 4 : index
      %get3A_1316 = arith.constant 0 : index
      %get3A_1317 = arith.constant 0 : index
      %get3A_1318 = vector.load %arg4[%get3A_1315, %get3A_1316, %get3A_1317] : memref<7x1024x128xf32, #tpu.memory_space<vmem>>, vector<1x1024x128xf32>
      %get3A_1319 = vector.shape_cast %get3A_1318 : vector<1x1024x128xf32> to vector<1024x128xf32>
      %mul3A_1320 = arith.mulf %get3A_1319, %get3A_1319 : vector<1024x128xf32>
      %reduce_sum3A_1321 = arith.constant dense<0.000000e+00> : vector<1024xf32>
      %reduce_sum3A_1322 = vector.multi_reduction <add>, %mul3A_1320, %reduce_sum3A_1321 [1] : vector<1024x128xf32> to vector<1024xf32>
      %broadcast_in_dim3A_1323 = vector.shape_cast %reduce_sum3A_1322 : vector<1024xf32> to vector<1024x1xf32>
      %mul3A_1324 = arith.constant -7.812500e-03 : f32
      %mul3A_1325 = vector.broadcast %mul3A_1324 : f32 to vector<1024x1xf32>
      %mul3A_1326 = arith.mulf %broadcast_in_dim3A_1323, %mul3A_1325 : vector<1024x1xf32>
      %convert_element_type3A_1327 = arith.truncf %get3A_1319 : vector<1024x128xf32> to vector<1024x128xbf16>
      %swap3A_1328 = arith.constant 4 : index
      %swap3A_1329 = arith.constant 0 : index
      %swap3A_1330 = arith.constant 0 : index
      %swap3A_1331 = vector.load %arg10[%swap3A_1328, %swap3A_1329, %swap3A_1330] : memref<7x1024x136xbf16, #tpu.memory_space<vmem>>, vector<1x1024x128xbf16>
      %swap3A_1332 = vector.shape_cast %swap3A_1331 : vector<1x1024x128xbf16> to vector<1024x128xbf16>
      %swap3A_1333 = vector.shape_cast %convert_element_type3A_1327 : vector<1024x128xbf16> to vector<1x1024x128xbf16>
      tpu.vector_store %arg10[%swap3A_1328, %swap3A_1329, %swap3A_1330], %swap3A_1333 {strides = array<i32>} : memref<7x1024x136xbf16, #tpu.memory_space<vmem>>, vector<1x1024x128xbf16>,
      %convert_element_type3A_1334 = arith.truncf %mul3A_1326 : vector<1024x1xf32> to vector<1024x1xbf16>
      %broadcast_in_dim3A_1335 = arith.constant 0.000000e+00 : bf16
      %broadcast_in_dim3A_1336 = vector.broadcast %broadcast_in_dim3A_1335 : bf16 to vector<1024x7xbf16>
      %concatenate3A_1337 = tpu.concatenate %convert_element_type3A_1334, %broadcast_in_dim3A_1336 in 1 : vector<1024x1xbf16>, vector<1024x7xbf16> -> vector<1024x8xbf16>
      %swap3A_1338 = arith.constant 4 : index
      %swap3A_1339 = arith.constant 0 : index
      %swap3A_1340 = arith.constant 128 : index
      %swap3A_1341 = vector.load %arg10[%swap3A_1338, %swap3A_1339, %swap3A_1340] : memref<7x1024x136xbf16, #tpu.memory_space<vmem>>, vector<1x1024x8xbf16>
      %swap3A_1342 = vector.shape_cast %swap3A_1341 : vector<1x1024x8xbf16> to vector<1024x8xbf16>
      %swap3A_1343 = vector.shape_cast %concatenate3A_1337 : vector<1024x8xbf16> to vector<1x1024x8xbf16>
      tpu.vector_store %arg10[%swap3A_1338, %swap3A_1339, %swap3A_1340], %swap3A_1343 {strides = array<i32>} : memref<7x1024x136xbf16, #tpu.memory_space<vmem>>, vector<1x1024x8xbf16>,
      %get3A_1344 = arith.constant 4 : index
      %get3A_1345 = arith.constant 0 : index
      %get3A_1346 = arith.constant 0 : index
      %get3A_1347 = vector.load %arg5[%get3A_1344, %get3A_1345, %get3A_1346] : memref<7x128x128xf32, #tpu.memory_space<vmem>>, vector<1x128x128xf32>
      %get3A_1348 = vector.shape_cast %get3A_1347 : vector<1x128x128xf32> to vector<128x128xf32>
      %mul3A_1349 = arith.constant 1.562500e-02 : f32
      %mul3A_1350 = vector.broadcast %mul3A_1349 : f32 to vector<128x128xf32>
      %mul3A_1351 = arith.mulf %get3A_1348, %mul3A_1350 : vector<128x128xf32>
      %convert_element_type3A_1352 = arith.truncf %mul3A_1351 : vector<128x128xf32> to vector<128x128xbf16>
      %swap3A_1353 = arith.constant 4 : index
      %swap3A_1354 = arith.constant 0 : index
      %swap3A_1355 = arith.constant 0 : index
      %swap3A_1356 = vector.load %arg12[%swap3A_1353, %swap3A_1354, %swap3A_1355] : memref<7x136x136xbf16, #tpu.memory_space<vmem>>, vector<1x128x128xbf16>
      %swap3A_1357 = vector.shape_cast %swap3A_1356 : vector<1x128x128xbf16> to vector<128x128xbf16>
      %swap3A_1358 = vector.shape_cast %convert_element_type3A_1352 : vector<128x128xbf16> to vector<1x128x128xbf16>
      tpu.vector_store %arg12[%swap3A_1353, %swap3A_1354, %swap3A_1355], %swap3A_1358 {strides = array<i32>} : memref<7x136x136xbf16, #tpu.memory_space<vmem>>, vector<1x128x128xbf16>,
      %get3A_1359 = arith.constant 4 : index
      %get3A_1360 = arith.constant 0 : index
      %get3A_1361 = vector.load %arg6[%get3A_1359, %get3A_1360] : memref<7x128xf32, #tpu.memory_space<vmem>>, vector<1x128xf32>
      %mul3A_1362 = arith.constant 1.562500e-02 : f32
      %mul3A_1363 = vector.broadcast %mul3A_1362 : f32 to vector<1x128xf32>
      %mul3A_1364 = arith.mulf %get3A_1361, %mul3A_1363 : vector<1x128xf32>
      %broadcast_in_dim3A_1365 = arith.constant 0.000000e+00 : f32
      %broadcast_in_dim3A_1366 = vector.broadcast %broadcast_in_dim3A_1365 : f32 to vector<7x128xf32>
      %concatenate3A_1367 = tpu.concatenate %mul3A_1364, %broadcast_in_dim3A_1366 in 0 : vector<1x128xf32>, vector<7x128xf32> -> vector<8x128xf32>
      %convert_element_type3A_1368 = arith.truncf %concatenate3A_1367 : vector<8x128xf32> to vector<8x128xbf16>
      %swap3A_1369 = arith.constant 4 : index
      %swap3A_1370 = arith.constant 128 : index
      %swap3A_1371 = arith.constant 0 : index
      %swap3A_1372 = vector.load %arg12[%swap3A_1369, %swap3A_1370, %swap3A_1371] : memref<7x136x136xbf16, #tpu.memory_space<vmem>>, vector<1x8x128xbf16>
      %swap3A_1373 = vector.shape_cast %swap3A_1372 : vector<1x8x128xbf16> to vector<8x128xbf16>
      %swap3A_1374 = vector.shape_cast %convert_element_type3A_1368 : vector<8x128xbf16> to vector<1x8x128xbf16>
      tpu.vector_store %arg12[%swap3A_1369, %swap3A_1370, %swap3A_1371], %swap3A_1374 {strides = array<i32>} : memref<7x136x136xbf16, #tpu.memory_space<vmem>>, vector<1x8x128xbf16>,
      %iota3A_1375 = tpu.iota {dimensions = array<i32: 0>} : vector<136x8xi32>
      %eq3A_1376 = arith.constant 128 : i32
      %eq3A_1377 = vector.broadcast %eq3A_1376 : i32 to vector<136x8xi32>
      %eq3A_1378 = arith.cmpi eq, %iota3A_1375, %eq3A_1377 : vector<136x8xi32>
      %iota3A_1379 = tpu.iota {dimensions = array<i32: 1>} : vector<136x8xi32>
      %eq3A_1380 = arith.constant 0 : i32
      %eq3A_1381 = vector.broadcast %eq3A_1380 : i32 to vector<136x8xi32>
      %eq3A_1382 = arith.cmpi eq, %iota3A_1379, %eq3A_1381 : vector<136x8xi32>
      %and3A_1383 = arith.andi %eq3A_1378, %eq3A_1382 : vector<136x8xi1>
      %convert_element_type3A_1384 = arith.extui %and3A_1383 : vector<136x8xi1> to vector<136x8xi32>
      %convert_element_type3A_1385 = arith.sitofp %convert_element_type3A_1384 : vector<136x8xi32> to vector<136x8xf32>
      %convert_element_type3A_1386 = arith.truncf %convert_element_type3A_1385 : vector<136x8xf32> to vector<136x8xbf16>
      %swap3A_1387 = arith.constant 4 : index
      %swap3A_1388 = arith.constant 0 : index
      %swap3A_1389 = arith.constant 128 : index
      %swap3A_1390 = vector.load %arg12[%swap3A_1387, %swap3A_1388, %swap3A_1389] : memref<7x136x136xbf16, #tpu.memory_space<vmem>>, vector<1x136x8xbf16>
      %swap3A_1391 = vector.shape_cast %swap3A_1390 : vector<1x136x8xbf16> to vector<136x8xbf16>
      %swap3A_1392 = vector.shape_cast %convert_element_type3A_1386 : vector<136x8xbf16> to vector<1x136x8xbf16>
      tpu.vector_store %arg12[%swap3A_1387, %swap3A_1388, %swap3A_1389], %swap3A_1392 {strides = array<i32>} : memref<7x136x136xbf16, #tpu.memory_space<vmem>>, vector<1x136x8xbf16>,
      %get3A_1393 = arith.constant 5 : index
      %get3A_1394 = arith.constant 0 : index
      %get3A_1395 = arith.constant 0 : index
      %get3A_1396 = vector.load %arg4[%get3A_1393, %get3A_1394, %get3A_1395] : memref<7x1024x128xf32, #tpu.memory_space<vmem>>, vector<1x1024x128xf32>
      %get3A_1397 = vector.shape_cast %get3A_1396 : vector<1x1024x128xf32> to vector<1024x128xf32>
      %mul3A_1398 = arith.mulf %get3A_1397, %get3A_1397 : vector<1024x128xf32>
      %reduce_sum3A_1399 = arith.constant dense<0.000000e+00> : vector<1024xf32>
      %reduce_sum3A_1400 = vector.multi_reduction <add>, %mul3A_1398, %reduce_sum3A_1399 [1] : vector<1024x128xf32> to vector<1024xf32>
      %broadcast_in_dim3A_1401 = vector.shape_cast %reduce_sum3A_1400 : vector<1024xf32> to vector<1024x1xf32>
      %mul3A_1402 = arith.constant -7.812500e-03 : f32
      %mul3A_1403 = vector.broadcast %mul3A_1402 : f32 to vector<1024x1xf32>
      %mul3A_1404 = arith.mulf %broadcast_in_dim3A_1401, %mul3A_1403 : vector<1024x1xf32>
      %convert_element_type3A_1405 = arith.truncf %get3A_1397 : vector<1024x128xf32> to vector<1024x128xbf16>
      %swap3A_1406 = arith.constant 5 : index
      %swap3A_1407 = arith.constant 0 : index
      %swap3A_1408 = arith.constant 0 : index
      %swap3A_1409 = vector.load %arg10[%swap3A_1406, %swap3A_1407, %swap3A_1408] : memref<7x1024x136xbf16, #tpu.memory_space<vmem>>, vector<1x1024x128xbf16>
      %swap3A_1410 = vector.shape_cast %swap3A_1409 : vector<1x1024x128xbf16> to vector<1024x128xbf16>
      %swap3A_1411 = vector.shape_cast %convert_element_type3A_1405 : vector<1024x128xbf16> to vector<1x1024x128xbf16>
      tpu.vector_store %arg10[%swap3A_1406, %swap3A_1407, %swap3A_1408], %swap3A_1411 {strides = array<i32>} : memref<7x1024x136xbf16, #tpu.memory_space<vmem>>, vector<1x1024x128xbf16>,
      %convert_element_type3A_1412 = arith.truncf %mul3A_1404 : vector<1024x1xf32> to vector<1024x1xbf16>
      %broadcast_in_dim3A_1413 = arith.constant 0.000000e+00 : bf16
      %broadcast_in_dim3A_1414 = vector.broadcast %broadcast_in_dim3A_1413 : bf16 to vector<1024x7xbf16>
      %concatenate3A_1415 = tpu.concatenate %convert_element_type3A_1412, %broadcast_in_dim3A_1414 in 1 : vector<1024x1xbf16>, vector<1024x7xbf16> -> vector<1024x8xbf16>
      %swap3A_1416 = arith.constant 5 : index
      %swap3A_1417 = arith.constant 0 : index
      %swap3A_1418 = arith.constant 128 : index
      %swap3A_1419 = vector.load %arg10[%swap3A_1416, %swap3A_1417, %swap3A_1418] : memref<7x1024x136xbf16, #tpu.memory_space<vmem>>, vector<1x1024x8xbf16>
      %swap3A_1420 = vector.shape_cast %swap3A_1419 : vector<1x1024x8xbf16> to vector<1024x8xbf16>
      %swap3A_1421 = vector.shape_cast %concatenate3A_1415 : vector<1024x8xbf16> to vector<1x1024x8xbf16>
      tpu.vector_store %arg10[%swap3A_1416, %swap3A_1417, %swap3A_1418], %swap3A_1421 {strides = array<i32>} : memref<7x1024x136xbf16, #tpu.memory_space<vmem>>, vector<1x1024x8xbf16>,
      %get3A_1422 = arith.constant 5 : index
      %get3A_1423 = arith.constant 0 : index
      %get3A_1424 = arith.constant 0 : index
      %get3A_1425 = vector.load %arg5[%get3A_1422, %get3A_1423, %get3A_1424] : memref<7x128x128xf32, #tpu.memory_space<vmem>>, vector<1x128x128xf32>
      %get3A_1426 = vector.shape_cast %get3A_1425 : vector<1x128x128xf32> to vector<128x128xf32>
      %mul3A_1427 = arith.constant 1.562500e-02 : f32
      %mul3A_1428 = vector.broadcast %mul3A_1427 : f32 to vector<128x128xf32>
      %mul3A_1429 = arith.mulf %get3A_1426, %mul3A_1428 : vector<128x128xf32>
      %convert_element_type3A_1430 = arith.truncf %mul3A_1429 : vector<128x128xf32> to vector<128x128xbf16>
      %swap3A_1431 = arith.constant 5 : index
      %swap3A_1432 = arith.constant 0 : index
      %swap3A_1433 = arith.constant 0 : index
      %swap3A_1434 = vector.load %arg12[%swap3A_1431, %swap3A_1432, %swap3A_1433] : memref<7x136x136xbf16, #tpu.memory_space<vmem>>, vector<1x128x128xbf16>
      %swap3A_1435 = vector.shape_cast %swap3A_1434 : vector<1x128x128xbf16> to vector<128x128xbf16>
      %swap3A_1436 = vector.shape_cast %convert_element_type3A_1430 : vector<128x128xbf16> to vector<1x128x128xbf16>
      tpu.vector_store %arg12[%swap3A_1431, %swap3A_1432, %swap3A_1433], %swap3A_1436 {strides = array<i32>} : memref<7x136x136xbf16, #tpu.memory_space<vmem>>, vector<1x128x128xbf16>,
      %get3A_1437 = arith.constant 5 : index
      %get3A_1438 = arith.constant 0 : index
      %get3A_1439 = vector.load %arg6[%get3A_1437, %get3A_1438] : memref<7x128xf32, #tpu.memory_space<vmem>>, vector<1x128xf32>
      %mul3A_1440 = arith.constant 1.562500e-02 : f32
      %mul3A_1441 = vector.broadcast %mul3A_1440 : f32 to vector<1x128xf32>
      %mul3A_1442 = arith.mulf %get3A_1439, %mul3A_1441 : vector<1x128xf32>
      %broadcast_in_dim3A_1443 = arith.constant 0.000000e+00 : f32
      %broadcast_in_dim3A_1444 = vector.broadcast %broadcast_in_dim3A_1443 : f32 to vector<7x128xf32>
      %concatenate3A_1445 = tpu.concatenate %mul3A_1442, %broadcast_in_dim3A_1444 in 0 : vector<1x128xf32>, vector<7x128xf32> -> vector<8x128xf32>
      %convert_element_type3A_1446 = arith.truncf %concatenate3A_1445 : vector<8x128xf32> to vector<8x128xbf16>
      %swap3A_1447 = arith.constant 5 : index
      %swap3A_1448 = arith.constant 128 : index
      %swap3A_1449 = arith.constant 0 : index
      %swap3A_1450 = vector.load %arg12[%swap3A_1447, %swap3A_1448, %swap3A_1449] : memref<7x136x136xbf16, #tpu.memory_space<vmem>>, vector<1x8x128xbf16>
      %swap3A_1451 = vector.shape_cast %swap3A_1450 : vector<1x8x128xbf16> to vector<8x128xbf16>
      %swap3A_1452 = vector.shape_cast %convert_element_type3A_1446 : vector<8x128xbf16> to vector<1x8x128xbf16>
      tpu.vector_store %arg12[%swap3A_1447, %swap3A_1448, %swap3A_1449], %swap3A_1452 {strides = array<i32>} : memref<7x136x136xbf16, #tpu.memory_space<vmem>>, vector<1x8x128xbf16>,
      %iota3A_1453 = tpu.iota {dimensions = array<i32: 0>} : vector<136x8xi32>
      %eq3A_1454 = arith.constant 128 : i32
      %eq3A_1455 = vector.broadcast %eq3A_1454 : i32 to vector<136x8xi32>
      %eq3A_1456 = arith.cmpi eq, %iota3A_1453, %eq3A_1455 : vector<136x8xi32>
      %iota3A_1457 = tpu.iota {dimensions = array<i32: 1>} : vector<136x8xi32>
      %eq3A_1458 = arith.constant 0 : i32
      %eq3A_1459 = vector.broadcast %eq3A_1458 : i32 to vector<136x8xi32>
      %eq3A_1460 = arith.cmpi eq, %iota3A_1457, %eq3A_1459 : vector<136x8xi32>
      %and3A_1461 = arith.andi %eq3A_1456, %eq3A_1460 : vector<136x8xi1>
      %convert_element_type3A_1462 = arith.extui %and3A_1461 : vector<136x8xi1> to vector<136x8xi32>
      %convert_element_type3A_1463 = arith.sitofp %convert_element_type3A_1462 : vector<136x8xi32> to vector<136x8xf32>
      %convert_element_type3A_1464 = arith.truncf %convert_element_type3A_1463 : vector<136x8xf32> to vector<136x8xbf16>
      %swap3A_1465 = arith.constant 5 : index
      %swap3A_1466 = arith.constant 0 : index
      %swap3A_1467 = arith.constant 128 : index
      %swap3A_1468 = vector.load %arg12[%swap3A_1465, %swap3A_1466, %swap3A_1467] : memref<7x136x136xbf16, #tpu.memory_space<vmem>>, vector<1x136x8xbf16>
      %swap3A_1469 = vector.shape_cast %swap3A_1468 : vector<1x136x8xbf16> to vector<136x8xbf16>
      %swap3A_1470 = vector.shape_cast %convert_element_type3A_1464 : vector<136x8xbf16> to vector<1x136x8xbf16>
      tpu.vector_store %arg12[%swap3A_1465, %swap3A_1466, %swap3A_1467], %swap3A_1470 {strides = array<i32>} : memref<7x136x136xbf16, #tpu.memory_space<vmem>>, vector<1x136x8xbf16>,
      %get3A_1471 = arith.constant 6 : index
      %get3A_1472 = arith.constant 0 : index
      %get3A_1473 = arith.constant 0 : index
      %get3A_1474 = vector.load %arg4[%get3A_1471, %get3A_1472, %get3A_1473] : memref<7x1024x128xf32, #tpu.memory_space<vmem>>, vector<1x1024x128xf32>
      %get3A_1475 = vector.shape_cast %get3A_1474 : vector<1x1024x128xf32> to vector<1024x128xf32>
      %mul3A_1476 = arith.mulf %get3A_1475, %get3A_1475 : vector<1024x128xf32>
      %reduce_sum3A_1477 = arith.constant dense<0.000000e+00> : vector<1024xf32>
      %reduce_sum3A_1478 = vector.multi_reduction <add>, %mul3A_1476, %reduce_sum3A_1477 [1] : vector<1024x128xf32> to vector<1024xf32>
      %broadcast_in_dim3A_1479 = vector.shape_cast %reduce_sum3A_1478 : vector<1024xf32> to vector<1024x1xf32>
      %mul3A_1480 = arith.constant -7.812500e-03 : f32
      %mul3A_1481 = vector.broadcast %mul3A_1480 : f32 to vector<1024x1xf32>
      %mul3A_1482 = arith.mulf %broadcast_in_dim3A_1479, %mul3A_1481 : vector<1024x1xf32>
      %convert_element_type3A_1483 = arith.truncf %get3A_1475 : vector<1024x128xf32> to vector<1024x128xbf16>
      %swap3A_1484 = arith.constant 6 : index
      %swap3A_1485 = arith.constant 0 : index
      %swap3A_1486 = arith.constant 0 : index
      %swap3A_1487 = vector.load %arg10[%swap3A_1484, %swap3A_1485, %swap3A_1486] : memref<7x1024x136xbf16, #tpu.memory_space<vmem>>, vector<1x1024x128xbf16>
      %swap3A_1488 = vector.shape_cast %swap3A_1487 : vector<1x1024x128xbf16> to vector<1024x128xbf16>
      %swap3A_1489 = vector.shape_cast %convert_element_type3A_1483 : vector<1024x128xbf16> to vector<1x1024x128xbf16>
      tpu.vector_store %arg10[%swap3A_1484, %swap3A_1485, %swap3A_1486], %swap3A_1489 {strides = array<i32>} : memref<7x1024x136xbf16, #tpu.memory_space<vmem>>, vector<1x1024x128xbf16>,
      %convert_element_type3A_1490 = arith.truncf %mul3A_1482 : vector<1024x1xf32> to vector<1024x1xbf16>
      %broadcast_in_dim3A_1491 = arith.constant 0.000000e+00 : bf16
      %broadcast_in_dim3A_1492 = vector.broadcast %broadcast_in_dim3A_1491 : bf16 to vector<1024x7xbf16>
      %concatenate3A_1493 = tpu.concatenate %convert_element_type3A_1490, %broadcast_in_dim3A_1492 in 1 : vector<1024x1xbf16>, vector<1024x7xbf16> -> vector<1024x8xbf16>
      %swap3A_1494 = arith.constant 6 : index
      %swap3A_1495 = arith.constant 0 : index
      %swap3A_1496 = arith.constant 128 : index
      %swap3A_1497 = vector.load %arg10[%swap3A_1494, %swap3A_1495, %swap3A_1496] : memref<7x1024x136xbf16, #tpu.memory_space<vmem>>, vector<1x1024x8xbf16>
      %swap3A_1498 = vector.shape_cast %swap3A_1497 : vector<1x1024x8xbf16> to vector<1024x8xbf16>
      %swap3A_1499 = vector.shape_cast %concatenate3A_1493 : vector<1024x8xbf16> to vector<1x1024x8xbf16>
      tpu.vector_store %arg10[%swap3A_1494, %swap3A_1495, %swap3A_1496], %swap3A_1499 {strides = array<i32>} : memref<7x1024x136xbf16, #tpu.memory_space<vmem>>, vector<1x1024x8xbf16>,
      %get3A_1500 = arith.constant 6 : index
      %get3A_1501 = arith.constant 0 : index
      %get3A_1502 = arith.constant 0 : index
      %get3A_1503 = vector.load %arg5[%get3A_1500, %get3A_1501, %get3A_1502] : memref<7x128x128xf32, #tpu.memory_space<vmem>>, vector<1x128x128xf32>
      %get3A_1504 = vector.shape_cast %get3A_1503 : vector<1x128x128xf32> to vector<128x128xf32>
      %mul3A_1505 = arith.constant 1.562500e-02 : f32
      %mul3A_1506 = vector.broadcast %mul3A_1505 : f32 to vector<128x128xf32>
      %mul3A_1507 = arith.mulf %get3A_1504, %mul3A_1506 : vector<128x128xf32>
      %convert_element_type3A_1508 = arith.truncf %mul3A_1507 : vector<128x128xf32> to vector<128x128xbf16>
      %swap3A_1509 = arith.constant 6 : index
      %swap3A_1510 = arith.constant 0 : index
      %swap3A_1511 = arith.constant 0 : index
      %swap3A_1512 = vector.load %arg12[%swap3A_1509, %swap3A_1510, %swap3A_1511] : memref<7x136x136xbf16, #tpu.memory_space<vmem>>, vector<1x128x128xbf16>
      %swap3A_1513 = vector.shape_cast %swap3A_1512 : vector<1x128x128xbf16> to vector<128x128xbf16>
      %swap3A_1514 = vector.shape_cast %convert_element_type3A_1508 : vector<128x128xbf16> to vector<1x128x128xbf16>
      tpu.vector_store %arg12[%swap3A_1509, %swap3A_1510, %swap3A_1511], %swap3A_1514 {strides = array<i32>} : memref<7x136x136xbf16, #tpu.memory_space<vmem>>, vector<1x128x128xbf16>,
      %get3A_1515 = arith.constant 6 : index
      %get3A_1516 = arith.constant 0 : index
      %get3A_1517 = vector.load %arg6[%get3A_1515, %get3A_1516] : memref<7x128xf32, #tpu.memory_space<vmem>>, vector<1x128xf32>
      %mul3A_1518 = arith.constant 1.562500e-02 : f32
      %mul3A_1519 = vector.broadcast %mul3A_1518 : f32 to vector<1x128xf32>
      %mul3A_1520 = arith.mulf %get3A_1517, %mul3A_1519 : vector<1x128xf32>
      %broadcast_in_dim3A_1521 = arith.constant 0.000000e+00 : f32
      %broadcast_in_dim3A_1522 = vector.broadcast %broadcast_in_dim3A_1521 : f32 to vector<7x128xf32>
      %concatenate3A_1523 = tpu.concatenate %mul3A_1520, %broadcast_in_dim3A_1522 in 0 : vector<1x128xf32>, vector<7x128xf32> -> vector<8x128xf32>
      %convert_element_type3A_1524 = arith.truncf %concatenate3A_1523 : vector<8x128xf32> to vector<8x128xbf16>
      %swap3A_1525 = arith.constant 6 : index
      %swap3A_1526 = arith.constant 128 : index
      %swap3A_1527 = arith.constant 0 : index
      %swap3A_1528 = vector.load %arg12[%swap3A_1525, %swap3A_1526, %swap3A_1527] : memref<7x136x136xbf16, #tpu.memory_space<vmem>>, vector<1x8x128xbf16>
      %swap3A_1529 = vector.shape_cast %swap3A_1528 : vector<1x8x128xbf16> to vector<8x128xbf16>
      %swap3A_1530 = vector.shape_cast %convert_element_type3A_1524 : vector<8x128xbf16> to vector<1x8x128xbf16>
      tpu.vector_store %arg12[%swap3A_1525, %swap3A_1526, %swap3A_1527], %swap3A_1530 {strides = array<i32>} : memref<7x136x136xbf16, #tpu.memory_space<vmem>>, vector<1x8x128xbf16>,
      %iota3A_1531 = tpu.iota {dimensions = array<i32: 0>} : vector<136x8xi32>
      %eq3A_1532 = arith.constant 128 : i32
      %eq3A_1533 = vector.broadcast %eq3A_1532 : i32 to vector<136x8xi32>
      %eq3A_1534 = arith.cmpi eq, %iota3A_1531, %eq3A_1533 : vector<136x8xi32>
      %iota3A_1535 = tpu.iota {dimensions = array<i32: 1>} : vector<136x8xi32>
      %eq3A_1536 = arith.constant 0 : i32
      %eq3A_1537 = vector.broadcast %eq3A_1536 : i32 to vector<136x8xi32>
      %eq3A_1538 = arith.cmpi eq, %iota3A_1535, %eq3A_1537 : vector<136x8xi32>
      %and3A_1539 = arith.andi %eq3A_1534, %eq3A_1538 : vector<136x8xi1>
      %convert_element_type3A_1540 = arith.extui %and3A_1539 : vector<136x8xi1> to vector<136x8xi32>
      %convert_element_type3A_1541 = arith.sitofp %convert_element_type3A_1540 : vector<136x8xi32> to vector<136x8xf32>
      %convert_element_type3A_1542 = arith.truncf %convert_element_type3A_1541 : vector<136x8xf32> to vector<136x8xbf16>
      %swap3A_1543 = arith.constant 6 : index
      %swap3A_1544 = arith.constant 0 : index
      %swap3A_1545 = arith.constant 128 : index
      %swap3A_1546 = vector.load %arg12[%swap3A_1543, %swap3A_1544, %swap3A_1545] : memref<7x136x136xbf16, #tpu.memory_space<vmem>>, vector<1x136x8xbf16>
      %swap3A_1547 = vector.shape_cast %swap3A_1546 : vector<1x136x8xbf16> to vector<136x8xbf16>
      %swap3A_1548 = vector.shape_cast %convert_element_type3A_1542 : vector<136x8xbf16> to vector<1x136x8xbf16>
      tpu.vector_store %arg12[%swap3A_1543, %swap3A_1544, %swap3A_1545], %swap3A_1548 {strides = array<i32>} : memref<7x136x136xbf16, #tpu.memory_space<vmem>>, vector<1x136x8xbf16>,
      %get3A_1549 = arith.constant 0 : index
      %get3A_1550 = arith.constant 0 : index
      %get3A_1551 = arith.constant 0 : index
      %get3A_1552 = vector.load %arg4[%get3A_1549, %get3A_1550, %get3A_1551] : memref<7x1024x128xf32, #tpu.memory_space<vmem>>, vector<1x1024x128xf32>
      %get3A_1553 = vector.shape_cast %get3A_1552 : vector<1x1024x128xf32> to vector<1024x128xf32>
      %get3A_1554 = arith.constant 0 : index
      %get3A_1555 = arith.constant 0 : index
      %get3A_1556 = arith.constant 0 : index
      %get3A_1557 = vector.load %arg7[%get3A_1554, %get3A_1555, %get3A_1556] : memref<6x128x128xf32, #tpu.memory_space<vmem>>, vector<1x128x128xf32>
      %get3A_1558 = vector.shape_cast %get3A_1557 : vector<1x128x128xf32> to vector<128x128xf32>
      %dot_general3A_1559 = arith.constant dense<0.000000e+00> : vector<1024x128xf32>
      %dot_general3A_1560 = tpu.matmul %get3A_1553, %get3A_1558, %dot_general3A_1559 {dimension_numbers = #tpu.dot_dimension_numbers<[1], [0], [0], [1], [0, 0, 1, 1], [], []>, transpose_lhs_hint = false} : vector<1024x128xf32>, vector<128x128xf32>, vector<1024x128xf32> -> vector<1024x128xf32>
      %get3A_1561 = arith.constant 0 : index
      %get3A_1562 = arith.constant 0 : index
      %get3A_1563 = vector.load %arg8[%get3A_1561, %get3A_1562] : memref<6x128xf32, #tpu.memory_space<vmem>>, vector<1x128xf32>
      %add3A_1564 = vector.broadcast %get3A_1563 : vector<1x128xf32> to vector<1024x128xf32>
      %add3A_1565 = arith.addf %dot_general3A_1560, %add3A_1564 : vector<1024x128xf32>
      %convert_element_type3A_1566 = arith.truncf %add3A_1565 : vector<1024x128xf32> to vector<1024x128xbf16>
      %swap3A_1567 = arith.constant 0 : index
      %swap3A_1568 = arith.constant 0 : index
      %swap3A_1569 = arith.constant 0 : index
      %swap3A_1570 = vector.load %arg11[%swap3A_1567, %swap3A_1568, %swap3A_1569] : memref<6x1024x136xbf16, #tpu.memory_space<vmem>>, vector<1x1024x128xbf16>
      %swap3A_1571 = vector.shape_cast %swap3A_1570 : vector<1x1024x128xbf16> to vector<1024x128xbf16>
      %swap3A_1572 = vector.shape_cast %convert_element_type3A_1566 : vector<1024x128xbf16> to vector<1x1024x128xbf16>
      tpu.vector_store %arg11[%swap3A_1567, %swap3A_1568, %swap3A_1569], %swap3A_1572 {strides = array<i32>} : memref<6x1024x136xbf16, #tpu.memory_space<vmem>>, vector<1x1024x128xbf16>,
      %broadcast_in_dim3A_1573 = arith.constant 0.000000e+00 : bf16
      %broadcast_in_dim3A_1574 = vector.broadcast %broadcast_in_dim3A_1573 : bf16 to vector<1024x8xbf16>
      %swap3A_1575 = arith.constant 0 : index
      %swap3A_1576 = arith.constant 0 : index
      %swap3A_1577 = arith.constant 128 : index
      %swap3A_1578 = vector.load %arg11[%swap3A_1575, %swap3A_1576, %swap3A_1577] : memref<6x1024x136xbf16, #tpu.memory_space<vmem>>, vector<1x1024x8xbf16>
      %swap3A_1579 = vector.shape_cast %swap3A_1578 : vector<1x1024x8xbf16> to vector<1024x8xbf16>
      %swap3A_1580 = vector.shape_cast %broadcast_in_dim3A_1574 : vector<1024x8xbf16> to vector<1x1024x8xbf16>
      tpu.vector_store %arg11[%swap3A_1575, %swap3A_1576, %swap3A_1577], %swap3A_1580 {strides = array<i32>} : memref<6x1024x136xbf16, #tpu.memory_space<vmem>>, vector<1x1024x8xbf16>,
      %get3A_1581 = arith.constant 1 : index
      %get3A_1582 = arith.constant 0 : index
      %get3A_1583 = arith.constant 0 : index
      %get3A_1584 = vector.load %arg4[%get3A_1581, %get3A_1582, %get3A_1583] : memref<7x1024x128xf32, #tpu.memory_space<vmem>>, vector<1x1024x128xf32>
      %get3A_1585 = vector.shape_cast %get3A_1584 : vector<1x1024x128xf32> to vector<1024x128xf32>
      %get3A_1586 = arith.constant 1 : index
      %get3A_1587 = arith.constant 0 : index
      %get3A_1588 = arith.constant 0 : index
      %get3A_1589 = vector.load %arg7[%get3A_1586, %get3A_1587, %get3A_1588] : memref<6x128x128xf32, #tpu.memory_space<vmem>>, vector<1x128x128xf32>
      %get3A_1590 = vector.shape_cast %get3A_1589 : vector<1x128x128xf32> to vector<128x128xf32>
      %dot_general3A_1591 = arith.constant dense<0.000000e+00> : vector<1024x128xf32>
      %dot_general3A_1592 = tpu.matmul %get3A_1585, %get3A_1590, %dot_general3A_1591 {dimension_numbers = #tpu.dot_dimension_numbers<[1], [0], [0], [1], [0, 0, 1, 1], [], []>, transpose_lhs_hint = false} : vector<1024x128xf32>, vector<128x128xf32>, vector<1024x128xf32> -> vector<1024x128xf32>
      %get3A_1593 = arith.constant 1 : index
      %get3A_1594 = arith.constant 0 : index
      %get3A_1595 = vector.load %arg8[%get3A_1593, %get3A_1594] : memref<6x128xf32, #tpu.memory_space<vmem>>, vector<1x128xf32>
      %add3A_1596 = vector.broadcast %get3A_1595 : vector<1x128xf32> to vector<1024x128xf32>
      %add3A_1597 = arith.addf %dot_general3A_1592, %add3A_1596 : vector<1024x128xf32>
      %convert_element_type3A_1598 = arith.truncf %add3A_1597 : vector<1024x128xf32> to vector<1024x128xbf16>
      %swap3A_1599 = arith.constant 1 : index
      %swap3A_1600 = arith.constant 0 : index
      %swap3A_1601 = arith.constant 0 : index
      %swap3A_1602 = vector.load %arg11[%swap3A_1599, %swap3A_1600, %swap3A_1601] : memref<6x1024x136xbf16, #tpu.memory_space<vmem>>, vector<1x1024x128xbf16>
      %swap3A_1603 = vector.shape_cast %swap3A_1602 : vector<1x1024x128xbf16> to vector<1024x128xbf16>
      %swap3A_1604 = vector.shape_cast %convert_element_type3A_1598 : vector<1024x128xbf16> to vector<1x1024x128xbf16>
      tpu.vector_store %arg11[%swap3A_1599, %swap3A_1600, %swap3A_1601], %swap3A_1604 {strides = array<i32>} : memref<6x1024x136xbf16, #tpu.memory_space<vmem>>, vector<1x1024x128xbf16>,
      %broadcast_in_dim3A_1605 = arith.constant 0.000000e+00 : bf16
      %broadcast_in_dim3A_1606 = vector.broadcast %broadcast_in_dim3A_1605 : bf16 to vector<1024x8xbf16>
      %swap3A_1607 = arith.constant 1 : index
      %swap3A_1608 = arith.constant 0 : index
      %swap3A_1609 = arith.constant 128 : index
      %swap3A_1610 = vector.load %arg11[%swap3A_1607, %swap3A_1608, %swap3A_1609] : memref<6x1024x136xbf16, #tpu.memory_space<vmem>>, vector<1x1024x8xbf16>
      %swap3A_1611 = vector.shape_cast %swap3A_1610 : vector<1x1024x8xbf16> to vector<1024x8xbf16>
      %swap3A_1612 = vector.shape_cast %broadcast_in_dim3A_1606 : vector<1024x8xbf16> to vector<1x1024x8xbf16>
      tpu.vector_store %arg11[%swap3A_1607, %swap3A_1608, %swap3A_1609], %swap3A_1612 {strides = array<i32>} : memref<6x1024x136xbf16, #tpu.memory_space<vmem>>, vector<1x1024x8xbf16>,
      %get3A_1613 = arith.constant 2 : index
      %get3A_1614 = arith.constant 0 : index
      %get3A_1615 = arith.constant 0 : index
      %get3A_1616 = vector.load %arg4[%get3A_1613, %get3A_1614, %get3A_1615] : memref<7x1024x128xf32, #tpu.memory_space<vmem>>, vector<1x1024x128xf32>
      %get3A_1617 = vector.shape_cast %get3A_1616 : vector<1x1024x128xf32> to vector<1024x128xf32>
      %get3A_1618 = arith.constant 2 : index
      %get3A_1619 = arith.constant 0 : index
      %get3A_1620 = arith.constant 0 : index
      %get3A_1621 = vector.load %arg7[%get3A_1618, %get3A_1619, %get3A_1620] : memref<6x128x128xf32, #tpu.memory_space<vmem>>, vector<1x128x128xf32>
      %get3A_1622 = vector.shape_cast %get3A_1621 : vector<1x128x128xf32> to vector<128x128xf32>
      %dot_general3A_1623 = arith.constant dense<0.000000e+00> : vector<1024x128xf32>
      %dot_general3A_1624 = tpu.matmul %get3A_1617, %get3A_1622, %dot_general3A_1623 {dimension_numbers = #tpu.dot_dimension_numbers<[1], [0], [0], [1], [0, 0, 1, 1], [], []>, transpose_lhs_hint = false} : vector<1024x128xf32>, vector<128x128xf32>, vector<1024x128xf32> -> vector<1024x128xf32>
      %get3A_1625 = arith.constant 2 : index
      %get3A_1626 = arith.constant 0 : index
      %get3A_1627 = vector.load %arg8[%get3A_1625, %get3A_1626] : memref<6x128xf32, #tpu.memory_space<vmem>>, vector<1x128xf32>
      %add3A_1628 = vector.broadcast %get3A_1627 : vector<1x128xf32> to vector<1024x128xf32>
      %add3A_1629 = arith.addf %dot_general3A_1624, %add3A_1628 : vector<1024x128xf32>
      %convert_element_type3A_1630 = arith.truncf %add3A_1629 : vector<1024x128xf32> to vector<1024x128xbf16>
      %swap3A_1631 = arith.constant 2 : index
      %swap3A_1632 = arith.constant 0 : index
      %swap3A_1633 = arith.constant 0 : index
      %swap3A_1634 = vector.load %arg11[%swap3A_1631, %swap3A_1632, %swap3A_1633] : memref<6x1024x136xbf16, #tpu.memory_space<vmem>>, vector<1x1024x128xbf16>
      %swap3A_1635 = vector.shape_cast %swap3A_1634 : vector<1x1024x128xbf16> to vector<1024x128xbf16>
      %swap3A_1636 = vector.shape_cast %convert_element_type3A_1630 : vector<1024x128xbf16> to vector<1x1024x128xbf16>
      tpu.vector_store %arg11[%swap3A_1631, %swap3A_1632, %swap3A_1633], %swap3A_1636 {strides = array<i32>} : memref<6x1024x136xbf16, #tpu.memory_space<vmem>>, vector<1x1024x128xbf16>,
      %broadcast_in_dim3A_1637 = arith.constant 0.000000e+00 : bf16
      %broadcast_in_dim3A_1638 = vector.broadcast %broadcast_in_dim3A_1637 : bf16 to vector<1024x8xbf16>
      %swap3A_1639 = arith.constant 2 : index
      %swap3A_1640 = arith.constant 0 : index
      %swap3A_1641 = arith.constant 128 : index
      %swap3A_1642 = vector.load %arg11[%swap3A_1639, %swap3A_1640, %swap3A_1641] : memref<6x1024x136xbf16, #tpu.memory_space<vmem>>, vector<1x1024x8xbf16>
      %swap3A_1643 = vector.shape_cast %swap3A_1642 : vector<1x1024x8xbf16> to vector<1024x8xbf16>
      %swap3A_1644 = vector.shape_cast %broadcast_in_dim3A_1638 : vector<1024x8xbf16> to vector<1x1024x8xbf16>
      tpu.vector_store %arg11[%swap3A_1639, %swap3A_1640, %swap3A_1641], %swap3A_1644 {strides = array<i32>} : memref<6x1024x136xbf16, #tpu.memory_space<vmem>>, vector<1x1024x8xbf16>,
      %get3A_1645 = arith.constant 3 : index
      %get3A_1646 = arith.constant 0 : index
      %get3A_1647 = arith.constant 0 : index
      %get3A_1648 = vector.load %arg4[%get3A_1645, %get3A_1646, %get3A_1647] : memref<7x1024x128xf32, #tpu.memory_space<vmem>>, vector<1x1024x128xf32>
      %get3A_1649 = vector.shape_cast %get3A_1648 : vector<1x1024x128xf32> to vector<1024x128xf32>
      %get3A_1650 = arith.constant 3 : index
      %get3A_1651 = arith.constant 0 : index
      %get3A_1652 = arith.constant 0 : index
      %get3A_1653 = vector.load %arg7[%get3A_1650, %get3A_1651, %get3A_1652] : memref<6x128x128xf32, #tpu.memory_space<vmem>>, vector<1x128x128xf32>
      %get3A_1654 = vector.shape_cast %get3A_1653 : vector<1x128x128xf32> to vector<128x128xf32>
      %dot_general3A_1655 = arith.constant dense<0.000000e+00> : vector<1024x128xf32>
      %dot_general3A_1656 = tpu.matmul %get3A_1649, %get3A_1654, %dot_general3A_1655 {dimension_numbers = #tpu.dot_dimension_numbers<[1], [0], [0], [1], [0, 0, 1, 1], [], []>, transpose_lhs_hint = false} : vector<1024x128xf32>, vector<128x128xf32>, vector<1024x128xf32> -> vector<1024x128xf32>
      %get3A_1657 = arith.constant 3 : index
      %get3A_1658 = arith.constant 0 : index
      %get3A_1659 = vector.load %arg8[%get3A_1657, %get3A_1658] : memref<6x128xf32, #tpu.memory_space<vmem>>, vector<1x128xf32>
      %add3A_1660 = vector.broadcast %get3A_1659 : vector<1x128xf32> to vector<1024x128xf32>
      %add3A_1661 = arith.addf %dot_general3A_1656, %add3A_1660 : vector<1024x128xf32>
      %convert_element_type3A_1662 = arith.truncf %add3A_1661 : vector<1024x128xf32> to vector<1024x128xbf16>
      %swap3A_1663 = arith.constant 3 : index
      %swap3A_1664 = arith.constant 0 : index
      %swap3A_1665 = arith.constant 0 : index
      %swap3A_1666 = vector.load %arg11[%swap3A_1663, %swap3A_1664, %swap3A_1665] : memref<6x1024x136xbf16, #tpu.memory_space<vmem>>, vector<1x1024x128xbf16>
      %swap3A_1667 = vector.shape_cast %swap3A_1666 : vector<1x1024x128xbf16> to vector<1024x128xbf16>
      %swap3A_1668 = vector.shape_cast %convert_element_type3A_1662 : vector<1024x128xbf16> to vector<1x1024x128xbf16>
      tpu.vector_store %arg11[%swap3A_1663, %swap3A_1664, %swap3A_1665], %swap3A_1668 {strides = array<i32>} : memref<6x1024x136xbf16, #tpu.memory_space<vmem>>, vector<1x1024x128xbf16>,
      %broadcast_in_dim3A_1669 = arith.constant 0.000000e+00 : bf16
      %broadcast_in_dim3A_1670 = vector.broadcast %broadcast_in_dim3A_1669 : bf16 to vector<1024x8xbf16>
      %swap3A_1671 = arith.constant 3 : index
      %swap3A_1672 = arith.constant 0 : index
      %swap3A_1673 = arith.constant 128 : index
      %swap3A_1674 = vector.load %arg11[%swap3A_1671, %swap3A_1672, %swap3A_1673] : memref<6x1024x136xbf16, #tpu.memory_space<vmem>>, vector<1x1024x8xbf16>
      %swap3A_1675 = vector.shape_cast %swap3A_1674 : vector<1x1024x8xbf16> to vector<1024x8xbf16>
      %swap3A_1676 = vector.shape_cast %broadcast_in_dim3A_1670 : vector<1024x8xbf16> to vector<1x1024x8xbf16>
      tpu.vector_store %arg11[%swap3A_1671, %swap3A_1672, %swap3A_1673], %swap3A_1676 {strides = array<i32>} : memref<6x1024x136xbf16, #tpu.memory_space<vmem>>, vector<1x1024x8xbf16>,
      %get3A_1677 = arith.constant 4 : index
      %get3A_1678 = arith.constant 0 : index
      %get3A_1679 = arith.constant 0 : index
      %get3A_1680 = vector.load %arg4[%get3A_1677, %get3A_1678, %get3A_1679] : memref<7x1024x128xf32, #tpu.memory_space<vmem>>, vector<1x1024x128xf32>
      %get3A_1681 = vector.shape_cast %get3A_1680 : vector<1x1024x128xf32> to vector<1024x128xf32>
      %get3A_1682 = arith.constant 4 : index
      %get3A_1683 = arith.constant 0 : index
      %get3A_1684 = arith.constant 0 : index
      %get3A_1685 = vector.load %arg7[%get3A_1682, %get3A_1683, %get3A_1684] : memref<6x128x128xf32, #tpu.memory_space<vmem>>, vector<1x128x128xf32>
      %get3A_1686 = vector.shape_cast %get3A_1685 : vector<1x128x128xf32> to vector<128x128xf32>
      %dot_general3A_1687 = arith.constant dense<0.000000e+00> : vector<1024x128xf32>
      %dot_general3A_1688 = tpu.matmul %get3A_1681, %get3A_1686, %dot_general3A_1687 {dimension_numbers = #tpu.dot_dimension_numbers<[1], [0], [0], [1], [0, 0, 1, 1], [], []>, transpose_lhs_hint = false} : vector<1024x128xf32>, vector<128x128xf32>, vector<1024x128xf32> -> vector<1024x128xf32>
      %get3A_1689 = arith.constant 4 : index
      %get3A_1690 = arith.constant 0 : index
      %get3A_1691 = vector.load %arg8[%get3A_1689, %get3A_1690] : memref<6x128xf32, #tpu.memory_space<vmem>>, vector<1x128xf32>
      %add3A_1692 = vector.broadcast %get3A_1691 : vector<1x128xf32> to vector<1024x128xf32>
      %add3A_1693 = arith.addf %dot_general3A_1688, %add3A_1692 : vector<1024x128xf32>
      %convert_element_type3A_1694 = arith.truncf %add3A_1693 : vector<1024x128xf32> to vector<1024x128xbf16>
      %swap3A_1695 = arith.constant 4 : index
      %swap3A_1696 = arith.constant 0 : index
      %swap3A_1697 = arith.constant 0 : index
      %swap3A_1698 = vector.load %arg11[%swap3A_1695, %swap3A_1696, %swap3A_1697] : memref<6x1024x136xbf16, #tpu.memory_space<vmem>>, vector<1x1024x128xbf16>
      %swap3A_1699 = vector.shape_cast %swap3A_1698 : vector<1x1024x128xbf16> to vector<1024x128xbf16>
      %swap3A_1700 = vector.shape_cast %convert_element_type3A_1694 : vector<1024x128xbf16> to vector<1x1024x128xbf16>
      tpu.vector_store %arg11[%swap3A_1695, %swap3A_1696, %swap3A_1697], %swap3A_1700 {strides = array<i32>} : memref<6x1024x136xbf16, #tpu.memory_space<vmem>>, vector<1x1024x128xbf16>,
      %broadcast_in_dim3A_1701 = arith.constant 0.000000e+00 : bf16
      %broadcast_in_dim3A_1702 = vector.broadcast %broadcast_in_dim3A_1701 : bf16 to vector<1024x8xbf16>
      %swap3A_1703 = arith.constant 4 : index
      %swap3A_1704 = arith.constant 0 : index
      %swap3A_1705 = arith.constant 128 : index
      %swap3A_1706 = vector.load %arg11[%swap3A_1703, %swap3A_1704, %swap3A_1705] : memref<6x1024x136xbf16, #tpu.memory_space<vmem>>, vector<1x1024x8xbf16>
      %swap3A_1707 = vector.shape_cast %swap3A_1706 : vector<1x1024x8xbf16> to vector<1024x8xbf16>
      %swap3A_1708 = vector.shape_cast %broadcast_in_dim3A_1702 : vector<1024x8xbf16> to vector<1x1024x8xbf16>
      tpu.vector_store %arg11[%swap3A_1703, %swap3A_1704, %swap3A_1705], %swap3A_1708 {strides = array<i32>} : memref<6x1024x136xbf16, #tpu.memory_space<vmem>>, vector<1x1024x8xbf16>,
      %get3A_1709 = arith.constant 5 : index
      %get3A_1710 = arith.constant 0 : index
      %get3A_1711 = arith.constant 0 : index
      %get3A_1712 = vector.load %arg4[%get3A_1709, %get3A_1710, %get3A_1711] : memref<7x1024x128xf32, #tpu.memory_space<vmem>>, vector<1x1024x128xf32>
      %get3A_1713 = vector.shape_cast %get3A_1712 : vector<1x1024x128xf32> to vector<1024x128xf32>
      %get3A_1714 = arith.constant 5 : index
      %get3A_1715 = arith.constant 0 : index
      %get3A_1716 = arith.constant 0 : index
      %get3A_1717 = vector.load %arg7[%get3A_1714, %get3A_1715, %get3A_1716] : memref<6x128x128xf32, #tpu.memory_space<vmem>>, vector<1x128x128xf32>
      %get3A_1718 = vector.shape_cast %get3A_1717 : vector<1x128x128xf32> to vector<128x128xf32>
      %dot_general3A_1719 = arith.constant dense<0.000000e+00> : vector<1024x128xf32>
      %dot_general3A_1720 = tpu.matmul %get3A_1713, %get3A_1718, %dot_general3A_1719 {dimension_numbers = #tpu.dot_dimension_numbers<[1], [0], [0], [1], [0, 0, 1, 1], [], []>, transpose_lhs_hint = false} : vector<1024x128xf32>, vector<128x128xf32>, vector<1024x128xf32> -> vector<1024x128xf32>
      %get3A_1721 = arith.constant 5 : index
      %get3A_1722 = arith.constant 0 : index
      %get3A_1723 = vector.load %arg8[%get3A_1721, %get3A_1722] : memref<6x128xf32, #tpu.memory_space<vmem>>, vector<1x128xf32>
      %add3A_1724 = vector.broadcast %get3A_1723 : vector<1x128xf32> to vector<1024x128xf32>
      %add3A_1725 = arith.addf %dot_general3A_1720, %add3A_1724 : vector<1024x128xf32>
      %convert_element_type3A_1726 = arith.truncf %add3A_1725 : vector<1024x128xf32> to vector<1024x128xbf16>
      %swap3A_1727 = arith.constant 5 : index
      %swap3A_1728 = arith.constant 0 : index
      %swap3A_1729 = arith.constant 0 : index
      %swap3A_1730 = vector.load %arg11[%swap3A_1727, %swap3A_1728, %swap3A_1729] : memref<6x1024x136xbf16, #tpu.memory_space<vmem>>, vector<1x1024x128xbf16>
      %swap3A_1731 = vector.shape_cast %swap3A_1730 : vector<1x1024x128xbf16> to vector<1024x128xbf16>
      %swap3A_1732 = vector.shape_cast %convert_element_type3A_1726 : vector<1024x128xbf16> to vector<1x1024x128xbf16>
      tpu.vector_store %arg11[%swap3A_1727, %swap3A_1728, %swap3A_1729], %swap3A_1732 {strides = array<i32>} : memref<6x1024x136xbf16, #tpu.memory_space<vmem>>, vector<1x1024x128xbf16>,
      %broadcast_in_dim3A_1733 = arith.constant 0.000000e+00 : bf16
      %broadcast_in_dim3A_1734 = vector.broadcast %broadcast_in_dim3A_1733 : bf16 to vector<1024x8xbf16>
      %swap3A_1735 = arith.constant 5 : index
      %swap3A_1736 = arith.constant 0 : index
      %swap3A_1737 = arith.constant 128 : index
      %swap3A_1738 = vector.load %arg11[%swap3A_1735, %swap3A_1736, %swap3A_1737] : memref<6x1024x136xbf16, #tpu.memory_space<vmem>>, vector<1x1024x8xbf16>
      %swap3A_1739 = vector.shape_cast %swap3A_1738 : vector<1x1024x8xbf16> to vector<1024x8xbf16>
      %swap3A_1740 = vector.shape_cast %broadcast_in_dim3A_1734 : vector<1024x8xbf16> to vector<1x1024x8xbf16>
      tpu.vector_store %arg11[%swap3A_1735, %swap3A_1736, %swap3A_1737], %swap3A_1740 {strides = array<i32>} : memref<6x1024x136xbf16, #tpu.memory_space<vmem>>, vector<1x1024x8xbf16>,
    } else {
    }
    %get3A = arith.constant 0 : index
    %get3A_2 = arith.constant 0 : index
    %get3A_3 = arith.constant 0 : index
    %get3A_4 = vector.load %arg1[%get3A, %get3A_2, %get3A_3] : memref<1x128x1500xf32, #tpu.memory_space<vmem>>, vector<1x128x1500xf32>
    %get3A_5 = vector.shape_cast %get3A_4 : vector<1x128x1500xf32> to vector<128x1500xf32>
    %transpose3A = tpu.transpose %get3A_5, [1, 0] : vector<128x1500xf32> -> vector<1500x128xf32>
    %broadcast_in_dim3A = arith.constant 1.000000e+00 : f32
    %broadcast_in_dim3A_6 = vector.broadcast %broadcast_in_dim3A : f32 to vector<500x8xf32>
    %slice3A = vector.extract_strided_slice %transpose3A {offsets = [0, 0], sizes = [500, 128], strides = [1, 1]} : vector<1500x128xf32> to vector<500x128xf32>
    %concatenate3A = tpu.concatenate %slice3A, %broadcast_in_dim3A_6 in 1 : vector<500x128xf32>, vector<500x8xf32> -> vector<500x136xf32>
    %slice3A_7 = vector.extract_strided_slice %transpose3A {offsets = [500, 0], sizes = [500, 128], strides = [1, 1]} : vector<1500x128xf32> to vector<500x128xf32>
    %concatenate3A_8 = tpu.concatenate %slice3A_7, %broadcast_in_dim3A_6 in 1 : vector<500x128xf32>, vector<500x8xf32> -> vector<500x136xf32>
    %slice3A_9 = vector.extract_strided_slice %transpose3A {offsets = [1000, 0], sizes = [500, 128], strides = [1, 1]} : vector<1500x128xf32> to vector<500x128xf32>
    %concatenate3A_10 = tpu.concatenate %slice3A_9, %broadcast_in_dim3A_6 in 1 : vector<500x128xf32>, vector<500x8xf32> -> vector<500x136xf32>
    %broadcast_in_dim3A_11 = arith.constant 0.000000e+00 : f32
    %broadcast_in_dim3A_12 = vector.broadcast %broadcast_in_dim3A_11 : f32 to vector<1x1xf32>
    %convert_element_type3A_13 = arith.truncf %concatenate3A : vector<500x136xf32> to vector<500x136xbf16>
    %get3A_14 = arith.constant 0 : index
    %get3A_15 = arith.constant 0 : index
    %get3A_16 = arith.constant 0 : index
    %get3A_17 = vector.load %arg12[%get3A_14, %get3A_15, %get3A_16] : memref<7x136x136xbf16, #tpu.memory_space<vmem>>, vector<1x136x136xbf16>
    %get3A_18 = vector.shape_cast %get3A_17 : vector<1x136x136xbf16> to vector<136x136xbf16>
    %dot_general3A = arith.constant dense<0.000000e+00> : vector<500x136xf32>
    %dot_general3A_19 = tpu.matmul %convert_element_type3A_13, %get3A_18, %dot_general3A {dimension_numbers = #tpu.dot_dimension_numbers<[1], [0], [0], [1], [0, 0, 1, 1], [], []>, transpose_lhs_hint = false} : vector<500x136xbf16>, vector<136x136xbf16>, vector<500x136xf32> -> vector<500x136xf32>
    %convert_element_type3A_20 = arith.truncf %dot_general3A_19 : vector<500x136xf32> to vector<500x136xbf16>
    %get3A_21 = arith.constant 0 : index
    %get3A_22 = arith.constant 0 : index
    %get3A_23 = arith.constant 0 : index
    %get3A_24 = vector.load %arg10[%get3A_21, %get3A_22, %get3A_23] : memref<7x1024x136xbf16, #tpu.memory_space<vmem>>, vector<1x1024x136xbf16>
    %get3A_25 = vector.shape_cast %get3A_24 : vector<1x1024x136xbf16> to vector<1024x136xbf16>
    %dot_general3A_26 = arith.constant dense<0.000000e+00> : vector<500x1024xf32>
    %dot_general3A_27 = tpu.matmul %convert_element_type3A_20, %get3A_25, %dot_general3A_26 {dimension_numbers = #tpu.dot_dimension_numbers<[1], [1], [0], [0], [0, 0, 1, 0], [], []>, transpose_lhs_hint = false} : vector<500x136xbf16>, vector<1024x136xbf16>, vector<500x1024xf32> -> vector<500x1024xf32>
    %convert_element_type3A_28 = arith.truncf %concatenate3A_8 : vector<500x136xf32> to vector<500x136xbf16>
    %get3A_29 = arith.constant 0 : index
    %get3A_30 = arith.constant 0 : index
    %get3A_31 = arith.constant 0 : index
    %get3A_32 = vector.load %arg12[%get3A_29, %get3A_30, %get3A_31] : memref<7x136x136xbf16, #tpu.memory_space<vmem>>, vector<1x136x136xbf16>
    %get3A_33 = vector.shape_cast %get3A_32 : vector<1x136x136xbf16> to vector<136x136xbf16>
    %dot_general3A_34 = arith.constant dense<0.000000e+00> : vector<500x136xf32>
    %dot_general3A_35 = tpu.matmul %convert_element_type3A_28, %get3A_33, %dot_general3A_34 {dimension_numbers = #tpu.dot_dimension_numbers<[1], [0], [0], [1], [0, 0, 1, 1], [], []>, transpose_lhs_hint = false} : vector<500x136xbf16>, vector<136x136xbf16>, vector<500x136xf32> -> vector<500x136xf32>
    %convert_element_type3A_36 = arith.truncf %dot_general3A_35 : vector<500x136xf32> to vector<500x136xbf16>
    %get3A_37 = arith.constant 0 : index
    %get3A_38 = arith.constant 0 : index
    %get3A_39 = arith.constant 0 : index
    %get3A_40 = vector.load %arg10[%get3A_37, %get3A_38, %get3A_39] : memref<7x1024x136xbf16, #tpu.memory_space<vmem>>, vector<1x1024x136xbf16>
    %get3A_41 = vector.shape_cast %get3A_40 : vector<1x1024x136xbf16> to vector<1024x136xbf16>
    %dot_general3A_42 = arith.constant dense<0.000000e+00> : vector<500x1024xf32>
    %dot_general3A_43 = tpu.matmul %convert_element_type3A_36, %get3A_41, %dot_general3A_42 {dimension_numbers = #tpu.dot_dimension_numbers<[1], [1], [0], [0], [0, 0, 1, 0], [], []>, transpose_lhs_hint = false} : vector<500x136xbf16>, vector<1024x136xbf16>, vector<500x1024xf32> -> vector<500x1024xf32>
    %convert_element_type3A_44 = arith.truncf %concatenate3A_10 : vector<500x136xf32> to vector<500x136xbf16>
    %get3A_45 = arith.constant 0 : index
    %get3A_46 = arith.constant 0 : index
    %get3A_47 = arith.constant 0 : index
    %get3A_48 = vector.load %arg12[%get3A_45, %get3A_46, %get3A_47] : memref<7x136x136xbf16, #tpu.memory_space<vmem>>, vector<1x136x136xbf16>
    %get3A_49 = vector.shape_cast %get3A_48 : vector<1x136x136xbf16> to vector<136x136xbf16>
    %dot_general3A_50 = arith.constant dense<0.000000e+00> : vector<500x136xf32>
    %dot_general3A_51 = tpu.matmul %convert_element_type3A_44, %get3A_49, %dot_general3A_50 {dimension_numbers = #tpu.dot_dimension_numbers<[1], [0], [0], [1], [0, 0, 1, 1], [], []>, transpose_lhs_hint = false} : vector<500x136xbf16>, vector<136x136xbf16>, vector<500x136xf32> -> vector<500x136xf32>
    %convert_element_type3A_52 = arith.truncf %dot_general3A_51 : vector<500x136xf32> to vector<500x136xbf16>
    %get3A_53 = arith.constant 0 : index
    %get3A_54 = arith.constant 0 : index
    %get3A_55 = arith.constant 0 : index
    %get3A_56 = vector.load %arg10[%get3A_53, %get3A_54, %get3A_55] : memref<7x1024x136xbf16, #tpu.memory_space<vmem>>, vector<1x1024x136xbf16>
    %get3A_57 = vector.shape_cast %get3A_56 : vector<1x1024x136xbf16> to vector<1024x136xbf16>
    %dot_general3A_58 = arith.constant dense<0.000000e+00> : vector<500x1024xf32>
    %dot_general3A_59 = tpu.matmul %convert_element_type3A_52, %get3A_57, %dot_general3A_58 {dimension_numbers = #tpu.dot_dimension_numbers<[1], [1], [0], [0], [0, 0, 1, 0], [], []>, transpose_lhs_hint = false} : vector<500x136xbf16>, vector<1024x136xbf16>, vector<500x1024xf32> -> vector<500x1024xf32>
    %reduce_max3A = arith.constant dense<0xFF800000> : vector<500xf32>
    %reduce_max3A_60 = vector.multi_reduction <maximumf>, %dot_general3A_27, %reduce_max3A [1] : vector<500x1024xf32> to vector<500xf32>
    %broadcast_in_dim3A_61 = vector.shape_cast %reduce_max3A_60 : vector<500xf32> to vector<500x1xf32>
    %eq3A_62 = vector.broadcast %broadcast_in_dim3A_61 : vector<500x1xf32> to vector<500x1024xf32>
    %eq3A_63 = arith.cmpf oeq, %dot_general3A_27, %eq3A_62 : vector<500x1024xf32>
    %convert_element_type3A_64 = arith.extui %eq3A_63 : vector<500x1024xi1> to vector<500x1024xi32>
    %convert_element_type3A_65 = arith.sitofp %convert_element_type3A_64 : vector<500x1024xi32> to vector<500x1024xf32>
    %convert_element_type3A_66 = arith.truncf %convert_element_type3A_65 : vector<500x1024xf32> to vector<500x1024xbf16>
    %get3A_67 = arith.constant 0 : index
    %get3A_68 = arith.constant 0 : index
    %get3A_69 = arith.constant 0 : index
    %get3A_70 = vector.load %arg11[%get3A_67, %get3A_68, %get3A_69] : memref<6x1024x136xbf16, #tpu.memory_space<vmem>>, vector<1x1024x136xbf16>
    %get3A_71 = vector.shape_cast %get3A_70 : vector<1x1024x136xbf16> to vector<1024x136xbf16>
    %dot_general3A_72 = arith.constant dense<0.000000e+00> : vector<500x136xf32>
    %dot_general3A_73 = tpu.matmul %convert_element_type3A_66, %get3A_71, %dot_general3A_72 {dimension_numbers = #tpu.dot_dimension_numbers<[1], [0], [0], [1], [0, 0, 1, 1], [], []>, transpose_lhs_hint = false} : vector<500x1024xbf16>, vector<1024x136xbf16>, vector<500x136xf32> -> vector<500x136xf32>
    %sub3A = arith.subf %concatenate3A, %dot_general3A_73 : vector<500x136xf32>
    %reduce_max3A_74 = arith.constant dense<0xFF800000> : vector<500xf32>
    %reduce_max3A_75 = vector.multi_reduction <maximumf>, %dot_general3A_43, %reduce_max3A_74 [1] : vector<500x1024xf32> to vector<500xf32>
    %broadcast_in_dim3A_76 = vector.shape_cast %reduce_max3A_75 : vector<500xf32> to vector<500x1xf32>
    %eq3A_77 = vector.broadcast %broadcast_in_dim3A_76 : vector<500x1xf32> to vector<500x1024xf32>
    %eq3A_78 = arith.cmpf oeq, %dot_general3A_43, %eq3A_77 : vector<500x1024xf32>
    %convert_element_type3A_79 = arith.extui %eq3A_78 : vector<500x1024xi1> to vector<500x1024xi32>
    %convert_element_type3A_80 = arith.sitofp %convert_element_type3A_79 : vector<500x1024xi32> to vector<500x1024xf32>
    %convert_element_type3A_81 = arith.truncf %convert_element_type3A_80 : vector<500x1024xf32> to vector<500x1024xbf16>
    %get3A_82 = arith.constant 0 : index
    %get3A_83 = arith.constant 0 : index
    %get3A_84 = arith.constant 0 : index
    %get3A_85 = vector.load %arg11[%get3A_82, %get3A_83, %get3A_84] : memref<6x1024x136xbf16, #tpu.memory_space<vmem>>, vector<1x1024x136xbf16>
    %get3A_86 = vector.shape_cast %get3A_85 : vector<1x1024x136xbf16> to vector<1024x136xbf16>
    %dot_general3A_87 = arith.constant dense<0.000000e+00> : vector<500x136xf32>
    %dot_general3A_88 = tpu.matmul %convert_element_type3A_81, %get3A_86, %dot_general3A_87 {dimension_numbers = #tpu.dot_dimension_numbers<[1], [0], [0], [1], [0, 0, 1, 1], [], []>, transpose_lhs_hint = false} : vector<500x1024xbf16>, vector<1024x136xbf16>, vector<500x136xf32> -> vector<500x136xf32>
    %sub3A_89 = arith.subf %concatenate3A_8, %dot_general3A_88 : vector<500x136xf32>
    %reduce_max3A_90 = arith.constant dense<0xFF800000> : vector<500xf32>
    %reduce_max3A_91 = vector.multi_reduction <maximumf>, %dot_general3A_59, %reduce_max3A_90 [1] : vector<500x1024xf32> to vector<500xf32>
    %broadcast_in_dim3A_92 = vector.shape_cast %reduce_max3A_91 : vector<500xf32> to vector<500x1xf32>
    %eq3A_93 = vector.broadcast %broadcast_in_dim3A_92 : vector<500x1xf32> to vector<500x1024xf32>
    %eq3A_94 = arith.cmpf oeq, %dot_general3A_59, %eq3A_93 : vector<500x1024xf32>
    %convert_element_type3A_95 = arith.extui %eq3A_94 : vector<500x1024xi1> to vector<500x1024xi32>
    %convert_element_type3A_96 = arith.sitofp %convert_element_type3A_95 : vector<500x1024xi32> to vector<500x1024xf32>
    %convert_element_type3A_97 = arith.truncf %convert_element_type3A_96 : vector<500x1024xf32> to vector<500x1024xbf16>
    %get3A_98 = arith.constant 0 : index
    %get3A_99 = arith.constant 0 : index
    %get3A_100 = arith.constant 0 : index
    %get3A_101 = vector.load %arg11[%get3A_98, %get3A_99, %get3A_100] : memref<6x1024x136xbf16, #tpu.memory_space<vmem>>, vector<1x1024x136xbf16>
    %get3A_102 = vector.shape_cast %get3A_101 : vector<1x1024x136xbf16> to vector<1024x136xbf16>
    %dot_general3A_103 = arith.constant dense<0.000000e+00> : vector<500x136xf32>
    %dot_general3A_104 = tpu.matmul %convert_element_type3A_97, %get3A_102, %dot_general3A_103 {dimension_numbers = #tpu.dot_dimension_numbers<[1], [0], [0], [1], [0, 0, 1, 1], [], []>, transpose_lhs_hint = false} : vector<500x1024xbf16>, vector<1024x136xbf16>, vector<500x136xf32> -> vector<500x136xf32>
    %sub3A_105 = arith.subf %concatenate3A_10, %dot_general3A_104 : vector<500x136xf32>
    %get3A_106 = arith.constant 0 : index
    %get3A_107 = arith.constant 0 : index
    %get3A_108 = arith.constant 0 : index
    %get3A_109 = arith.constant 0 : index
    %get3A_110 = vector.load %arg3[%get3A_106, %get3A_107, %get3A_108, %get3A_109] : memref<4x1x1500x128xf32, #tpu.memory_space<vmem>>, vector<1x1x1500x128xf32>
    %get3A_111 = vector.shape_cast %get3A_110 : vector<1x1x1500x128xf32> to vector<1500x128xf32>
    %slice3A_112 = vector.extract_strided_slice %get3A_111 {offsets = [0, 0], sizes = [500, 128], strides = [1, 1]} : vector<1500x128xf32> to vector<500x128xf32>
    %slice3A_113 = vector.extract_strided_slice %dot_general3A_19 {offsets = [0, 0], sizes = [500, 128], strides = [1, 1]} : vector<500x136xf32> to vector<500x128xf32>
    %mul3A = arith.mulf %slice3A_113, %slice3A_112 : vector<500x128xf32>
    %reduce_sum3A = arith.constant dense<0.000000e+00> : vector<500xf32>
    %reduce_sum3A_114 = vector.multi_reduction <add>, %mul3A, %reduce_sum3A [1] : vector<500x128xf32> to vector<500xf32>
    %broadcast_in_dim3A_115 = vector.shape_cast %reduce_sum3A_114 : vector<500xf32> to vector<500x1xf32>
    %mul3A_116 = arith.mulf %slice3A_112, %slice3A_112 : vector<500x128xf32>
    %reduce_sum3A_117 = arith.constant dense<0.000000e+00> : vector<500xf32>
    %reduce_sum3A_118 = vector.multi_reduction <add>, %mul3A_116, %reduce_sum3A_117 [1] : vector<500x128xf32> to vector<500xf32>
    %broadcast_in_dim3A_119 = vector.shape_cast %reduce_sum3A_118 : vector<500xf32> to vector<500x1xf32>
    %mul3A_120 = arith.constant 7.812500e-03 : f32
    %mul3A_121 = vector.broadcast %mul3A_120 : f32 to vector<500x1xf32>
    %mul3A_122 = arith.mulf %broadcast_in_dim3A_119, %mul3A_121 : vector<500x1xf32>
    %sub3A_123 = arith.subf %broadcast_in_dim3A_115, %mul3A_122 : vector<500x1xf32>
    %exp3A = math.exp %dot_general3A_27 : vector<500x1024xf32>
    %reduce_sum3A_124 = arith.constant dense<0.000000e+00> : vector<500xf32>
    %reduce_sum3A_125 = vector.multi_reduction <add>, %exp3A, %reduce_sum3A_124 [1] : vector<500x1024xf32> to vector<500xf32>
    %broadcast_in_dim3A_126 = vector.shape_cast %reduce_sum3A_125 : vector<500xf32> to vector<500x1xf32>
    %log3A = math.log %broadcast_in_dim3A_126 : vector<500x1xf32>
    %sub3A_127 = arith.subf %log3A, %sub3A_123 : vector<500x1xf32>
    %reduce_sum3A_128 = arith.constant dense<0.000000e+00> : vector<1xf32>
    %reduce_sum3A_129 = vector.multi_reduction <add>, %sub3A_127, %reduce_sum3A_128 [0] : vector<500x1xf32> to vector<1xf32>
    %broadcast_in_dim3A_130 = vector.shape_cast %reduce_sum3A_129 : vector<1xf32> to vector<1x1xf32>
    %add3A = arith.addf %broadcast_in_dim3A_12, %broadcast_in_dim3A_130 : vector<1x1xf32>
    %get3A_131 = arith.constant 0 : index
    %get3A_132 = arith.constant 0 : index
    %get3A_133 = arith.constant 0 : index
    %get3A_134 = arith.constant 0 : index
    %get3A_135 = vector.load %arg3[%get3A_131, %get3A_132, %get3A_133, %get3A_134] : memref<4x1x1500x128xf32, #tpu.memory_space<vmem>>, vector<1x1x1500x128xf32>
    %get3A_136 = vector.shape_cast %get3A_135 : vector<1x1x1500x128xf32> to vector<1500x128xf32>
    %slice3A_137 = vector.extract_strided_slice %get3A_136 {offsets = [500, 0], sizes = [500, 128], strides = [1, 1]} : vector<1500x128xf32> to vector<500x128xf32>
    %slice3A_138 = vector.extract_strided_slice %dot_general3A_35 {offsets = [0, 0], sizes = [500, 128], strides = [1, 1]} : vector<500x136xf32> to vector<500x128xf32>
    %mul3A_139 = arith.mulf %slice3A_138, %slice3A_137 : vector<500x128xf32>
    %reduce_sum3A_140 = arith.constant dense<0.000000e+00> : vector<500xf32>
    %reduce_sum3A_141 = vector.multi_reduction <add>, %mul3A_139, %reduce_sum3A_140 [1] : vector<500x128xf32> to vector<500xf32>
    %broadcast_in_dim3A_142 = vector.shape_cast %reduce_sum3A_141 : vector<500xf32> to vector<500x1xf32>
    %mul3A_143 = arith.mulf %slice3A_137, %slice3A_137 : vector<500x128xf32>
    %reduce_sum3A_144 = arith.constant dense<0.000000e+00> : vector<500xf32>
    %reduce_sum3A_145 = vector.multi_reduction <add>, %mul3A_143, %reduce_sum3A_144 [1] : vector<500x128xf32> to vector<500xf32>
    %broadcast_in_dim3A_146 = vector.shape_cast %reduce_sum3A_145 : vector<500xf32> to vector<500x1xf32>
    %mul3A_147 = arith.constant 7.812500e-03 : f32
    %mul3A_148 = vector.broadcast %mul3A_147 : f32 to vector<500x1xf32>
    %mul3A_149 = arith.mulf %broadcast_in_dim3A_146, %mul3A_148 : vector<500x1xf32>
    %sub3A_150 = arith.subf %broadcast_in_dim3A_142, %mul3A_149 : vector<500x1xf32>
    %exp3A_151 = math.exp %dot_general3A_43 : vector<500x1024xf32>
    %reduce_sum3A_152 = arith.constant dense<0.000000e+00> : vector<500xf32>
    %reduce_sum3A_153 = vector.multi_reduction <add>, %exp3A_151, %reduce_sum3A_152 [1] : vector<500x1024xf32> to vector<500xf32>
    %broadcast_in_dim3A_154 = vector.shape_cast %reduce_sum3A_153 : vector<500xf32> to vector<500x1xf32>
    %log3A_155 = math.log %broadcast_in_dim3A_154 : vector<500x1xf32>
    %sub3A_156 = arith.subf %log3A_155, %sub3A_150 : vector<500x1xf32>
    %reduce_sum3A_157 = arith.constant dense<0.000000e+00> : vector<1xf32>
    %reduce_sum3A_158 = vector.multi_reduction <add>, %sub3A_156, %reduce_sum3A_157 [0] : vector<500x1xf32> to vector<1xf32>
    %broadcast_in_dim3A_159 = vector.shape_cast %reduce_sum3A_158 : vector<1xf32> to vector<1x1xf32>
    %add3A_160 = arith.addf %add3A, %broadcast_in_dim3A_159 : vector<1x1xf32>
    %get3A_161 = arith.constant 0 : index
    %get3A_162 = arith.constant 0 : index
    %get3A_163 = arith.constant 0 : index
    %get3A_164 = arith.constant 0 : index
    %get3A_165 = vector.load %arg3[%get3A_161, %get3A_162, %get3A_163, %get3A_164] : memref<4x1x1500x128xf32, #tpu.memory_space<vmem>>, vector<1x1x1500x128xf32>
    %get3A_166 = vector.shape_cast %get3A_165 : vector<1x1x1500x128xf32> to vector<1500x128xf32>
    %slice3A_167 = vector.extract_strided_slice %get3A_166 {offsets = [1000, 0], sizes = [500, 128], strides = [1, 1]} : vector<1500x128xf32> to vector<500x128xf32>
    %slice3A_168 = vector.extract_strided_slice %dot_general3A_51 {offsets = [0, 0], sizes = [500, 128], strides = [1, 1]} : vector<500x136xf32> to vector<500x128xf32>
    %mul3A_169 = arith.mulf %slice3A_168, %slice3A_167 : vector<500x128xf32>
    %reduce_sum3A_170 = arith.constant dense<0.000000e+00> : vector<500xf32>
    %reduce_sum3A_171 = vector.multi_reduction <add>, %mul3A_169, %reduce_sum3A_170 [1] : vector<500x128xf32> to vector<500xf32>
    %broadcast_in_dim3A_172 = vector.shape_cast %reduce_sum3A_171 : vector<500xf32> to vector<500x1xf32>
    %mul3A_173 = arith.mulf %slice3A_167, %slice3A_167 : vector<500x128xf32>
    %reduce_sum3A_174 = arith.constant dense<0.000000e+00> : vector<500xf32>
    %reduce_sum3A_175 = vector.multi_reduction <add>, %mul3A_173, %reduce_sum3A_174 [1] : vector<500x128xf32> to vector<500xf32>
    %broadcast_in_dim3A_176 = vector.shape_cast %reduce_sum3A_175 : vector<500xf32> to vector<500x1xf32>
    %mul3A_177 = arith.constant 7.812500e-03 : f32
    %mul3A_178 = vector.broadcast %mul3A_177 : f32 to vector<500x1xf32>
    %mul3A_179 = arith.mulf %broadcast_in_dim3A_176, %mul3A_178 : vector<500x1xf32>
    %sub3A_180 = arith.subf %broadcast_in_dim3A_172, %mul3A_179 : vector<500x1xf32>
    %exp3A_181 = math.exp %dot_general3A_59 : vector<500x1024xf32>
    %reduce_sum3A_182 = arith.constant dense<0.000000e+00> : vector<500xf32>
    %reduce_sum3A_183 = vector.multi_reduction <add>, %exp3A_181, %reduce_sum3A_182 [1] : vector<500x1024xf32> to vector<500xf32>
    %broadcast_in_dim3A_184 = vector.shape_cast %reduce_sum3A_183 : vector<500xf32> to vector<500x1xf32>
    %log3A_185 = math.log %broadcast_in_dim3A_184 : vector<500x1xf32>
    %sub3A_186 = arith.subf %log3A_185, %sub3A_180 : vector<500x1xf32>
    %reduce_sum3A_187 = arith.constant dense<0.000000e+00> : vector<1xf32>
    %reduce_sum3A_188 = vector.multi_reduction <add>, %sub3A_186, %reduce_sum3A_187 [0] : vector<500x1xf32> to vector<1xf32>
    %broadcast_in_dim3A_189 = vector.shape_cast %reduce_sum3A_188 : vector<1xf32> to vector<1x1xf32>
    %add3A_190 = arith.addf %add3A_160, %broadcast_in_dim3A_189 : vector<1x1xf32>
    %convert_element_type3A_191 = arith.truncf %sub3A : vector<500x136xf32> to vector<500x136xbf16>
    %get3A_192 = arith.constant 1 : index
    %get3A_193 = arith.constant 0 : index
    %get3A_194 = arith.constant 0 : index
    %get3A_195 = vector.load %arg12[%get3A_192, %get3A_193, %get3A_194] : memref<7x136x136xbf16, #tpu.memory_space<vmem>>, vector<1x136x136xbf16>
    %get3A_196 = vector.shape_cast %get3A_195 : vector<1x136x136xbf16> to vector<136x136xbf16>
    %dot_general3A_197 = arith.constant dense<0.000000e+00> : vector<500x136xf32>
    %dot_general3A_198 = tpu.matmul %convert_element_type3A_191, %get3A_196, %dot_general3A_197 {dimension_numbers = #tpu.dot_dimension_numbers<[1], [0], [0], [1], [0, 0, 1, 1], [], []>, transpose_lhs_hint = false} : vector<500x136xbf16>, vector<136x136xbf16>, vector<500x136xf32> -> vector<500x136xf32>
    %convert_element_type3A_199 = arith.truncf %dot_general3A_198 : vector<500x136xf32> to vector<500x136xbf16>
    %get3A_200 = arith.constant 1 : index
    %get3A_201 = arith.constant 0 : index
    %get3A_202 = arith.constant 0 : index
    %get3A_203 = vector.load %arg10[%get3A_200, %get3A_201, %get3A_202] : memref<7x1024x136xbf16, #tpu.memory_space<vmem>>, vector<1x1024x136xbf16>
    %get3A_204 = vector.shape_cast %get3A_203 : vector<1x1024x136xbf16> to vector<1024x136xbf16>
    %dot_general3A_205 = arith.constant dense<0.000000e+00> : vector<500x1024xf32>
    %dot_general3A_206 = tpu.matmul %convert_element_type3A_199, %get3A_204, %dot_general3A_205 {dimension_numbers = #tpu.dot_dimension_numbers<[1], [1], [0], [0], [0, 0, 1, 0], [], []>, transpose_lhs_hint = false} : vector<500x136xbf16>, vector<1024x136xbf16>, vector<500x1024xf32> -> vector<500x1024xf32>
    %convert_element_type3A_207 = arith.truncf %sub3A_89 : vector<500x136xf32> to vector<500x136xbf16>
    %get3A_208 = arith.constant 1 : index
    %get3A_209 = arith.constant 0 : index
    %get3A_210 = arith.constant 0 : index
    %get3A_211 = vector.load %arg12[%get3A_208, %get3A_209, %get3A_210] : memref<7x136x136xbf16, #tpu.memory_space<vmem>>, vector<1x136x136xbf16>
    %get3A_212 = vector.shape_cast %get3A_211 : vector<1x136x136xbf16> to vector<136x136xbf16>
    %dot_general3A_213 = arith.constant dense<0.000000e+00> : vector<500x136xf32>
    %dot_general3A_214 = tpu.matmul %convert_element_type3A_207, %get3A_212, %dot_general3A_213 {dimension_numbers = #tpu.dot_dimension_numbers<[1], [0], [0], [1], [0, 0, 1, 1], [], []>, transpose_lhs_hint = false} : vector<500x136xbf16>, vector<136x136xbf16>, vector<500x136xf32> -> vector<500x136xf32>
    %convert_element_type3A_215 = arith.truncf %dot_general3A_214 : vector<500x136xf32> to vector<500x136xbf16>
    %get3A_216 = arith.constant 1 : index
    %get3A_217 = arith.constant 0 : index
    %get3A_218 = arith.constant 0 : index
    %get3A_219 = vector.load %arg10[%get3A_216, %get3A_217, %get3A_218] : memref<7x1024x136xbf16, #tpu.memory_space<vmem>>, vector<1x1024x136xbf16>
    %get3A_220 = vector.shape_cast %get3A_219 : vector<1x1024x136xbf16> to vector<1024x136xbf16>
    %dot_general3A_221 = arith.constant dense<0.000000e+00> : vector<500x1024xf32>
    %dot_general3A_222 = tpu.matmul %convert_element_type3A_215, %get3A_220, %dot_general3A_221 {dimension_numbers = #tpu.dot_dimension_numbers<[1], [1], [0], [0], [0, 0, 1, 0], [], []>, transpose_lhs_hint = false} : vector<500x136xbf16>, vector<1024x136xbf16>, vector<500x1024xf32> -> vector<500x1024xf32>
    %convert_element_type3A_223 = arith.truncf %sub3A_105 : vector<500x136xf32> to vector<500x136xbf16>
    %get3A_224 = arith.constant 1 : index
    %get3A_225 = arith.constant 0 : index
    %get3A_226 = arith.constant 0 : index
    %get3A_227 = vector.load %arg12[%get3A_224, %get3A_225, %get3A_226] : memref<7x136x136xbf16, #tpu.memory_space<vmem>>, vector<1x136x136xbf16>
    %get3A_228 = vector.shape_cast %get3A_227 : vector<1x136x136xbf16> to vector<136x136xbf16>
    %dot_general3A_229 = arith.constant dense<0.000000e+00> : vector<500x136xf32>
    %dot_general3A_230 = tpu.matmul %convert_element_type3A_223, %get3A_228, %dot_general3A_229 {dimension_numbers = #tpu.dot_dimension_numbers<[1], [0], [0], [1], [0, 0, 1, 1], [], []>, transpose_lhs_hint = false} : vector<500x136xbf16>, vector<136x136xbf16>, vector<500x136xf32> -> vector<500x136xf32>
    %convert_element_type3A_231 = arith.truncf %dot_general3A_230 : vector<500x136xf32> to vector<500x136xbf16>
    %get3A_232 = arith.constant 1 : index
    %get3A_233 = arith.constant 0 : index
    %get3A_234 = arith.constant 0 : index
    %get3A_235 = vector.load %arg10[%get3A_232, %get3A_233, %get3A_234] : memref<7x1024x136xbf16, #tpu.memory_space<vmem>>, vector<1x1024x136xbf16>
    %get3A_236 = vector.shape_cast %get3A_235 : vector<1x1024x136xbf16> to vector<1024x136xbf16>
    %dot_general3A_237 = arith.constant dense<0.000000e+00> : vector<500x1024xf32>
    %dot_general3A_238 = tpu.matmul %convert_element_type3A_231, %get3A_236, %dot_general3A_237 {dimension_numbers = #tpu.dot_dimension_numbers<[1], [1], [0], [0], [0, 0, 1, 0], [], []>, transpose_lhs_hint = false} : vector<500x136xbf16>, vector<1024x136xbf16>, vector<500x1024xf32> -> vector<500x1024xf32>
    %reduce_max3A_239 = arith.constant dense<0xFF800000> : vector<500xf32>
    %reduce_max3A_240 = vector.multi_reduction <maximumf>, %dot_general3A_206, %reduce_max3A_239 [1] : vector<500x1024xf32> to vector<500xf32>
    %broadcast_in_dim3A_241 = vector.shape_cast %reduce_max3A_240 : vector<500xf32> to vector<500x1xf32>
    %eq3A_242 = vector.broadcast %broadcast_in_dim3A_241 : vector<500x1xf32> to vector<500x1024xf32>
    %eq3A_243 = arith.cmpf oeq, %dot_general3A_206, %eq3A_242 : vector<500x1024xf32>
    %convert_element_type3A_244 = arith.extui %eq3A_243 : vector<500x1024xi1> to vector<500x1024xi32>
    %convert_element_type3A_245 = arith.sitofp %convert_element_type3A_244 : vector<500x1024xi32> to vector<500x1024xf32>
    %convert_element_type3A_246 = arith.truncf %convert_element_type3A_245 : vector<500x1024xf32> to vector<500x1024xbf16>
    %get3A_247 = arith.constant 1 : index
    %get3A_248 = arith.constant 0 : index
    %get3A_249 = arith.constant 0 : index
    %get3A_250 = vector.load %arg11[%get3A_247, %get3A_248, %get3A_249] : memref<6x1024x136xbf16, #tpu.memory_space<vmem>>, vector<1x1024x136xbf16>
    %get3A_251 = vector.shape_cast %get3A_250 : vector<1x1024x136xbf16> to vector<1024x136xbf16>
    %dot_general3A_252 = arith.constant dense<0.000000e+00> : vector<500x136xf32>
    %dot_general3A_253 = tpu.matmul %convert_element_type3A_246, %get3A_251, %dot_general3A_252 {dimension_numbers = #tpu.dot_dimension_numbers<[1], [0], [0], [1], [0, 0, 1, 1], [], []>, transpose_lhs_hint = false} : vector<500x1024xbf16>, vector<1024x136xbf16>, vector<500x136xf32> -> vector<500x136xf32>
    %sub3A_254 = arith.subf %sub3A, %dot_general3A_253 : vector<500x136xf32>
    %reduce_max3A_255 = arith.constant dense<0xFF800000> : vector<500xf32>
    %reduce_max3A_256 = vector.multi_reduction <maximumf>, %dot_general3A_222, %reduce_max3A_255 [1] : vector<500x1024xf32> to vector<500xf32>
    %broadcast_in_dim3A_257 = vector.shape_cast %reduce_max3A_256 : vector<500xf32> to vector<500x1xf32>
    %eq3A_258 = vector.broadcast %broadcast_in_dim3A_257 : vector<500x1xf32> to vector<500x1024xf32>
    %eq3A_259 = arith.cmpf oeq, %dot_general3A_222, %eq3A_258 : vector<500x1024xf32>
    %convert_element_type3A_260 = arith.extui %eq3A_259 : vector<500x1024xi1> to vector<500x1024xi32>
    %convert_element_type3A_261 = arith.sitofp %convert_element_type3A_260 : vector<500x1024xi32> to vector<500x1024xf32>
    %convert_element_type3A_262 = arith.truncf %convert_element_type3A_261 : vector<500x1024xf32> to vector<500x1024xbf16>
    %get3A_263 = arith.constant 1 : index
    %get3A_264 = arith.constant 0 : index
    %get3A_265 = arith.constant 0 : index
    %get3A_266 = vector.load %arg11[%get3A_263, %get3A_264, %get3A_265] : memref<6x1024x136xbf16, #tpu.memory_space<vmem>>, vector<1x1024x136xbf16>
    %get3A_267 = vector.shape_cast %get3A_266 : vector<1x1024x136xbf16> to vector<1024x136xbf16>
    %dot_general3A_268 = arith.constant dense<0.000000e+00> : vector<500x136xf32>
    %dot_general3A_269 = tpu.matmul %convert_element_type3A_262, %get3A_267, %dot_general3A_268 {dimension_numbers = #tpu.dot_dimension_numbers<[1], [0], [0], [1], [0, 0, 1, 1], [], []>, transpose_lhs_hint = false} : vector<500x1024xbf16>, vector<1024x136xbf16>, vector<500x136xf32> -> vector<500x136xf32>
    %sub3A_270 = arith.subf %sub3A_89, %dot_general3A_269 : vector<500x136xf32>
    %reduce_max3A_271 = arith.constant dense<0xFF800000> : vector<500xf32>
    %reduce_max3A_272 = vector.multi_reduction <maximumf>, %dot_general3A_238, %reduce_max3A_271 [1] : vector<500x1024xf32> to vector<500xf32>
    %broadcast_in_dim3A_273 = vector.shape_cast %reduce_max3A_272 : vector<500xf32> to vector<500x1xf32>
    %eq3A_274 = vector.broadcast %broadcast_in_dim3A_273 : vector<500x1xf32> to vector<500x1024xf32>
    %eq3A_275 = arith.cmpf oeq, %dot_general3A_238, %eq3A_274 : vector<500x1024xf32>
    %convert_element_type3A_276 = arith.extui %eq3A_275 : vector<500x1024xi1> to vector<500x1024xi32>
    %convert_element_type3A_277 = arith.sitofp %convert_element_type3A_276 : vector<500x1024xi32> to vector<500x1024xf32>
    %convert_element_type3A_278 = arith.truncf %convert_element_type3A_277 : vector<500x1024xf32> to vector<500x1024xbf16>
    %get3A_279 = arith.constant 1 : index
    %get3A_280 = arith.constant 0 : index
    %get3A_281 = arith.constant 0 : index
    %get3A_282 = vector.load %arg11[%get3A_279, %get3A_280, %get3A_281] : memref<6x1024x136xbf16, #tpu.memory_space<vmem>>, vector<1x1024x136xbf16>
    %get3A_283 = vector.shape_cast %get3A_282 : vector<1x1024x136xbf16> to vector<1024x136xbf16>
    %dot_general3A_284 = arith.constant dense<0.000000e+00> : vector<500x136xf32>
    %dot_general3A_285 = tpu.matmul %convert_element_type3A_278, %get3A_283, %dot_general3A_284 {dimension_numbers = #tpu.dot_dimension_numbers<[1], [0], [0], [1], [0, 0, 1, 1], [], []>, transpose_lhs_hint = false} : vector<500x1024xbf16>, vector<1024x136xbf16>, vector<500x136xf32> -> vector<500x136xf32>
    %sub3A_286 = arith.subf %sub3A_105, %dot_general3A_285 : vector<500x136xf32>
    %get3A_287 = arith.constant 1 : index
    %get3A_288 = arith.constant 0 : index
    %get3A_289 = arith.constant 0 : index
    %get3A_290 = arith.constant 0 : index
    %get3A_291 = vector.load %arg3[%get3A_287, %get3A_288, %get3A_289, %get3A_290] : memref<4x1x1500x128xf32, #tpu.memory_space<vmem>>, vector<1x1x1500x128xf32>
    %get3A_292 = vector.shape_cast %get3A_291 : vector<1x1x1500x128xf32> to vector<1500x128xf32>
    %slice3A_293 = vector.extract_strided_slice %get3A_292 {offsets = [0, 0], sizes = [500, 128], strides = [1, 1]} : vector<1500x128xf32> to vector<500x128xf32>
    %slice3A_294 = vector.extract_strided_slice %dot_general3A_198 {offsets = [0, 0], sizes = [500, 128], strides = [1, 1]} : vector<500x136xf32> to vector<500x128xf32>
    %mul3A_295 = arith.mulf %slice3A_294, %slice3A_293 : vector<500x128xf32>
    %reduce_sum3A_296 = arith.constant dense<0.000000e+00> : vector<500xf32>
    %reduce_sum3A_297 = vector.multi_reduction <add>, %mul3A_295, %reduce_sum3A_296 [1] : vector<500x128xf32> to vector<500xf32>
    %broadcast_in_dim3A_298 = vector.shape_cast %reduce_sum3A_297 : vector<500xf32> to vector<500x1xf32>
    %mul3A_299 = arith.mulf %slice3A_293, %slice3A_293 : vector<500x128xf32>
    %reduce_sum3A_300 = arith.constant dense<0.000000e+00> : vector<500xf32>
    %reduce_sum3A_301 = vector.multi_reduction <add>, %mul3A_299, %reduce_sum3A_300 [1] : vector<500x128xf32> to vector<500xf32>
    %broadcast_in_dim3A_302 = vector.shape_cast %reduce_sum3A_301 : vector<500xf32> to vector<500x1xf32>
    %mul3A_303 = arith.constant 7.812500e-03 : f32
    %mul3A_304 = vector.broadcast %mul3A_303 : f32 to vector<500x1xf32>
    %mul3A_305 = arith.mulf %broadcast_in_dim3A_302, %mul3A_304 : vector<500x1xf32>
    %sub3A_306 = arith.subf %broadcast_in_dim3A_298, %mul3A_305 : vector<500x1xf32>
    %exp3A_307 = math.exp %dot_general3A_206 : vector<500x1024xf32>
    %reduce_sum3A_308 = arith.constant dense<0.000000e+00> : vector<500xf32>
    %reduce_sum3A_309 = vector.multi_reduction <add>, %exp3A_307, %reduce_sum3A_308 [1] : vector<500x1024xf32> to vector<500xf32>
    %broadcast_in_dim3A_310 = vector.shape_cast %reduce_sum3A_309 : vector<500xf32> to vector<500x1xf32>
    %log3A_311 = math.log %broadcast_in_dim3A_310 : vector<500x1xf32>
    %sub3A_312 = arith.subf %log3A_311, %sub3A_306 : vector<500x1xf32>
    %reduce_sum3A_313 = arith.constant dense<0.000000e+00> : vector<1xf32>
    %reduce_sum3A_314 = vector.multi_reduction <add>, %sub3A_312, %reduce_sum3A_313 [0] : vector<500x1xf32> to vector<1xf32>
    %broadcast_in_dim3A_315 = vector.shape_cast %reduce_sum3A_314 : vector<1xf32> to vector<1x1xf32>
    %add3A_316 = arith.addf %add3A_190, %broadcast_in_dim3A_315 : vector<1x1xf32>
    %get3A_317 = arith.constant 1 : index
    %get3A_318 = arith.constant 0 : index
    %get3A_319 = arith.constant 0 : index
    %get3A_320 = arith.constant 0 : index
    %get3A_321 = vector.load %arg3[%get3A_317, %get3A_318, %get3A_319, %get3A_320] : memref<4x1x1500x128xf32, #tpu.memory_space<vmem>>, vector<1x1x1500x128xf32>
    %get3A_322 = vector.shape_cast %get3A_321 : vector<1x1x1500x128xf32> to vector<1500x128xf32>
    %slice3A_323 = vector.extract_strided_slice %get3A_322 {offsets = [500, 0], sizes = [500, 128], strides = [1, 1]} : vector<1500x128xf32> to vector<500x128xf32>
    %slice3A_324 = vector.extract_strided_slice %dot_general3A_214 {offsets = [0, 0], sizes = [500, 128], strides = [1, 1]} : vector<500x136xf32> to vector<500x128xf32>
    %mul3A_325 = arith.mulf %slice3A_324, %slice3A_323 : vector<500x128xf32>
    %reduce_sum3A_326 = arith.constant dense<0.000000e+00> : vector<500xf32>
    %reduce_sum3A_327 = vector.multi_reduction <add>, %mul3A_325, %reduce_sum3A_326 [1] : vector<500x128xf32> to vector<500xf32>
    %broadcast_in_dim3A_328 = vector.shape_cast %reduce_sum3A_327 : vector<500xf32> to vector<500x1xf32>
    %mul3A_329 = arith.mulf %slice3A_323, %slice3A_323 : vector<500x128xf32>
    %reduce_sum3A_330 = arith.constant dense<0.000000e+00> : vector<500xf32>
    %reduce_sum3A_331 = vector.multi_reduction <add>, %mul3A_329, %reduce_sum3A_330 [1] : vector<500x128xf32> to vector<500xf32>
    %broadcast_in_dim3A_332 = vector.shape_cast %reduce_sum3A_331 : vector<500xf32> to vector<500x1xf32>
    %mul3A_333 = arith.constant 7.812500e-03 : f32
    %mul3A_334 = vector.broadcast %mul3A_333 : f32 to vector<500x1xf32>
    %mul3A_335 = arith.mulf %broadcast_in_dim3A_332, %mul3A_334 : vector<500x1xf32>
    %sub3A_336 = arith.subf %broadcast_in_dim3A_328, %mul3A_335 : vector<500x1xf32>
    %exp3A_337 = math.exp %dot_general3A_222 : vector<500x1024xf32>
    %reduce_sum3A_338 = arith.constant dense<0.000000e+00> : vector<500xf32>
    %reduce_sum3A_339 = vector.multi_reduction <add>, %exp3A_337, %reduce_sum3A_338 [1] : vector<500x1024xf32> to vector<500xf32>
    %broadcast_in_dim3A_340 = vector.shape_cast %reduce_sum3A_339 : vector<500xf32> to vector<500x1xf32>
    %log3A_341 = math.log %broadcast_in_dim3A_340 : vector<500x1xf32>
    %sub3A_342 = arith.subf %log3A_341, %sub3A_336 : vector<500x1xf32>
    %reduce_sum3A_343 = arith.constant dense<0.000000e+00> : vector<1xf32>
    %reduce_sum3A_344 = vector.multi_reduction <add>, %sub3A_342, %reduce_sum3A_343 [0] : vector<500x1xf32> to vector<1xf32>
    %broadcast_in_dim3A_345 = vector.shape_cast %reduce_sum3A_344 : vector<1xf32> to vector<1x1xf32>
    %add3A_346 = arith.addf %add3A_316, %broadcast_in_dim3A_345 : vector<1x1xf32>
    %get3A_347 = arith.constant 1 : index
    %get3A_348 = arith.constant 0 : index
    %get3A_349 = arith.constant 0 : index
    %get3A_350 = arith.constant 0 : index
    %get3A_351 = vector.load %arg3[%get3A_347, %get3A_348, %get3A_349, %get3A_350] : memref<4x1x1500x128xf32, #tpu.memory_space<vmem>>, vector<1x1x1500x128xf32>
    %get3A_352 = vector.shape_cast %get3A_351 : vector<1x1x1500x128xf32> to vector<1500x128xf32>
    %slice3A_353 = vector.extract_strided_slice %get3A_352 {offsets = [1000, 0], sizes = [500, 128], strides = [1, 1]} : vector<1500x128xf32> to vector<500x128xf32>
    %slice3A_354 = vector.extract_strided_slice %dot_general3A_230 {offsets = [0, 0], sizes = [500, 128], strides = [1, 1]} : vector<500x136xf32> to vector<500x128xf32>
    %mul3A_355 = arith.mulf %slice3A_354, %slice3A_353 : vector<500x128xf32>
    %reduce_sum3A_356 = arith.constant dense<0.000000e+00> : vector<500xf32>
    %reduce_sum3A_357 = vector.multi_reduction <add>, %mul3A_355, %reduce_sum3A_356 [1] : vector<500x128xf32> to vector<500xf32>
    %broadcast_in_dim3A_358 = vector.shape_cast %reduce_sum3A_357 : vector<500xf32> to vector<500x1xf32>
    %mul3A_359 = arith.mulf %slice3A_353, %slice3A_353 : vector<500x128xf32>
    %reduce_sum3A_360 = arith.constant dense<0.000000e+00> : vector<500xf32>
    %reduce_sum3A_361 = vector.multi_reduction <add>, %mul3A_359, %reduce_sum3A_360 [1] : vector<500x128xf32> to vector<500xf32>
    %broadcast_in_dim3A_362 = vector.shape_cast %reduce_sum3A_361 : vector<500xf32> to vector<500x1xf32>
    %mul3A_363 = arith.constant 7.812500e-03 : f32
    %mul3A_364 = vector.broadcast %mul3A_363 : f32 to vector<500x1xf32>
    %mul3A_365 = arith.mulf %broadcast_in_dim3A_362, %mul3A_364 : vector<500x1xf32>
    %sub3A_366 = arith.subf %broadcast_in_dim3A_358, %mul3A_365 : vector<500x1xf32>
    %exp3A_367 = math.exp %dot_general3A_238 : vector<500x1024xf32>
    %reduce_sum3A_368 = arith.constant dense<0.000000e+00> : vector<500xf32>
    %reduce_sum3A_369 = vector.multi_reduction <add>, %exp3A_367, %reduce_sum3A_368 [1] : vector<500x1024xf32> to vector<500xf32>
    %broadcast_in_dim3A_370 = vector.shape_cast %reduce_sum3A_369 : vector<500xf32> to vector<500x1xf32>
    %log3A_371 = math.log %broadcast_in_dim3A_370 : vector<500x1xf32>
    %sub3A_372 = arith.subf %log3A_371, %sub3A_366 : vector<500x1xf32>
    %reduce_sum3A_373 = arith.constant dense<0.000000e+00> : vector<1xf32>
    %reduce_sum3A_374 = vector.multi_reduction <add>, %sub3A_372, %reduce_sum3A_373 [0] : vector<500x1xf32> to vector<1xf32>
    %broadcast_in_dim3A_375 = vector.shape_cast %reduce_sum3A_374 : vector<1xf32> to vector<1x1xf32>
    %add3A_376 = arith.addf %add3A_346, %broadcast_in_dim3A_375 : vector<1x1xf32>
    %convert_element_type3A_377 = arith.truncf %sub3A_254 : vector<500x136xf32> to vector<500x136xbf16>
    %get3A_378 = arith.constant 2 : index
    %get3A_379 = arith.constant 0 : index
    %get3A_380 = arith.constant 0 : index
    %get3A_381 = vector.load %arg12[%get3A_378, %get3A_379, %get3A_380] : memref<7x136x136xbf16, #tpu.memory_space<vmem>>, vector<1x136x136xbf16>
    %get3A_382 = vector.shape_cast %get3A_381 : vector<1x136x136xbf16> to vector<136x136xbf16>
    %dot_general3A_383 = arith.constant dense<0.000000e+00> : vector<500x136xf32>
    %dot_general3A_384 = tpu.matmul %convert_element_type3A_377, %get3A_382, %dot_general3A_383 {dimension_numbers = #tpu.dot_dimension_numbers<[1], [0], [0], [1], [0, 0, 1, 1], [], []>, transpose_lhs_hint = false} : vector<500x136xbf16>, vector<136x136xbf16>, vector<500x136xf32> -> vector<500x136xf32>
    %convert_element_type3A_385 = arith.truncf %dot_general3A_384 : vector<500x136xf32> to vector<500x136xbf16>
    %get3A_386 = arith.constant 2 : index
    %get3A_387 = arith.constant 0 : index
    %get3A_388 = arith.constant 0 : index
    %get3A_389 = vector.load %arg10[%get3A_386, %get3A_387, %get3A_388] : memref<7x1024x136xbf16, #tpu.memory_space<vmem>>, vector<1x1024x136xbf16>
    %get3A_390 = vector.shape_cast %get3A_389 : vector<1x1024x136xbf16> to vector<1024x136xbf16>
    %dot_general3A_391 = arith.constant dense<0.000000e+00> : vector<500x1024xf32>
    %dot_general3A_392 = tpu.matmul %convert_element_type3A_385, %get3A_390, %dot_general3A_391 {dimension_numbers = #tpu.dot_dimension_numbers<[1], [1], [0], [0], [0, 0, 1, 0], [], []>, transpose_lhs_hint = false} : vector<500x136xbf16>, vector<1024x136xbf16>, vector<500x1024xf32> -> vector<500x1024xf32>
    %convert_element_type3A_393 = arith.truncf %sub3A_270 : vector<500x136xf32> to vector<500x136xbf16>
    %get3A_394 = arith.constant 2 : index
    %get3A_395 = arith.constant 0 : index
    %get3A_396 = arith.constant 0 : index
    %get3A_397 = vector.load %arg12[%get3A_394, %get3A_395, %get3A_396] : memref<7x136x136xbf16, #tpu.memory_space<vmem>>, vector<1x136x136xbf16>
    %get3A_398 = vector.shape_cast %get3A_397 : vector<1x136x136xbf16> to vector<136x136xbf16>
    %dot_general3A_399 = arith.constant dense<0.000000e+00> : vector<500x136xf32>
    %dot_general3A_400 = tpu.matmul %convert_element_type3A_393, %get3A_398, %dot_general3A_399 {dimension_numbers = #tpu.dot_dimension_numbers<[1], [0], [0], [1], [0, 0, 1, 1], [], []>, transpose_lhs_hint = false} : vector<500x136xbf16>, vector<136x136xbf16>, vector<500x136xf32> -> vector<500x136xf32>
    %convert_element_type3A_401 = arith.truncf %dot_general3A_400 : vector<500x136xf32> to vector<500x136xbf16>
    %get3A_402 = arith.constant 2 : index
    %get3A_403 = arith.constant 0 : index
    %get3A_404 = arith.constant 0 : index
    %get3A_405 = vector.load %arg10[%get3A_402, %get3A_403, %get3A_404] : memref<7x1024x136xbf16, #tpu.memory_space<vmem>>, vector<1x1024x136xbf16>
    %get3A_406 = vector.shape_cast %get3A_405 : vector<1x1024x136xbf16> to vector<1024x136xbf16>
    %dot_general3A_407 = arith.constant dense<0.000000e+00> : vector<500x1024xf32>
    %dot_general3A_408 = tpu.matmul %convert_element_type3A_401, %get3A_406, %dot_general3A_407 {dimension_numbers = #tpu.dot_dimension_numbers<[1], [1], [0], [0], [0, 0, 1, 0], [], []>, transpose_lhs_hint = false} : vector<500x136xbf16>, vector<1024x136xbf16>, vector<500x1024xf32> -> vector<500x1024xf32>
    %convert_element_type3A_409 = arith.truncf %sub3A_286 : vector<500x136xf32> to vector<500x136xbf16>
    %get3A_410 = arith.constant 2 : index
    %get3A_411 = arith.constant 0 : index
    %get3A_412 = arith.constant 0 : index
    %get3A_413 = vector.load %arg12[%get3A_410, %get3A_411, %get3A_412] : memref<7x136x136xbf16, #tpu.memory_space<vmem>>, vector<1x136x136xbf16>
    %get3A_414 = vector.shape_cast %get3A_413 : vector<1x136x136xbf16> to vector<136x136xbf16>
    %dot_general3A_415 = arith.constant dense<0.000000e+00> : vector<500x136xf32>
    %dot_general3A_416 = tpu.matmul %convert_element_type3A_409, %get3A_414, %dot_general3A_415 {dimension_numbers = #tpu.dot_dimension_numbers<[1], [0], [0], [1], [0, 0, 1, 1], [], []>, transpose_lhs_hint = false} : vector<500x136xbf16>, vector<136x136xbf16>, vector<500x136xf32> -> vector<500x136xf32>
    %convert_element_type3A_417 = arith.truncf %dot_general3A_416 : vector<500x136xf32> to vector<500x136xbf16>
    %get3A_418 = arith.constant 2 : index
    %get3A_419 = arith.constant 0 : index
    %get3A_420 = arith.constant 0 : index
    %get3A_421 = vector.load %arg10[%get3A_418, %get3A_419, %get3A_420] : memref<7x1024x136xbf16, #tpu.memory_space<vmem>>, vector<1x1024x136xbf16>
    %get3A_422 = vector.shape_cast %get3A_421 : vector<1x1024x136xbf16> to vector<1024x136xbf16>
    %dot_general3A_423 = arith.constant dense<0.000000e+00> : vector<500x1024xf32>
    %dot_general3A_424 = tpu.matmul %convert_element_type3A_417, %get3A_422, %dot_general3A_423 {dimension_numbers = #tpu.dot_dimension_numbers<[1], [1], [0], [0], [0, 0, 1, 0], [], []>, transpose_lhs_hint = false} : vector<500x136xbf16>, vector<1024x136xbf16>, vector<500x1024xf32> -> vector<500x1024xf32>
    %reduce_max3A_425 = arith.constant dense<0xFF800000> : vector<500xf32>
    %reduce_max3A_426 = vector.multi_reduction <maximumf>, %dot_general3A_392, %reduce_max3A_425 [1] : vector<500x1024xf32> to vector<500xf32>
    %broadcast_in_dim3A_427 = vector.shape_cast %reduce_max3A_426 : vector<500xf32> to vector<500x1xf32>
    %eq3A_428 = vector.broadcast %broadcast_in_dim3A_427 : vector<500x1xf32> to vector<500x1024xf32>
    %eq3A_429 = arith.cmpf oeq, %dot_general3A_392, %eq3A_428 : vector<500x1024xf32>
    %convert_element_type3A_430 = arith.extui %eq3A_429 : vector<500x1024xi1> to vector<500x1024xi32>
    %convert_element_type3A_431 = arith.sitofp %convert_element_type3A_430 : vector<500x1024xi32> to vector<500x1024xf32>
    %convert_element_type3A_432 = arith.truncf %convert_element_type3A_431 : vector<500x1024xf32> to vector<500x1024xbf16>
    %get3A_433 = arith.constant 2 : index
    %get3A_434 = arith.constant 0 : index
    %get3A_435 = arith.constant 0 : index
    %get3A_436 = vector.load %arg11[%get3A_433, %get3A_434, %get3A_435] : memref<6x1024x136xbf16, #tpu.memory_space<vmem>>, vector<1x1024x136xbf16>
    %get3A_437 = vector.shape_cast %get3A_436 : vector<1x1024x136xbf16> to vector<1024x136xbf16>
    %dot_general3A_438 = arith.constant dense<0.000000e+00> : vector<500x136xf32>
    %dot_general3A_439 = tpu.matmul %convert_element_type3A_432, %get3A_437, %dot_general3A_438 {dimension_numbers = #tpu.dot_dimension_numbers<[1], [0], [0], [1], [0, 0, 1, 1], [], []>, transpose_lhs_hint = false} : vector<500x1024xbf16>, vector<1024x136xbf16>, vector<500x136xf32> -> vector<500x136xf32>
    %sub3A_440 = arith.subf %sub3A_254, %dot_general3A_439 : vector<500x136xf32>
    %reduce_max3A_441 = arith.constant dense<0xFF800000> : vector<500xf32>
    %reduce_max3A_442 = vector.multi_reduction <maximumf>, %dot_general3A_408, %reduce_max3A_441 [1] : vector<500x1024xf32> to vector<500xf32>
    %broadcast_in_dim3A_443 = vector.shape_cast %reduce_max3A_442 : vector<500xf32> to vector<500x1xf32>
    %eq3A_444 = vector.broadcast %broadcast_in_dim3A_443 : vector<500x1xf32> to vector<500x1024xf32>
    %eq3A_445 = arith.cmpf oeq, %dot_general3A_408, %eq3A_444 : vector<500x1024xf32>
    %convert_element_type3A_446 = arith.extui %eq3A_445 : vector<500x1024xi1> to vector<500x1024xi32>
    %convert_element_type3A_447 = arith.sitofp %convert_element_type3A_446 : vector<500x1024xi32> to vector<500x1024xf32>
    %convert_element_type3A_448 = arith.truncf %convert_element_type3A_447 : vector<500x1024xf32> to vector<500x1024xbf16>
    %get3A_449 = arith.constant 2 : index
    %get3A_450 = arith.constant 0 : index
    %get3A_451 = arith.constant 0 : index
    %get3A_452 = vector.load %arg11[%get3A_449, %get3A_450, %get3A_451] : memref<6x1024x136xbf16, #tpu.memory_space<vmem>>, vector<1x1024x136xbf16>
    %get3A_453 = vector.shape_cast %get3A_452 : vector<1x1024x136xbf16> to vector<1024x136xbf16>
    %dot_general3A_454 = arith.constant dense<0.000000e+00> : vector<500x136xf32>
    %dot_general3A_455 = tpu.matmul %convert_element_type3A_448, %get3A_453, %dot_general3A_454 {dimension_numbers = #tpu.dot_dimension_numbers<[1], [0], [0], [1], [0, 0, 1, 1], [], []>, transpose_lhs_hint = false} : vector<500x1024xbf16>, vector<1024x136xbf16>, vector<500x136xf32> -> vector<500x136xf32>
    %sub3A_456 = arith.subf %sub3A_270, %dot_general3A_455 : vector<500x136xf32>
    %reduce_max3A_457 = arith.constant dense<0xFF800000> : vector<500xf32>
    %reduce_max3A_458 = vector.multi_reduction <maximumf>, %dot_general3A_424, %reduce_max3A_457 [1] : vector<500x1024xf32> to vector<500xf32>
    %broadcast_in_dim3A_459 = vector.shape_cast %reduce_max3A_458 : vector<500xf32> to vector<500x1xf32>
    %eq3A_460 = vector.broadcast %broadcast_in_dim3A_459 : vector<500x1xf32> to vector<500x1024xf32>
    %eq3A_461 = arith.cmpf oeq, %dot_general3A_424, %eq3A_460 : vector<500x1024xf32>
    %convert_element_type3A_462 = arith.extui %eq3A_461 : vector<500x1024xi1> to vector<500x1024xi32>
    %convert_element_type3A_463 = arith.sitofp %convert_element_type3A_462 : vector<500x1024xi32> to vector<500x1024xf32>
    %convert_element_type3A_464 = arith.truncf %convert_element_type3A_463 : vector<500x1024xf32> to vector<500x1024xbf16>
    %get3A_465 = arith.constant 2 : index
    %get3A_466 = arith.constant 0 : index
    %get3A_467 = arith.constant 0 : index
    %get3A_468 = vector.load %arg11[%get3A_465, %get3A_466, %get3A_467] : memref<6x1024x136xbf16, #tpu.memory_space<vmem>>, vector<1x1024x136xbf16>
    %get3A_469 = vector.shape_cast %get3A_468 : vector<1x1024x136xbf16> to vector<1024x136xbf16>
    %dot_general3A_470 = arith.constant dense<0.000000e+00> : vector<500x136xf32>
    %dot_general3A_471 = tpu.matmul %convert_element_type3A_464, %get3A_469, %dot_general3A_470 {dimension_numbers = #tpu.dot_dimension_numbers<[1], [0], [0], [1], [0, 0, 1, 1], [], []>, transpose_lhs_hint = false} : vector<500x1024xbf16>, vector<1024x136xbf16>, vector<500x136xf32> -> vector<500x136xf32>
    %sub3A_472 = arith.subf %sub3A_286, %dot_general3A_471 : vector<500x136xf32>
    %convert_element_type3A_473 = arith.truncf %sub3A_440 : vector<500x136xf32> to vector<500x136xbf16>
    %get3A_474 = arith.constant 3 : index
    %get3A_475 = arith.constant 0 : index
    %get3A_476 = arith.constant 0 : index
    %get3A_477 = vector.load %arg12[%get3A_474, %get3A_475, %get3A_476] : memref<7x136x136xbf16, #tpu.memory_space<vmem>>, vector<1x136x136xbf16>
    %get3A_478 = vector.shape_cast %get3A_477 : vector<1x136x136xbf16> to vector<136x136xbf16>
    %dot_general3A_479 = arith.constant dense<0.000000e+00> : vector<500x136xf32>
    %dot_general3A_480 = tpu.matmul %convert_element_type3A_473, %get3A_478, %dot_general3A_479 {dimension_numbers = #tpu.dot_dimension_numbers<[1], [0], [0], [1], [0, 0, 1, 1], [], []>, transpose_lhs_hint = false} : vector<500x136xbf16>, vector<136x136xbf16>, vector<500x136xf32> -> vector<500x136xf32>
    %convert_element_type3A_481 = arith.truncf %dot_general3A_480 : vector<500x136xf32> to vector<500x136xbf16>
    %get3A_482 = arith.constant 3 : index
    %get3A_483 = arith.constant 0 : index
    %get3A_484 = arith.constant 0 : index
    %get3A_485 = vector.load %arg10[%get3A_482, %get3A_483, %get3A_484] : memref<7x1024x136xbf16, #tpu.memory_space<vmem>>, vector<1x1024x136xbf16>
    %get3A_486 = vector.shape_cast %get3A_485 : vector<1x1024x136xbf16> to vector<1024x136xbf16>
    %dot_general3A_487 = arith.constant dense<0.000000e+00> : vector<500x1024xf32>
    %dot_general3A_488 = tpu.matmul %convert_element_type3A_481, %get3A_486, %dot_general3A_487 {dimension_numbers = #tpu.dot_dimension_numbers<[1], [1], [0], [0], [0, 0, 1, 0], [], []>, transpose_lhs_hint = false} : vector<500x136xbf16>, vector<1024x136xbf16>, vector<500x1024xf32> -> vector<500x1024xf32>
    %convert_element_type3A_489 = arith.truncf %sub3A_456 : vector<500x136xf32> to vector<500x136xbf16>
    %get3A_490 = arith.constant 3 : index
    %get3A_491 = arith.constant 0 : index
    %get3A_492 = arith.constant 0 : index
    %get3A_493 = vector.load %arg12[%get3A_490, %get3A_491, %get3A_492] : memref<7x136x136xbf16, #tpu.memory_space<vmem>>, vector<1x136x136xbf16>
    %get3A_494 = vector.shape_cast %get3A_493 : vector<1x136x136xbf16> to vector<136x136xbf16>
    %dot_general3A_495 = arith.constant dense<0.000000e+00> : vector<500x136xf32>
    %dot_general3A_496 = tpu.matmul %convert_element_type3A_489, %get3A_494, %dot_general3A_495 {dimension_numbers = #tpu.dot_dimension_numbers<[1], [0], [0], [1], [0, 0, 1, 1], [], []>, transpose_lhs_hint = false} : vector<500x136xbf16>, vector<136x136xbf16>, vector<500x136xf32> -> vector<500x136xf32>
    %convert_element_type3A_497 = arith.truncf %dot_general3A_496 : vector<500x136xf32> to vector<500x136xbf16>
    %get3A_498 = arith.constant 3 : index
    %get3A_499 = arith.constant 0 : index
    %get3A_500 = arith.constant 0 : index
    %get3A_501 = vector.load %arg10[%get3A_498, %get3A_499, %get3A_500] : memref<7x1024x136xbf16, #tpu.memory_space<vmem>>, vector<1x1024x136xbf16>
    %get3A_502 = vector.shape_cast %get3A_501 : vector<1x1024x136xbf16> to vector<1024x136xbf16>
    %dot_general3A_503 = arith.constant dense<0.000000e+00> : vector<500x1024xf32>
    %dot_general3A_504 = tpu.matmul %convert_element_type3A_497, %get3A_502, %dot_general3A_503 {dimension_numbers = #tpu.dot_dimension_numbers<[1], [1], [0], [0], [0, 0, 1, 0], [], []>, transpose_lhs_hint = false} : vector<500x136xbf16>, vector<1024x136xbf16>, vector<500x1024xf32> -> vector<500x1024xf32>
    %convert_element_type3A_505 = arith.truncf %sub3A_472 : vector<500x136xf32> to vector<500x136xbf16>
    %get3A_506 = arith.constant 3 : index
    %get3A_507 = arith.constant 0 : index
    %get3A_508 = arith.constant 0 : index
    %get3A_509 = vector.load %arg12[%get3A_506, %get3A_507, %get3A_508] : memref<7x136x136xbf16, #tpu.memory_space<vmem>>, vector<1x136x136xbf16>
    %get3A_510 = vector.shape_cast %get3A_509 : vector<1x136x136xbf16> to vector<136x136xbf16>
    %dot_general3A_511 = arith.constant dense<0.000000e+00> : vector<500x136xf32>
    %dot_general3A_512 = tpu.matmul %convert_element_type3A_505, %get3A_510, %dot_general3A_511 {dimension_numbers = #tpu.dot_dimension_numbers<[1], [0], [0], [1], [0, 0, 1, 1], [], []>, transpose_lhs_hint = false} : vector<500x136xbf16>, vector<136x136xbf16>, vector<500x136xf32> -> vector<500x136xf32>
    %convert_element_type3A_513 = arith.truncf %dot_general3A_512 : vector<500x136xf32> to vector<500x136xbf16>
    %get3A_514 = arith.constant 3 : index
    %get3A_515 = arith.constant 0 : index
    %get3A_516 = arith.constant 0 : index
    %get3A_517 = vector.load %arg10[%get3A_514, %get3A_515, %get3A_516] : memref<7x1024x136xbf16, #tpu.memory_space<vmem>>, vector<1x1024x136xbf16>
    %get3A_518 = vector.shape_cast %get3A_517 : vector<1x1024x136xbf16> to vector<1024x136xbf16>
    %dot_general3A_519 = arith.constant dense<0.000000e+00> : vector<500x1024xf32>
    %dot_general3A_520 = tpu.matmul %convert_element_type3A_513, %get3A_518, %dot_general3A_519 {dimension_numbers = #tpu.dot_dimension_numbers<[1], [1], [0], [0], [0, 0, 1, 0], [], []>, transpose_lhs_hint = false} : vector<500x136xbf16>, vector<1024x136xbf16>, vector<500x1024xf32> -> vector<500x1024xf32>
    %reduce_max3A_521 = arith.constant dense<0xFF800000> : vector<500xf32>
    %reduce_max3A_522 = vector.multi_reduction <maximumf>, %dot_general3A_488, %reduce_max3A_521 [1] : vector<500x1024xf32> to vector<500xf32>
    %broadcast_in_dim3A_523 = vector.shape_cast %reduce_max3A_522 : vector<500xf32> to vector<500x1xf32>
    %eq3A_524 = vector.broadcast %broadcast_in_dim3A_523 : vector<500x1xf32> to vector<500x1024xf32>
    %eq3A_525 = arith.cmpf oeq, %dot_general3A_488, %eq3A_524 : vector<500x1024xf32>
    %convert_element_type3A_526 = arith.extui %eq3A_525 : vector<500x1024xi1> to vector<500x1024xi32>
    %convert_element_type3A_527 = arith.sitofp %convert_element_type3A_526 : vector<500x1024xi32> to vector<500x1024xf32>
    %convert_element_type3A_528 = arith.truncf %convert_element_type3A_527 : vector<500x1024xf32> to vector<500x1024xbf16>
    %get3A_529 = arith.constant 3 : index
    %get3A_530 = arith.constant 0 : index
    %get3A_531 = arith.constant 0 : index
    %get3A_532 = vector.load %arg11[%get3A_529, %get3A_530, %get3A_531] : memref<6x1024x136xbf16, #tpu.memory_space<vmem>>, vector<1x1024x136xbf16>
    %get3A_533 = vector.shape_cast %get3A_532 : vector<1x1024x136xbf16> to vector<1024x136xbf16>
    %dot_general3A_534 = arith.constant dense<0.000000e+00> : vector<500x136xf32>
    %dot_general3A_535 = tpu.matmul %convert_element_type3A_528, %get3A_533, %dot_general3A_534 {dimension_numbers = #tpu.dot_dimension_numbers<[1], [0], [0], [1], [0, 0, 1, 1], [], []>, transpose_lhs_hint = false} : vector<500x1024xbf16>, vector<1024x136xbf16>, vector<500x136xf32> -> vector<500x136xf32>
    %sub3A_536 = arith.subf %sub3A_440, %dot_general3A_535 : vector<500x136xf32>
    %reduce_max3A_537 = arith.constant dense<0xFF800000> : vector<500xf32>
    %reduce_max3A_538 = vector.multi_reduction <maximumf>, %dot_general3A_504, %reduce_max3A_537 [1] : vector<500x1024xf32> to vector<500xf32>
    %broadcast_in_dim3A_539 = vector.shape_cast %reduce_max3A_538 : vector<500xf32> to vector<500x1xf32>
    %eq3A_540 = vector.broadcast %broadcast_in_dim3A_539 : vector<500x1xf32> to vector<500x1024xf32>
    %eq3A_541 = arith.cmpf oeq, %dot_general3A_504, %eq3A_540 : vector<500x1024xf32>
    %convert_element_type3A_542 = arith.extui %eq3A_541 : vector<500x1024xi1> to vector<500x1024xi32>
    %convert_element_type3A_543 = arith.sitofp %convert_element_type3A_542 : vector<500x1024xi32> to vector<500x1024xf32>
    %convert_element_type3A_544 = arith.truncf %convert_element_type3A_543 : vector<500x1024xf32> to vector<500x1024xbf16>
    %get3A_545 = arith.constant 3 : index
    %get3A_546 = arith.constant 0 : index
    %get3A_547 = arith.constant 0 : index
    %get3A_548 = vector.load %arg11[%get3A_545, %get3A_546, %get3A_547] : memref<6x1024x136xbf16, #tpu.memory_space<vmem>>, vector<1x1024x136xbf16>
    %get3A_549 = vector.shape_cast %get3A_548 : vector<1x1024x136xbf16> to vector<1024x136xbf16>
    %dot_general3A_550 = arith.constant dense<0.000000e+00> : vector<500x136xf32>
    %dot_general3A_551 = tpu.matmul %convert_element_type3A_544, %get3A_549, %dot_general3A_550 {dimension_numbers = #tpu.dot_dimension_numbers<[1], [0], [0], [1], [0, 0, 1, 1], [], []>, transpose_lhs_hint = false} : vector<500x1024xbf16>, vector<1024x136xbf16>, vector<500x136xf32> -> vector<500x136xf32>
    %sub3A_552 = arith.subf %sub3A_456, %dot_general3A_551 : vector<500x136xf32>
    %reduce_max3A_553 = arith.constant dense<0xFF800000> : vector<500xf32>
    %reduce_max3A_554 = vector.multi_reduction <maximumf>, %dot_general3A_520, %reduce_max3A_553 [1] : vector<500x1024xf32> to vector<500xf32>
    %broadcast_in_dim3A_555 = vector.shape_cast %reduce_max3A_554 : vector<500xf32> to vector<500x1xf32>
    %eq3A_556 = vector.broadcast %broadcast_in_dim3A_555 : vector<500x1xf32> to vector<500x1024xf32>
    %eq3A_557 = arith.cmpf oeq, %dot_general3A_520, %eq3A_556 : vector<500x1024xf32>
    %convert_element_type3A_558 = arith.extui %eq3A_557 : vector<500x1024xi1> to vector<500x1024xi32>
    %convert_element_type3A_559 = arith.sitofp %convert_element_type3A_558 : vector<500x1024xi32> to vector<500x1024xf32>
    %convert_element_type3A_560 = arith.truncf %convert_element_type3A_559 : vector<500x1024xf32> to vector<500x1024xbf16>
    %get3A_561 = arith.constant 3 : index
    %get3A_562 = arith.constant 0 : index
    %get3A_563 = arith.constant 0 : index
    %get3A_564 = vector.load %arg11[%get3A_561, %get3A_562, %get3A_563] : memref<6x1024x136xbf16, #tpu.memory_space<vmem>>, vector<1x1024x136xbf16>
    %get3A_565 = vector.shape_cast %get3A_564 : vector<1x1024x136xbf16> to vector<1024x136xbf16>
    %dot_general3A_566 = arith.constant dense<0.000000e+00> : vector<500x136xf32>
    %dot_general3A_567 = tpu.matmul %convert_element_type3A_560, %get3A_565, %dot_general3A_566 {dimension_numbers = #tpu.dot_dimension_numbers<[1], [0], [0], [1], [0, 0, 1, 1], [], []>, transpose_lhs_hint = false} : vector<500x1024xbf16>, vector<1024x136xbf16>, vector<500x136xf32> -> vector<500x136xf32>
    %sub3A_568 = arith.subf %sub3A_472, %dot_general3A_567 : vector<500x136xf32>
    %get3A_569 = arith.constant 2 : index
    %get3A_570 = arith.constant 0 : index
    %get3A_571 = arith.constant 0 : index
    %get3A_572 = arith.constant 0 : index
    %get3A_573 = vector.load %arg3[%get3A_569, %get3A_570, %get3A_571, %get3A_572] : memref<4x1x1500x128xf32, #tpu.memory_space<vmem>>, vector<1x1x1500x128xf32>
    %get3A_574 = vector.shape_cast %get3A_573 : vector<1x1x1500x128xf32> to vector<1500x128xf32>
    %slice3A_575 = vector.extract_strided_slice %get3A_574 {offsets = [0, 0], sizes = [500, 128], strides = [1, 1]} : vector<1500x128xf32> to vector<500x128xf32>
    %slice3A_576 = vector.extract_strided_slice %dot_general3A_480 {offsets = [0, 0], sizes = [500, 128], strides = [1, 1]} : vector<500x136xf32> to vector<500x128xf32>
    %mul3A_577 = arith.mulf %slice3A_576, %slice3A_575 : vector<500x128xf32>
    %reduce_sum3A_578 = arith.constant dense<0.000000e+00> : vector<500xf32>
    %reduce_sum3A_579 = vector.multi_reduction <add>, %mul3A_577, %reduce_sum3A_578 [1] : vector<500x128xf32> to vector<500xf32>
    %broadcast_in_dim3A_580 = vector.shape_cast %reduce_sum3A_579 : vector<500xf32> to vector<500x1xf32>
    %mul3A_581 = arith.mulf %slice3A_575, %slice3A_575 : vector<500x128xf32>
    %reduce_sum3A_582 = arith.constant dense<0.000000e+00> : vector<500xf32>
    %reduce_sum3A_583 = vector.multi_reduction <add>, %mul3A_581, %reduce_sum3A_582 [1] : vector<500x128xf32> to vector<500xf32>
    %broadcast_in_dim3A_584 = vector.shape_cast %reduce_sum3A_583 : vector<500xf32> to vector<500x1xf32>
    %mul3A_585 = arith.constant 7.812500e-03 : f32
    %mul3A_586 = vector.broadcast %mul3A_585 : f32 to vector<500x1xf32>
    %mul3A_587 = arith.mulf %broadcast_in_dim3A_584, %mul3A_586 : vector<500x1xf32>
    %sub3A_588 = arith.subf %broadcast_in_dim3A_580, %mul3A_587 : vector<500x1xf32>
    %exp3A_589 = math.exp %dot_general3A_488 : vector<500x1024xf32>
    %reduce_sum3A_590 = arith.constant dense<0.000000e+00> : vector<500xf32>
    %reduce_sum3A_591 = vector.multi_reduction <add>, %exp3A_589, %reduce_sum3A_590 [1] : vector<500x1024xf32> to vector<500xf32>
    %broadcast_in_dim3A_592 = vector.shape_cast %reduce_sum3A_591 : vector<500xf32> to vector<500x1xf32>
    %log3A_593 = math.log %broadcast_in_dim3A_592 : vector<500x1xf32>
    %sub3A_594 = arith.subf %log3A_593, %sub3A_588 : vector<500x1xf32>
    %reduce_sum3A_595 = arith.constant dense<0.000000e+00> : vector<1xf32>
    %reduce_sum3A_596 = vector.multi_reduction <add>, %sub3A_594, %reduce_sum3A_595 [0] : vector<500x1xf32> to vector<1xf32>
    %broadcast_in_dim3A_597 = vector.shape_cast %reduce_sum3A_596 : vector<1xf32> to vector<1x1xf32>
    %add3A_598 = arith.addf %add3A_376, %broadcast_in_dim3A_597 : vector<1x1xf32>
    %get3A_599 = arith.constant 2 : index
    %get3A_600 = arith.constant 0 : index
    %get3A_601 = arith.constant 0 : index
    %get3A_602 = arith.constant 0 : index
    %get3A_603 = vector.load %arg3[%get3A_599, %get3A_600, %get3A_601, %get3A_602] : memref<4x1x1500x128xf32, #tpu.memory_space<vmem>>, vector<1x1x1500x128xf32>
    %get3A_604 = vector.shape_cast %get3A_603 : vector<1x1x1500x128xf32> to vector<1500x128xf32>
    %slice3A_605 = vector.extract_strided_slice %get3A_604 {offsets = [500, 0], sizes = [500, 128], strides = [1, 1]} : vector<1500x128xf32> to vector<500x128xf32>
    %slice3A_606 = vector.extract_strided_slice %dot_general3A_496 {offsets = [0, 0], sizes = [500, 128], strides = [1, 1]} : vector<500x136xf32> to vector<500x128xf32>
    %mul3A_607 = arith.mulf %slice3A_606, %slice3A_605 : vector<500x128xf32>
    %reduce_sum3A_608 = arith.constant dense<0.000000e+00> : vector<500xf32>
    %reduce_sum3A_609 = vector.multi_reduction <add>, %mul3A_607, %reduce_sum3A_608 [1] : vector<500x128xf32> to vector<500xf32>
    %broadcast_in_dim3A_610 = vector.shape_cast %reduce_sum3A_609 : vector<500xf32> to vector<500x1xf32>
    %mul3A_611 = arith.mulf %slice3A_605, %slice3A_605 : vector<500x128xf32>
    %reduce_sum3A_612 = arith.constant dense<0.000000e+00> : vector<500xf32>
    %reduce_sum3A_613 = vector.multi_reduction <add>, %mul3A_611, %reduce_sum3A_612 [1] : vector<500x128xf32> to vector<500xf32>
    %broadcast_in_dim3A_614 = vector.shape_cast %reduce_sum3A_613 : vector<500xf32> to vector<500x1xf32>
    %mul3A_615 = arith.constant 7.812500e-03 : f32
    %mul3A_616 = vector.broadcast %mul3A_615 : f32 to vector<500x1xf32>
    %mul3A_617 = arith.mulf %broadcast_in_dim3A_614, %mul3A_616 : vector<500x1xf32>
    %sub3A_618 = arith.subf %broadcast_in_dim3A_610, %mul3A_617 : vector<500x1xf32>
    %exp3A_619 = math.exp %dot_general3A_504 : vector<500x1024xf32>
    %reduce_sum3A_620 = arith.constant dense<0.000000e+00> : vector<500xf32>
    %reduce_sum3A_621 = vector.multi_reduction <add>, %exp3A_619, %reduce_sum3A_620 [1] : vector<500x1024xf32> to vector<500xf32>
    %broadcast_in_dim3A_622 = vector.shape_cast %reduce_sum3A_621 : vector<500xf32> to vector<500x1xf32>
    %log3A_623 = math.log %broadcast_in_dim3A_622 : vector<500x1xf32>
    %sub3A_624 = arith.subf %log3A_623, %sub3A_618 : vector<500x1xf32>
    %reduce_sum3A_625 = arith.constant dense<0.000000e+00> : vector<1xf32>
    %reduce_sum3A_626 = vector.multi_reduction <add>, %sub3A_624, %reduce_sum3A_625 [0] : vector<500x1xf32> to vector<1xf32>
    %broadcast_in_dim3A_627 = vector.shape_cast %reduce_sum3A_626 : vector<1xf32> to vector<1x1xf32>
    %add3A_628 = arith.addf %add3A_598, %broadcast_in_dim3A_627 : vector<1x1xf32>
    %get3A_629 = arith.constant 2 : index
    %get3A_630 = arith.constant 0 : index
    %get3A_631 = arith.constant 0 : index
    %get3A_632 = arith.constant 0 : index
    %get3A_633 = vector.load %arg3[%get3A_629, %get3A_630, %get3A_631, %get3A_632] : memref<4x1x1500x128xf32, #tpu.memory_space<vmem>>, vector<1x1x1500x128xf32>
    %get3A_634 = vector.shape_cast %get3A_633 : vector<1x1x1500x128xf32> to vector<1500x128xf32>
    %slice3A_635 = vector.extract_strided_slice %get3A_634 {offsets = [1000, 0], sizes = [500, 128], strides = [1, 1]} : vector<1500x128xf32> to vector<500x128xf32>
    %slice3A_636 = vector.extract_strided_slice %dot_general3A_512 {offsets = [0, 0], sizes = [500, 128], strides = [1, 1]} : vector<500x136xf32> to vector<500x128xf32>
    %mul3A_637 = arith.mulf %slice3A_636, %slice3A_635 : vector<500x128xf32>
    %reduce_sum3A_638 = arith.constant dense<0.000000e+00> : vector<500xf32>
    %reduce_sum3A_639 = vector.multi_reduction <add>, %mul3A_637, %reduce_sum3A_638 [1] : vector<500x128xf32> to vector<500xf32>
    %broadcast_in_dim3A_640 = vector.shape_cast %reduce_sum3A_639 : vector<500xf32> to vector<500x1xf32>
    %mul3A_641 = arith.mulf %slice3A_635, %slice3A_635 : vector<500x128xf32>
    %reduce_sum3A_642 = arith.constant dense<0.000000e+00> : vector<500xf32>
    %reduce_sum3A_643 = vector.multi_reduction <add>, %mul3A_641, %reduce_sum3A_642 [1] : vector<500x128xf32> to vector<500xf32>
    %broadcast_in_dim3A_644 = vector.shape_cast %reduce_sum3A_643 : vector<500xf32> to vector<500x1xf32>
    %mul3A_645 = arith.constant 7.812500e-03 : f32
    %mul3A_646 = vector.broadcast %mul3A_645 : f32 to vector<500x1xf32>
    %mul3A_647 = arith.mulf %broadcast_in_dim3A_644, %mul3A_646 : vector<500x1xf32>
    %sub3A_648 = arith.subf %broadcast_in_dim3A_640, %mul3A_647 : vector<500x1xf32>
    %exp3A_649 = math.exp %dot_general3A_520 : vector<500x1024xf32>
    %reduce_sum3A_650 = arith.constant dense<0.000000e+00> : vector<500xf32>
    %reduce_sum3A_651 = vector.multi_reduction <add>, %exp3A_649, %reduce_sum3A_650 [1] : vector<500x1024xf32> to vector<500xf32>
    %broadcast_in_dim3A_652 = vector.shape_cast %reduce_sum3A_651 : vector<500xf32> to vector<500x1xf32>
    %log3A_653 = math.log %broadcast_in_dim3A_652 : vector<500x1xf32>
    %sub3A_654 = arith.subf %log3A_653, %sub3A_648 : vector<500x1xf32>
    %reduce_sum3A_655 = arith.constant dense<0.000000e+00> : vector<1xf32>
    %reduce_sum3A_656 = vector.multi_reduction <add>, %sub3A_654, %reduce_sum3A_655 [0] : vector<500x1xf32> to vector<1xf32>
    %broadcast_in_dim3A_657 = vector.shape_cast %reduce_sum3A_656 : vector<1xf32> to vector<1x1xf32>
    %add3A_658 = arith.addf %add3A_628, %broadcast_in_dim3A_657 : vector<1x1xf32>
    %convert_element_type3A_659 = arith.truncf %sub3A_536 : vector<500x136xf32> to vector<500x136xbf16>
    %get3A_660 = arith.constant 4 : index
    %get3A_661 = arith.constant 0 : index
    %get3A_662 = arith.constant 0 : index
    %get3A_663 = vector.load %arg12[%get3A_660, %get3A_661, %get3A_662] : memref<7x136x136xbf16, #tpu.memory_space<vmem>>, vector<1x136x136xbf16>
    %get3A_664 = vector.shape_cast %get3A_663 : vector<1x136x136xbf16> to vector<136x136xbf16>
    %dot_general3A_665 = arith.constant dense<0.000000e+00> : vector<500x136xf32>
    %dot_general3A_666 = tpu.matmul %convert_element_type3A_659, %get3A_664, %dot_general3A_665 {dimension_numbers = #tpu.dot_dimension_numbers<[1], [0], [0], [1], [0, 0, 1, 1], [], []>, transpose_lhs_hint = false} : vector<500x136xbf16>, vector<136x136xbf16>, vector<500x136xf32> -> vector<500x136xf32>
    %convert_element_type3A_667 = arith.truncf %dot_general3A_666 : vector<500x136xf32> to vector<500x136xbf16>
    %get3A_668 = arith.constant 4 : index
    %get3A_669 = arith.constant 0 : index
    %get3A_670 = arith.constant 0 : index
    %get3A_671 = vector.load %arg10[%get3A_668, %get3A_669, %get3A_670] : memref<7x1024x136xbf16, #tpu.memory_space<vmem>>, vector<1x1024x136xbf16>
    %get3A_672 = vector.shape_cast %get3A_671 : vector<1x1024x136xbf16> to vector<1024x136xbf16>
    %dot_general3A_673 = arith.constant dense<0.000000e+00> : vector<500x1024xf32>
    %dot_general3A_674 = tpu.matmul %convert_element_type3A_667, %get3A_672, %dot_general3A_673 {dimension_numbers = #tpu.dot_dimension_numbers<[1], [1], [0], [0], [0, 0, 1, 0], [], []>, transpose_lhs_hint = false} : vector<500x136xbf16>, vector<1024x136xbf16>, vector<500x1024xf32> -> vector<500x1024xf32>
    %convert_element_type3A_675 = arith.truncf %sub3A_552 : vector<500x136xf32> to vector<500x136xbf16>
    %get3A_676 = arith.constant 4 : index
    %get3A_677 = arith.constant 0 : index
    %get3A_678 = arith.constant 0 : index
    %get3A_679 = vector.load %arg12[%get3A_676, %get3A_677, %get3A_678] : memref<7x136x136xbf16, #tpu.memory_space<vmem>>, vector<1x136x136xbf16>
    %get3A_680 = vector.shape_cast %get3A_679 : vector<1x136x136xbf16> to vector<136x136xbf16>
    %dot_general3A_681 = arith.constant dense<0.000000e+00> : vector<500x136xf32>
    %dot_general3A_682 = tpu.matmul %convert_element_type3A_675, %get3A_680, %dot_general3A_681 {dimension_numbers = #tpu.dot_dimension_numbers<[1], [0], [0], [1], [0, 0, 1, 1], [], []>, transpose_lhs_hint = false} : vector<500x136xbf16>, vector<136x136xbf16>, vector<500x136xf32> -> vector<500x136xf32>
    %convert_element_type3A_683 = arith.truncf %dot_general3A_682 : vector<500x136xf32> to vector<500x136xbf16>
    %get3A_684 = arith.constant 4 : index
    %get3A_685 = arith.constant 0 : index
    %get3A_686 = arith.constant 0 : index
    %get3A_687 = vector.load %arg10[%get3A_684, %get3A_685, %get3A_686] : memref<7x1024x136xbf16, #tpu.memory_space<vmem>>, vector<1x1024x136xbf16>
    %get3A_688 = vector.shape_cast %get3A_687 : vector<1x1024x136xbf16> to vector<1024x136xbf16>
    %dot_general3A_689 = arith.constant dense<0.000000e+00> : vector<500x1024xf32>
    %dot_general3A_690 = tpu.matmul %convert_element_type3A_683, %get3A_688, %dot_general3A_689 {dimension_numbers = #tpu.dot_dimension_numbers<[1], [1], [0], [0], [0, 0, 1, 0], [], []>, transpose_lhs_hint = false} : vector<500x136xbf16>, vector<1024x136xbf16>, vector<500x1024xf32> -> vector<500x1024xf32>
    %convert_element_type3A_691 = arith.truncf %sub3A_568 : vector<500x136xf32> to vector<500x136xbf16>
    %get3A_692 = arith.constant 4 : index
    %get3A_693 = arith.constant 0 : index
    %get3A_694 = arith.constant 0 : index
    %get3A_695 = vector.load %arg12[%get3A_692, %get3A_693, %get3A_694] : memref<7x136x136xbf16, #tpu.memory_space<vmem>>, vector<1x136x136xbf16>
    %get3A_696 = vector.shape_cast %get3A_695 : vector<1x136x136xbf16> to vector<136x136xbf16>
    %dot_general3A_697 = arith.constant dense<0.000000e+00> : vector<500x136xf32>
    %dot_general3A_698 = tpu.matmul %convert_element_type3A_691, %get3A_696, %dot_general3A_697 {dimension_numbers = #tpu.dot_dimension_numbers<[1], [0], [0], [1], [0, 0, 1, 1], [], []>, transpose_lhs_hint = false} : vector<500x136xbf16>, vector<136x136xbf16>, vector<500x136xf32> -> vector<500x136xf32>
    %convert_element_type3A_699 = arith.truncf %dot_general3A_698 : vector<500x136xf32> to vector<500x136xbf16>
    %get3A_700 = arith.constant 4 : index
    %get3A_701 = arith.constant 0 : index
    %get3A_702 = arith.constant 0 : index
    %get3A_703 = vector.load %arg10[%get3A_700, %get3A_701, %get3A_702] : memref<7x1024x136xbf16, #tpu.memory_space<vmem>>, vector<1x1024x136xbf16>
    %get3A_704 = vector.shape_cast %get3A_703 : vector<1x1024x136xbf16> to vector<1024x136xbf16>
    %dot_general3A_705 = arith.constant dense<0.000000e+00> : vector<500x1024xf32>
    %dot_general3A_706 = tpu.matmul %convert_element_type3A_699, %get3A_704, %dot_general3A_705 {dimension_numbers = #tpu.dot_dimension_numbers<[1], [1], [0], [0], [0, 0, 1, 0], [], []>, transpose_lhs_hint = false} : vector<500x136xbf16>, vector<1024x136xbf16>, vector<500x1024xf32> -> vector<500x1024xf32>
    %reduce_max3A_707 = arith.constant dense<0xFF800000> : vector<500xf32>
    %reduce_max3A_708 = vector.multi_reduction <maximumf>, %dot_general3A_674, %reduce_max3A_707 [1] : vector<500x1024xf32> to vector<500xf32>
    %broadcast_in_dim3A_709 = vector.shape_cast %reduce_max3A_708 : vector<500xf32> to vector<500x1xf32>
    %eq3A_710 = vector.broadcast %broadcast_in_dim3A_709 : vector<500x1xf32> to vector<500x1024xf32>
    %eq3A_711 = arith.cmpf oeq, %dot_general3A_674, %eq3A_710 : vector<500x1024xf32>
    %convert_element_type3A_712 = arith.extui %eq3A_711 : vector<500x1024xi1> to vector<500x1024xi32>
    %convert_element_type3A_713 = arith.sitofp %convert_element_type3A_712 : vector<500x1024xi32> to vector<500x1024xf32>
    %convert_element_type3A_714 = arith.truncf %convert_element_type3A_713 : vector<500x1024xf32> to vector<500x1024xbf16>
    %get3A_715 = arith.constant 4 : index
    %get3A_716 = arith.constant 0 : index
    %get3A_717 = arith.constant 0 : index
    %get3A_718 = vector.load %arg11[%get3A_715, %get3A_716, %get3A_717] : memref<6x1024x136xbf16, #tpu.memory_space<vmem>>, vector<1x1024x136xbf16>
    %get3A_719 = vector.shape_cast %get3A_718 : vector<1x1024x136xbf16> to vector<1024x136xbf16>
    %dot_general3A_720 = arith.constant dense<0.000000e+00> : vector<500x136xf32>
    %dot_general3A_721 = tpu.matmul %convert_element_type3A_714, %get3A_719, %dot_general3A_720 {dimension_numbers = #tpu.dot_dimension_numbers<[1], [0], [0], [1], [0, 0, 1, 1], [], []>, transpose_lhs_hint = false} : vector<500x1024xbf16>, vector<1024x136xbf16>, vector<500x136xf32> -> vector<500x136xf32>
    %sub3A_722 = arith.subf %sub3A_536, %dot_general3A_721 : vector<500x136xf32>
    %reduce_max3A_723 = arith.constant dense<0xFF800000> : vector<500xf32>
    %reduce_max3A_724 = vector.multi_reduction <maximumf>, %dot_general3A_690, %reduce_max3A_723 [1] : vector<500x1024xf32> to vector<500xf32>
    %broadcast_in_dim3A_725 = vector.shape_cast %reduce_max3A_724 : vector<500xf32> to vector<500x1xf32>
    %eq3A_726 = vector.broadcast %broadcast_in_dim3A_725 : vector<500x1xf32> to vector<500x1024xf32>
    %eq3A_727 = arith.cmpf oeq, %dot_general3A_690, %eq3A_726 : vector<500x1024xf32>
    %convert_element_type3A_728 = arith.extui %eq3A_727 : vector<500x1024xi1> to vector<500x1024xi32>
    %convert_element_type3A_729 = arith.sitofp %convert_element_type3A_728 : vector<500x1024xi32> to vector<500x1024xf32>
    %convert_element_type3A_730 = arith.truncf %convert_element_type3A_729 : vector<500x1024xf32> to vector<500x1024xbf16>
    %get3A_731 = arith.constant 4 : index
    %get3A_732 = arith.constant 0 : index
    %get3A_733 = arith.constant 0 : index
    %get3A_734 = vector.load %arg11[%get3A_731, %get3A_732, %get3A_733] : memref<6x1024x136xbf16, #tpu.memory_space<vmem>>, vector<1x1024x136xbf16>
    %get3A_735 = vector.shape_cast %get3A_734 : vector<1x1024x136xbf16> to vector<1024x136xbf16>
    %dot_general3A_736 = arith.constant dense<0.000000e+00> : vector<500x136xf32>
    %dot_general3A_737 = tpu.matmul %convert_element_type3A_730, %get3A_735, %dot_general3A_736 {dimension_numbers = #tpu.dot_dimension_numbers<[1], [0], [0], [1], [0, 0, 1, 1], [], []>, transpose_lhs_hint = false} : vector<500x1024xbf16>, vector<1024x136xbf16>, vector<500x136xf32> -> vector<500x136xf32>
    %sub3A_738 = arith.subf %sub3A_552, %dot_general3A_737 : vector<500x136xf32>
    %reduce_max3A_739 = arith.constant dense<0xFF800000> : vector<500xf32>
    %reduce_max3A_740 = vector.multi_reduction <maximumf>, %dot_general3A_706, %reduce_max3A_739 [1] : vector<500x1024xf32> to vector<500xf32>
    %broadcast_in_dim3A_741 = vector.shape_cast %reduce_max3A_740 : vector<500xf32> to vector<500x1xf32>
    %eq3A_742 = vector.broadcast %broadcast_in_dim3A_741 : vector<500x1xf32> to vector<500x1024xf32>
    %eq3A_743 = arith.cmpf oeq, %dot_general3A_706, %eq3A_742 : vector<500x1024xf32>
    %convert_element_type3A_744 = arith.extui %eq3A_743 : vector<500x1024xi1> to vector<500x1024xi32>
    %convert_element_type3A_745 = arith.sitofp %convert_element_type3A_744 : vector<500x1024xi32> to vector<500x1024xf32>
    %convert_element_type3A_746 = arith.truncf %convert_element_type3A_745 : vector<500x1024xf32> to vector<500x1024xbf16>
    %get3A_747 = arith.constant 4 : index
    %get3A_748 = arith.constant 0 : index
    %get3A_749 = arith.constant 0 : index
    %get3A_750 = vector.load %arg11[%get3A_747, %get3A_748, %get3A_749] : memref<6x1024x136xbf16, #tpu.memory_space<vmem>>, vector<1x1024x136xbf16>
    %get3A_751 = vector.shape_cast %get3A_750 : vector<1x1024x136xbf16> to vector<1024x136xbf16>
    %dot_general3A_752 = arith.constant dense<0.000000e+00> : vector<500x136xf32>
    %dot_general3A_753 = tpu.matmul %convert_element_type3A_746, %get3A_751, %dot_general3A_752 {dimension_numbers = #tpu.dot_dimension_numbers<[1], [0], [0], [1], [0, 0, 1, 1], [], []>, transpose_lhs_hint = false} : vector<500x1024xbf16>, vector<1024x136xbf16>, vector<500x136xf32> -> vector<500x136xf32>
    %sub3A_754 = arith.subf %sub3A_568, %dot_general3A_753 : vector<500x136xf32>
    %convert_element_type3A_755 = arith.truncf %sub3A_722 : vector<500x136xf32> to vector<500x136xbf16>
    %get3A_756 = arith.constant 5 : index
    %get3A_757 = arith.constant 0 : index
    %get3A_758 = arith.constant 0 : index
    %get3A_759 = vector.load %arg12[%get3A_756, %get3A_757, %get3A_758] : memref<7x136x136xbf16, #tpu.memory_space<vmem>>, vector<1x136x136xbf16>
    %get3A_760 = vector.shape_cast %get3A_759 : vector<1x136x136xbf16> to vector<136x136xbf16>
    %dot_general3A_761 = arith.constant dense<0.000000e+00> : vector<500x136xf32>
    %dot_general3A_762 = tpu.matmul %convert_element_type3A_755, %get3A_760, %dot_general3A_761 {dimension_numbers = #tpu.dot_dimension_numbers<[1], [0], [0], [1], [0, 0, 1, 1], [], []>, transpose_lhs_hint = false} : vector<500x136xbf16>, vector<136x136xbf16>, vector<500x136xf32> -> vector<500x136xf32>
    %convert_element_type3A_763 = arith.truncf %dot_general3A_762 : vector<500x136xf32> to vector<500x136xbf16>
    %get3A_764 = arith.constant 5 : index
    %get3A_765 = arith.constant 0 : index
    %get3A_766 = arith.constant 0 : index
    %get3A_767 = vector.load %arg10[%get3A_764, %get3A_765, %get3A_766] : memref<7x1024x136xbf16, #tpu.memory_space<vmem>>, vector<1x1024x136xbf16>
    %get3A_768 = vector.shape_cast %get3A_767 : vector<1x1024x136xbf16> to vector<1024x136xbf16>
    %dot_general3A_769 = arith.constant dense<0.000000e+00> : vector<500x1024xf32>
    %dot_general3A_770 = tpu.matmul %convert_element_type3A_763, %get3A_768, %dot_general3A_769 {dimension_numbers = #tpu.dot_dimension_numbers<[1], [1], [0], [0], [0, 0, 1, 0], [], []>, transpose_lhs_hint = false} : vector<500x136xbf16>, vector<1024x136xbf16>, vector<500x1024xf32> -> vector<500x1024xf32>
    %convert_element_type3A_771 = arith.truncf %sub3A_738 : vector<500x136xf32> to vector<500x136xbf16>
    %get3A_772 = arith.constant 5 : index
    %get3A_773 = arith.constant 0 : index
    %get3A_774 = arith.constant 0 : index
    %get3A_775 = vector.load %arg12[%get3A_772, %get3A_773, %get3A_774] : memref<7x136x136xbf16, #tpu.memory_space<vmem>>, vector<1x136x136xbf16>
    %get3A_776 = vector.shape_cast %get3A_775 : vector<1x136x136xbf16> to vector<136x136xbf16>
    %dot_general3A_777 = arith.constant dense<0.000000e+00> : vector<500x136xf32>
    %dot_general3A_778 = tpu.matmul %convert_element_type3A_771, %get3A_776, %dot_general3A_777 {dimension_numbers = #tpu.dot_dimension_numbers<[1], [0], [0], [1], [0, 0, 1, 1], [], []>, transpose_lhs_hint = false} : vector<500x136xbf16>, vector<136x136xbf16>, vector<500x136xf32> -> vector<500x136xf32>
    %convert_element_type3A_779 = arith.truncf %dot_general3A_778 : vector<500x136xf32> to vector<500x136xbf16>
    %get3A_780 = arith.constant 5 : index
    %get3A_781 = arith.constant 0 : index
    %get3A_782 = arith.constant 0 : index
    %get3A_783 = vector.load %arg10[%get3A_780, %get3A_781, %get3A_782] : memref<7x1024x136xbf16, #tpu.memory_space<vmem>>, vector<1x1024x136xbf16>
    %get3A_784 = vector.shape_cast %get3A_783 : vector<1x1024x136xbf16> to vector<1024x136xbf16>
    %dot_general3A_785 = arith.constant dense<0.000000e+00> : vector<500x1024xf32>
    %dot_general3A_786 = tpu.matmul %convert_element_type3A_779, %get3A_784, %dot_general3A_785 {dimension_numbers = #tpu.dot_dimension_numbers<[1], [1], [0], [0], [0, 0, 1, 0], [], []>, transpose_lhs_hint = false} : vector<500x136xbf16>, vector<1024x136xbf16>, vector<500x1024xf32> -> vector<500x1024xf32>
    %convert_element_type3A_787 = arith.truncf %sub3A_754 : vector<500x136xf32> to vector<500x136xbf16>
    %get3A_788 = arith.constant 5 : index
    %get3A_789 = arith.constant 0 : index
    %get3A_790 = arith.constant 0 : index
    %get3A_791 = vector.load %arg12[%get3A_788, %get3A_789, %get3A_790] : memref<7x136x136xbf16, #tpu.memory_space<vmem>>, vector<1x136x136xbf16>
    %get3A_792 = vector.shape_cast %get3A_791 : vector<1x136x136xbf16> to vector<136x136xbf16>
    %dot_general3A_793 = arith.constant dense<0.000000e+00> : vector<500x136xf32>
    %dot_general3A_794 = tpu.matmul %convert_element_type3A_787, %get3A_792, %dot_general3A_793 {dimension_numbers = #tpu.dot_dimension_numbers<[1], [0], [0], [1], [0, 0, 1, 1], [], []>, transpose_lhs_hint = false} : vector<500x136xbf16>, vector<136x136xbf16>, vector<500x136xf32> -> vector<500x136xf32>
    %convert_element_type3A_795 = arith.truncf %dot_general3A_794 : vector<500x136xf32> to vector<500x136xbf16>
    %get3A_796 = arith.constant 5 : index
    %get3A_797 = arith.constant 0 : index
    %get3A_798 = arith.constant 0 : index
    %get3A_799 = vector.load %arg10[%get3A_796, %get3A_797, %get3A_798] : memref<7x1024x136xbf16, #tpu.memory_space<vmem>>, vector<1x1024x136xbf16>
    %get3A_800 = vector.shape_cast %get3A_799 : vector<1x1024x136xbf16> to vector<1024x136xbf16>
    %dot_general3A_801 = arith.constant dense<0.000000e+00> : vector<500x1024xf32>
    %dot_general3A_802 = tpu.matmul %convert_element_type3A_795, %get3A_800, %dot_general3A_801 {dimension_numbers = #tpu.dot_dimension_numbers<[1], [1], [0], [0], [0, 0, 1, 0], [], []>, transpose_lhs_hint = false} : vector<500x136xbf16>, vector<1024x136xbf16>, vector<500x1024xf32> -> vector<500x1024xf32>
    %reduce_max3A_803 = arith.constant dense<0xFF800000> : vector<500xf32>
    %reduce_max3A_804 = vector.multi_reduction <maximumf>, %dot_general3A_770, %reduce_max3A_803 [1] : vector<500x1024xf32> to vector<500xf32>
    %broadcast_in_dim3A_805 = vector.shape_cast %reduce_max3A_804 : vector<500xf32> to vector<500x1xf32>
    %eq3A_806 = vector.broadcast %broadcast_in_dim3A_805 : vector<500x1xf32> to vector<500x1024xf32>
    %eq3A_807 = arith.cmpf oeq, %dot_general3A_770, %eq3A_806 : vector<500x1024xf32>
    %convert_element_type3A_808 = arith.extui %eq3A_807 : vector<500x1024xi1> to vector<500x1024xi32>
    %convert_element_type3A_809 = arith.sitofp %convert_element_type3A_808 : vector<500x1024xi32> to vector<500x1024xf32>
    %convert_element_type3A_810 = arith.truncf %convert_element_type3A_809 : vector<500x1024xf32> to vector<500x1024xbf16>
    %get3A_811 = arith.constant 5 : index
    %get3A_812 = arith.constant 0 : index
    %get3A_813 = arith.constant 0 : index
    %get3A_814 = vector.load %arg11[%get3A_811, %get3A_812, %get3A_813] : memref<6x1024x136xbf16, #tpu.memory_space<vmem>>, vector<1x1024x136xbf16>
    %get3A_815 = vector.shape_cast %get3A_814 : vector<1x1024x136xbf16> to vector<1024x136xbf16>
    %dot_general3A_816 = arith.constant dense<0.000000e+00> : vector<500x136xf32>
    %dot_general3A_817 = tpu.matmul %convert_element_type3A_810, %get3A_815, %dot_general3A_816 {dimension_numbers = #tpu.dot_dimension_numbers<[1], [0], [0], [1], [0, 0, 1, 1], [], []>, transpose_lhs_hint = false} : vector<500x1024xbf16>, vector<1024x136xbf16>, vector<500x136xf32> -> vector<500x136xf32>
    %sub3A_818 = arith.subf %sub3A_722, %dot_general3A_817 : vector<500x136xf32>
    %reduce_max3A_819 = arith.constant dense<0xFF800000> : vector<500xf32>
    %reduce_max3A_820 = vector.multi_reduction <maximumf>, %dot_general3A_786, %reduce_max3A_819 [1] : vector<500x1024xf32> to vector<500xf32>
    %broadcast_in_dim3A_821 = vector.shape_cast %reduce_max3A_820 : vector<500xf32> to vector<500x1xf32>
    %eq3A_822 = vector.broadcast %broadcast_in_dim3A_821 : vector<500x1xf32> to vector<500x1024xf32>
    %eq3A_823 = arith.cmpf oeq, %dot_general3A_786, %eq3A_822 : vector<500x1024xf32>
    %convert_element_type3A_824 = arith.extui %eq3A_823 : vector<500x1024xi1> to vector<500x1024xi32>
    %convert_element_type3A_825 = arith.sitofp %convert_element_type3A_824 : vector<500x1024xi32> to vector<500x1024xf32>
    %convert_element_type3A_826 = arith.truncf %convert_element_type3A_825 : vector<500x1024xf32> to vector<500x1024xbf16>
    %get3A_827 = arith.constant 5 : index
    %get3A_828 = arith.constant 0 : index
    %get3A_829 = arith.constant 0 : index
    %get3A_830 = vector.load %arg11[%get3A_827, %get3A_828, %get3A_829] : memref<6x1024x136xbf16, #tpu.memory_space<vmem>>, vector<1x1024x136xbf16>
    %get3A_831 = vector.shape_cast %get3A_830 : vector<1x1024x136xbf16> to vector<1024x136xbf16>
    %dot_general3A_832 = arith.constant dense<0.000000e+00> : vector<500x136xf32>
    %dot_general3A_833 = tpu.matmul %convert_element_type3A_826, %get3A_831, %dot_general3A_832 {dimension_numbers = #tpu.dot_dimension_numbers<[1], [0], [0], [1], [0, 0, 1, 1], [], []>, transpose_lhs_hint = false} : vector<500x1024xbf16>, vector<1024x136xbf16>, vector<500x136xf32> -> vector<500x136xf32>
    %sub3A_834 = arith.subf %sub3A_738, %dot_general3A_833 : vector<500x136xf32>
    %reduce_max3A_835 = arith.constant dense<0xFF800000> : vector<500xf32>
    %reduce_max3A_836 = vector.multi_reduction <maximumf>, %dot_general3A_802, %reduce_max3A_835 [1] : vector<500x1024xf32> to vector<500xf32>
    %broadcast_in_dim3A_837 = vector.shape_cast %reduce_max3A_836 : vector<500xf32> to vector<500x1xf32>
    %eq3A_838 = vector.broadcast %broadcast_in_dim3A_837 : vector<500x1xf32> to vector<500x1024xf32>
    %eq3A_839 = arith.cmpf oeq, %dot_general3A_802, %eq3A_838 : vector<500x1024xf32>
    %convert_element_type3A_840 = arith.extui %eq3A_839 : vector<500x1024xi1> to vector<500x1024xi32>
    %convert_element_type3A_841 = arith.sitofp %convert_element_type3A_840 : vector<500x1024xi32> to vector<500x1024xf32>
    %convert_element_type3A_842 = arith.truncf %convert_element_type3A_841 : vector<500x1024xf32> to vector<500x1024xbf16>
    %get3A_843 = arith.constant 5 : index
    %get3A_844 = arith.constant 0 : index
    %get3A_845 = arith.constant 0 : index
    %get3A_846 = vector.load %arg11[%get3A_843, %get3A_844, %get3A_845] : memref<6x1024x136xbf16, #tpu.memory_space<vmem>>, vector<1x1024x136xbf16>
    %get3A_847 = vector.shape_cast %get3A_846 : vector<1x1024x136xbf16> to vector<1024x136xbf16>
    %dot_general3A_848 = arith.constant dense<0.000000e+00> : vector<500x136xf32>
    %dot_general3A_849 = tpu.matmul %convert_element_type3A_842, %get3A_847, %dot_general3A_848 {dimension_numbers = #tpu.dot_dimension_numbers<[1], [0], [0], [1], [0, 0, 1, 1], [], []>, transpose_lhs_hint = false} : vector<500x1024xbf16>, vector<1024x136xbf16>, vector<500x136xf32> -> vector<500x136xf32>
    %sub3A_850 = arith.subf %sub3A_754, %dot_general3A_849 : vector<500x136xf32>
    %convert_element_type3A_851 = arith.truncf %sub3A_818 : vector<500x136xf32> to vector<500x136xbf16>
    %get3A_852 = arith.constant 6 : index
    %get3A_853 = arith.constant 0 : index
    %get3A_854 = arith.constant 0 : index
    %get3A_855 = vector.load %arg12[%get3A_852, %get3A_853, %get3A_854] : memref<7x136x136xbf16, #tpu.memory_space<vmem>>, vector<1x136x136xbf16>
    %get3A_856 = vector.shape_cast %get3A_855 : vector<1x136x136xbf16> to vector<136x136xbf16>
    %dot_general3A_857 = arith.constant dense<0.000000e+00> : vector<500x136xf32>
    %dot_general3A_858 = tpu.matmul %convert_element_type3A_851, %get3A_856, %dot_general3A_857 {dimension_numbers = #tpu.dot_dimension_numbers<[1], [0], [0], [1], [0, 0, 1, 1], [], []>, transpose_lhs_hint = false} : vector<500x136xbf16>, vector<136x136xbf16>, vector<500x136xf32> -> vector<500x136xf32>
    %convert_element_type3A_859 = arith.truncf %dot_general3A_858 : vector<500x136xf32> to vector<500x136xbf16>
    %get3A_860 = arith.constant 6 : index
    %get3A_861 = arith.constant 0 : index
    %get3A_862 = arith.constant 0 : index
    %get3A_863 = vector.load %arg10[%get3A_860, %get3A_861, %get3A_862] : memref<7x1024x136xbf16, #tpu.memory_space<vmem>>, vector<1x1024x136xbf16>
    %get3A_864 = vector.shape_cast %get3A_863 : vector<1x1024x136xbf16> to vector<1024x136xbf16>
    %dot_general3A_865 = arith.constant dense<0.000000e+00> : vector<500x1024xf32>
    %dot_general3A_866 = tpu.matmul %convert_element_type3A_859, %get3A_864, %dot_general3A_865 {dimension_numbers = #tpu.dot_dimension_numbers<[1], [1], [0], [0], [0, 0, 1, 0], [], []>, transpose_lhs_hint = false} : vector<500x136xbf16>, vector<1024x136xbf16>, vector<500x1024xf32> -> vector<500x1024xf32>
    %convert_element_type3A_867 = arith.truncf %sub3A_834 : vector<500x136xf32> to vector<500x136xbf16>
    %get3A_868 = arith.constant 6 : index
    %get3A_869 = arith.constant 0 : index
    %get3A_870 = arith.constant 0 : index
    %get3A_871 = vector.load %arg12[%get3A_868, %get3A_869, %get3A_870] : memref<7x136x136xbf16, #tpu.memory_space<vmem>>, vector<1x136x136xbf16>
    %get3A_872 = vector.shape_cast %get3A_871 : vector<1x136x136xbf16> to vector<136x136xbf16>
    %dot_general3A_873 = arith.constant dense<0.000000e+00> : vector<500x136xf32>
    %dot_general3A_874 = tpu.matmul %convert_element_type3A_867, %get3A_872, %dot_general3A_873 {dimension_numbers = #tpu.dot_dimension_numbers<[1], [0], [0], [1], [0, 0, 1, 1], [], []>, transpose_lhs_hint = false} : vector<500x136xbf16>, vector<136x136xbf16>, vector<500x136xf32> -> vector<500x136xf32>
    %convert_element_type3A_875 = arith.truncf %dot_general3A_874 : vector<500x136xf32> to vector<500x136xbf16>
    %get3A_876 = arith.constant 6 : index
    %get3A_877 = arith.constant 0 : index
    %get3A_878 = arith.constant 0 : index
    %get3A_879 = vector.load %arg10[%get3A_876, %get3A_877, %get3A_878] : memref<7x1024x136xbf16, #tpu.memory_space<vmem>>, vector<1x1024x136xbf16>
    %get3A_880 = vector.shape_cast %get3A_879 : vector<1x1024x136xbf16> to vector<1024x136xbf16>
    %dot_general3A_881 = arith.constant dense<0.000000e+00> : vector<500x1024xf32>
    %dot_general3A_882 = tpu.matmul %convert_element_type3A_875, %get3A_880, %dot_general3A_881 {dimension_numbers = #tpu.dot_dimension_numbers<[1], [1], [0], [0], [0, 0, 1, 0], [], []>, transpose_lhs_hint = false} : vector<500x136xbf16>, vector<1024x136xbf16>, vector<500x1024xf32> -> vector<500x1024xf32>
    %convert_element_type3A_883 = arith.truncf %sub3A_850 : vector<500x136xf32> to vector<500x136xbf16>
    %get3A_884 = arith.constant 6 : index
    %get3A_885 = arith.constant 0 : index
    %get3A_886 = arith.constant 0 : index
    %get3A_887 = vector.load %arg12[%get3A_884, %get3A_885, %get3A_886] : memref<7x136x136xbf16, #tpu.memory_space<vmem>>, vector<1x136x136xbf16>
    %get3A_888 = vector.shape_cast %get3A_887 : vector<1x136x136xbf16> to vector<136x136xbf16>
    %dot_general3A_889 = arith.constant dense<0.000000e+00> : vector<500x136xf32>
    %dot_general3A_890 = tpu.matmul %convert_element_type3A_883, %get3A_888, %dot_general3A_889 {dimension_numbers = #tpu.dot_dimension_numbers<[1], [0], [0], [1], [0, 0, 1, 1], [], []>, transpose_lhs_hint = false} : vector<500x136xbf16>, vector<136x136xbf16>, vector<500x136xf32> -> vector<500x136xf32>
    %convert_element_type3A_891 = arith.truncf %dot_general3A_890 : vector<500x136xf32> to vector<500x136xbf16>
    %get3A_892 = arith.constant 6 : index
    %get3A_893 = arith.constant 0 : index
    %get3A_894 = arith.constant 0 : index
    %get3A_895 = vector.load %arg10[%get3A_892, %get3A_893, %get3A_894] : memref<7x1024x136xbf16, #tpu.memory_space<vmem>>, vector<1x1024x136xbf16>
    %get3A_896 = vector.shape_cast %get3A_895 : vector<1x1024x136xbf16> to vector<1024x136xbf16>
    %dot_general3A_897 = arith.constant dense<0.000000e+00> : vector<500x1024xf32>
    %dot_general3A_898 = tpu.matmul %convert_element_type3A_891, %get3A_896, %dot_general3A_897 {dimension_numbers = #tpu.dot_dimension_numbers<[1], [1], [0], [0], [0, 0, 1, 0], [], []>, transpose_lhs_hint = false} : vector<500x136xbf16>, vector<1024x136xbf16>, vector<500x1024xf32> -> vector<500x1024xf32>
    %get3A_899 = arith.constant 3 : index
    %get3A_900 = arith.constant 0 : index
    %get3A_901 = arith.constant 0 : index
    %get3A_902 = arith.constant 0 : index
    %get3A_903 = vector.load %arg3[%get3A_899, %get3A_900, %get3A_901, %get3A_902] : memref<4x1x1500x128xf32, #tpu.memory_space<vmem>>, vector<1x1x1500x128xf32>
    %get3A_904 = vector.shape_cast %get3A_903 : vector<1x1x1500x128xf32> to vector<1500x128xf32>
    %slice3A_905 = vector.extract_strided_slice %get3A_904 {offsets = [0, 0], sizes = [500, 128], strides = [1, 1]} : vector<1500x128xf32> to vector<500x128xf32>
    %slice3A_906 = vector.extract_strided_slice %dot_general3A_858 {offsets = [0, 0], sizes = [500, 128], strides = [1, 1]} : vector<500x136xf32> to vector<500x128xf32>
    %mul3A_907 = arith.mulf %slice3A_906, %slice3A_905 : vector<500x128xf32>
    %reduce_sum3A_908 = arith.constant dense<0.000000e+00> : vector<500xf32>
    %reduce_sum3A_909 = vector.multi_reduction <add>, %mul3A_907, %reduce_sum3A_908 [1] : vector<500x128xf32> to vector<500xf32>
    %broadcast_in_dim3A_910 = vector.shape_cast %reduce_sum3A_909 : vector<500xf32> to vector<500x1xf32>
    %mul3A_911 = arith.mulf %slice3A_905, %slice3A_905 : vector<500x128xf32>
    %reduce_sum3A_912 = arith.constant dense<0.000000e+00> : vector<500xf32>
    %reduce_sum3A_913 = vector.multi_reduction <add>, %mul3A_911, %reduce_sum3A_912 [1] : vector<500x128xf32> to vector<500xf32>
    %broadcast_in_dim3A_914 = vector.shape_cast %reduce_sum3A_913 : vector<500xf32> to vector<500x1xf32>
    %mul3A_915 = arith.constant 7.812500e-03 : f32
    %mul3A_916 = vector.broadcast %mul3A_915 : f32 to vector<500x1xf32>
    %mul3A_917 = arith.mulf %broadcast_in_dim3A_914, %mul3A_916 : vector<500x1xf32>
    %sub3A_918 = arith.subf %broadcast_in_dim3A_910, %mul3A_917 : vector<500x1xf32>
    %exp3A_919 = math.exp %dot_general3A_866 : vector<500x1024xf32>
    %reduce_sum3A_920 = arith.constant dense<0.000000e+00> : vector<500xf32>
    %reduce_sum3A_921 = vector.multi_reduction <add>, %exp3A_919, %reduce_sum3A_920 [1] : vector<500x1024xf32> to vector<500xf32>
    %broadcast_in_dim3A_922 = vector.shape_cast %reduce_sum3A_921 : vector<500xf32> to vector<500x1xf32>
    %log3A_923 = math.log %broadcast_in_dim3A_922 : vector<500x1xf32>
    %sub3A_924 = arith.subf %log3A_923, %sub3A_918 : vector<500x1xf32>
    %reduce_sum3A_925 = arith.constant dense<0.000000e+00> : vector<1xf32>
    %reduce_sum3A_926 = vector.multi_reduction <add>, %sub3A_924, %reduce_sum3A_925 [0] : vector<500x1xf32> to vector<1xf32>
    %broadcast_in_dim3A_927 = vector.shape_cast %reduce_sum3A_926 : vector<1xf32> to vector<1x1xf32>
    %add3A_928 = arith.addf %add3A_658, %broadcast_in_dim3A_927 : vector<1x1xf32>
    %get3A_929 = arith.constant 3 : index
    %get3A_930 = arith.constant 0 : index
    %get3A_931 = arith.constant 0 : index
    %get3A_932 = arith.constant 0 : index
    %get3A_933 = vector.load %arg3[%get3A_929, %get3A_930, %get3A_931, %get3A_932] : memref<4x1x1500x128xf32, #tpu.memory_space<vmem>>, vector<1x1x1500x128xf32>
    %get3A_934 = vector.shape_cast %get3A_933 : vector<1x1x1500x128xf32> to vector<1500x128xf32>
    %slice3A_935 = vector.extract_strided_slice %get3A_934 {offsets = [500, 0], sizes = [500, 128], strides = [1, 1]} : vector<1500x128xf32> to vector<500x128xf32>
    %slice3A_936 = vector.extract_strided_slice %dot_general3A_874 {offsets = [0, 0], sizes = [500, 128], strides = [1, 1]} : vector<500x136xf32> to vector<500x128xf32>
    %mul3A_937 = arith.mulf %slice3A_936, %slice3A_935 : vector<500x128xf32>
    %reduce_sum3A_938 = arith.constant dense<0.000000e+00> : vector<500xf32>
    %reduce_sum3A_939 = vector.multi_reduction <add>, %mul3A_937, %reduce_sum3A_938 [1] : vector<500x128xf32> to vector<500xf32>
    %broadcast_in_dim3A_940 = vector.shape_cast %reduce_sum3A_939 : vector<500xf32> to vector<500x1xf32>
    %mul3A_941 = arith.mulf %slice3A_935, %slice3A_935 : vector<500x128xf32>
    %reduce_sum3A_942 = arith.constant dense<0.000000e+00> : vector<500xf32>
    %reduce_sum3A_943 = vector.multi_reduction <add>, %mul3A_941, %reduce_sum3A_942 [1] : vector<500x128xf32> to vector<500xf32>
    %broadcast_in_dim3A_944 = vector.shape_cast %reduce_sum3A_943 : vector<500xf32> to vector<500x1xf32>
    %mul3A_945 = arith.constant 7.812500e-03 : f32
    %mul3A_946 = vector.broadcast %mul3A_945 : f32 to vector<500x1xf32>
    %mul3A_947 = arith.mulf %broadcast_in_dim3A_944, %mul3A_946 : vector<500x1xf32>
    %sub3A_948 = arith.subf %broadcast_in_dim3A_940, %mul3A_947 : vector<500x1xf32>
    %exp3A_949 = math.exp %dot_general3A_882 : vector<500x1024xf32>
    %reduce_sum3A_950 = arith.constant dense<0.000000e+00> : vector<500xf32>
    %reduce_sum3A_951 = vector.multi_reduction <add>, %exp3A_949, %reduce_sum3A_950 [1] : vector<500x1024xf32> to vector<500xf32>
    %broadcast_in_dim3A_952 = vector.shape_cast %reduce_sum3A_951 : vector<500xf32> to vector<500x1xf32>
    %log3A_953 = math.log %broadcast_in_dim3A_952 : vector<500x1xf32>
    %sub3A_954 = arith.subf %log3A_953, %sub3A_948 : vector<500x1xf32>
    %reduce_sum3A_955 = arith.constant dense<0.000000e+00> : vector<1xf32>
    %reduce_sum3A_956 = vector.multi_reduction <add>, %sub3A_954, %reduce_sum3A_955 [0] : vector<500x1xf32> to vector<1xf32>
    %broadcast_in_dim3A_957 = vector.shape_cast %reduce_sum3A_956 : vector<1xf32> to vector<1x1xf32>
    %add3A_958 = arith.addf %add3A_928, %broadcast_in_dim3A_957 : vector<1x1xf32>
    %get3A_959 = arith.constant 3 : index
    %get3A_960 = arith.constant 0 : index
    %get3A_961 = arith.constant 0 : index
    %get3A_962 = arith.constant 0 : index
    %get3A_963 = vector.load %arg3[%get3A_959, %get3A_960, %get3A_961, %get3A_962] : memref<4x1x1500x128xf32, #tpu.memory_space<vmem>>, vector<1x1x1500x128xf32>
    %get3A_964 = vector.shape_cast %get3A_963 : vector<1x1x1500x128xf32> to vector<1500x128xf32>
    %slice3A_965 = vector.extract_strided_slice %get3A_964 {offsets = [1000, 0], sizes = [500, 128], strides = [1, 1]} : vector<1500x128xf32> to vector<500x128xf32>
    %slice3A_966 = vector.extract_strided_slice %dot_general3A_890 {offsets = [0, 0], sizes = [500, 128], strides = [1, 1]} : vector<500x136xf32> to vector<500x128xf32>
    %mul3A_967 = arith.mulf %slice3A_966, %slice3A_965 : vector<500x128xf32>
    %reduce_sum3A_968 = arith.constant dense<0.000000e+00> : vector<500xf32>
    %reduce_sum3A_969 = vector.multi_reduction <add>, %mul3A_967, %reduce_sum3A_968 [1] : vector<500x128xf32> to vector<500xf32>
    %broadcast_in_dim3A_970 = vector.shape_cast %reduce_sum3A_969 : vector<500xf32> to vector<500x1xf32>
    %mul3A_971 = arith.mulf %slice3A_965, %slice3A_965 : vector<500x128xf32>
    %reduce_sum3A_972 = arith.constant dense<0.000000e+00> : vector<500xf32>
    %reduce_sum3A_973 = vector.multi_reduction <add>, %mul3A_971, %reduce_sum3A_972 [1] : vector<500x128xf32> to vector<500xf32>
    %broadcast_in_dim3A_974 = vector.shape_cast %reduce_sum3A_973 : vector<500xf32> to vector<500x1xf32>
    %mul3A_975 = arith.constant 7.812500e-03 : f32
    %mul3A_976 = vector.broadcast %mul3A_975 : f32 to vector<500x1xf32>
    %mul3A_977 = arith.mulf %broadcast_in_dim3A_974, %mul3A_976 : vector<500x1xf32>
    %sub3A_978 = arith.subf %broadcast_in_dim3A_970, %mul3A_977 : vector<500x1xf32>
    %exp3A_979 = math.exp %dot_general3A_898 : vector<500x1024xf32>
    %reduce_sum3A_980 = arith.constant dense<0.000000e+00> : vector<500xf32>
    %reduce_sum3A_981 = vector.multi_reduction <add>, %exp3A_979, %reduce_sum3A_980 [1] : vector<500x1024xf32> to vector<500xf32>
    %broadcast_in_dim3A_982 = vector.shape_cast %reduce_sum3A_981 : vector<500xf32> to vector<500x1xf32>
    %log3A_983 = math.log %broadcast_in_dim3A_982 : vector<500x1xf32>
    %sub3A_984 = arith.subf %log3A_983, %sub3A_978 : vector<500x1xf32>
    %reduce_sum3A_985 = arith.constant dense<0.000000e+00> : vector<1xf32>
    %reduce_sum3A_986 = vector.multi_reduction <add>, %sub3A_984, %reduce_sum3A_985 [0] : vector<500x1xf32> to vector<1xf32>
    %broadcast_in_dim3A_987 = vector.shape_cast %reduce_sum3A_986 : vector<1xf32> to vector<1x1xf32>
    %add3A_988 = arith.addf %add3A_958, %broadcast_in_dim3A_987 : vector<1x1xf32>
    %get3A_989 = arith.constant 0 : index
    %get3A_990 = arith.constant 0 : index
    %get3A_991 = vector.load %arg13[%get3A_989, %get3A_990] : memref<1x1xf32, #tpu.memory_space<vmem>>, vector<1x1xf32>
    %add3A_992 = arith.addf %get3A_991, %add3A_988 : vector<1x1xf32>
    %swap3A = arith.constant 0 : index
    %swap3A_993 = arith.constant 0 : index
    %swap3A_994 = vector.load %arg13[%swap3A, %swap3A_993] : memref<1x1xf32, #tpu.memory_space<vmem>>, vector<1x1xf32>
    tpu.vector_store %arg13[%swap3A, %swap3A_993], %add3A_992 {strides = array<i32>} : memref<1x1xf32, #tpu.memory_space<vmem>>, vector<1x1xf32>,
    %eq3A_995 = arith.constant 3 : i32
    %eq3A_996 = arith.cmpi eq, %arg0, %eq3A_995 : i32
    %convert_element_type3A_997 = arith.extui %eq3A_996 : i1 to i32
    %cond3A_998 = arith.constant 0 : i32
    %cond3A_999 = arith.cmpi ne, %convert_element_type3A_997, %cond3A_998 : i32
    scf.if %cond3A_999 {
      %get3A_1000 = arith.constant 0 : index
      %get3A_1001 = arith.constant 0 : index
      %get3A_1002 = vector.load %arg13[%get3A_1000, %get3A_1001] : memref<1x1xf32, #tpu.memory_space<vmem>>, vector<1x1xf32>
      %mul3A_1003 = arith.constant 4.16666662E-5 : f32
      %mul3A_1004 = vector.broadcast %mul3A_1003 : f32 to vector<1x1xf32>
      %mul3A_1005 = arith.mulf %get3A_1002, %mul3A_1004 : vector<1x1xf32>
      %swap3A_1006 = arith.constant 0 : index
      %swap3A_1007 = arith.constant 0 : index
      %swap3A_1008 = vector.load %arg9[%swap3A_1006, %swap3A_1007] : memref<1x1xf32, #tpu.memory_space<vmem>>, vector<1x1xf32>
      tpu.vector_store %arg9[%swap3A_1006, %swap3A_1007], %mul3A_1005 {strides = array<i32>} : memref<1x1xf32, #tpu.memory_space<vmem>>, vector<1x1xf32>,
    } else {
    }
    return
  }
  func.func @transform_0(%arg0: i32) -> (i32, i32, i32) {
    %c0_i32 = arith.constant 0 : i32
    %c0_i32_0 = arith.constant 0 : i32
    %c0_i32_1 = arith.constant 0 : i32
    return %arg0, %c0_i32, %c0_i32_0 : i32, i32, i32
  }
  func.func @transform_1(%arg0: i32) -> (i32, i32, i32, i32) {
    %c0_i32 = arith.constant 0 : i32
    %c0_i32_0 = arith.constant 0 : i32
    %c0_i32_1 = arith.constant 0 : i32
    %c0_i32_2 = arith.constant 0 : i32
    return %c0_i32, %arg0, %c0_i32_0, %c0_i32_1 : i32, i32, i32, i32
  }
  func.func @transform_2(%arg0: i32) -> (i32, i32, i32, i32) {
    %c0_i32 = arith.constant 0 : i32
    %c0_i32_0 = arith.constant 0 : i32
    %c0_i32_1 = arith.constant 0 : i32
    %c0_i32_2 = arith.constant 0 : i32
    return %c0_i32, %arg0, %c0_i32_0, %c0_i32_1 : i32, i32, i32, i32
  }
  func.func @transform_3(%arg0: i32) -> (i32, i32, i32) {
    %c0_i32 = arith.constant 0 : i32
    %c0_i32_0 = arith.constant 0 : i32
    %c0_i32_1 = arith.constant 0 : i32
    %c0_i32_2 = arith.constant 0 : i32
    return %c0_i32, %c0_i32_0, %c0_i32_1 : i32, i32, i32
  }
  func.func @transform_4(%arg0: i32) -> (i32, i32, i32) {
    %c0_i32 = arith.constant 0 : i32
    %c0_i32_0 = arith.constant 0 : i32
    %c0_i32_1 = arith.constant 0 : i32
    %c0_i32_2 = arith.constant 0 : i32
    return %c0_i32, %c0_i32_0, %c0_i32_1 : i32, i32, i32
  }
  func.func @transform_5(%arg0: i32) -> (i32, i32) {
    %c0_i32 = arith.constant 0 : i32
    %c0_i32_0 = arith.constant 0 : i32
    %c0_i32_1 = arith.constant 0 : i32
    return %c0_i32, %c0_i32_0 : i32, i32
  }
  func.func @transform_6(%arg0: i32) -> (i32, i32, i32) {
    %c0_i32 = arith.constant 0 : i32
    %c0_i32_0 = arith.constant 0 : i32
    %c0_i32_1 = arith.constant 0 : i32
    %c0_i32_2 = arith.constant 0 : i32
    return %c0_i32, %c0_i32_0, %c0_i32_1 : i32, i32, i32
  }
  func.func @transform_7(%arg0: i32) -> (i32, i32) {
    %c0_i32 = arith.constant 0 : i32
    %c0_i32_0 = arith.constant 0 : i32
    %c0_i32_1 = arith.constant 0 : i32
    return %c0_i32, %c0_i32_0 : i32, i32
  }
  func.func @transform_8(%arg0: i32) -> (i32, i32) {
    %c0_i32 = arith.constant 0 : i32
    %c0_i32_0 = arith.constant 0 : i32
    %c0_i32_1 = arith.constant 0 : i32
    return %c0_i32, %c0_i32_0 : i32, i32
  }
}

</mosaic_0001>

<sc_bundles>
// kernel: kernel.4.cloned.1.call-start
scs
__scs_entry_jumppad:
0x0: {  	(pc) =	sbr.rel $0x88, $3  }
0x1: {  	(tag) =	ssettag $0x0;
	lr =	simm.s32 $0x1  }
0x2: {  	[smem:$0x3F9A] =	sst lr;
	_ =	strace $0xD0000000  }
0x3: {  	_ = 	snop  }
0x4: {  	_ = 	snop  }
0x5: {  	_ = 	snop  }
0x6: {  	_ = 	snop  }
0x7: {  	_ = 	snop  }
__scs_overlays_trampoline_lowered:
0x8: {  	[smem:$0x3FA9] =	sst s0  }
0x9: {  	[smem:$0x3FAA] =	sst s1  }
0xa: {  	[smem:$0x3FAB] =	sst s2  }
0xb: {  	[smem:$0x3FAC] =	sst s3  }
0xc: {  	[smem:$0x3FAD] =	sst s4  }
0xd: {  	[smem:$0x3FAE] =	sst s5  }
0xe: {  	[smem:$0x3FAF] =	sst s6  }
0xf: {  	[smem:$0x3FB0] =	sst s7  }
0x10: {  	[smem:$0x3FB1] =	sst s8  }
0x11: {  	[smem:$0x3FB2] =	sst s9;
	s0 =	simm.s32 @!p0 $0x0  }
0x12: {  	s1 =	sld [smem:$0x3F98];
	s0 =	simm.s32 @p0 $0x1  }
0x13: {  	[smem:$0x3FB3] =	sst s0;
	s0 =	simm.s32 @!p1 $0x0  }
0x14: {  	s2 =	sld [smem:$0x3F97];
	s0 =	simm.s32 @p1 $0x1  }
0x15: {  	[smem:$0x3FB4] =	sst s0;
	s0 =	simm.s32 @!p2 $0x0  }
0x16: {  	s3 =	sld [smem:$0x3FDB];
	s0 =	simm.s32 @p2 $0x1  }
0x17: {  	s4 =	simm.s32 $0x1BF5;
	[smem:$0x3FB6] =	sst s0  }
0x18: {  	s0 =	sld [smem:$0x3F99];
	_ =	swait.ge [sflag:s4], $0x0  }
0x19: {  	s7 =	sld [smem:$0x3F9A]  }
0x1a: {  	s8 =	sadd.s32 $0xFFFFE003, lr  }
0x1b: {  	s9 =	sadd.s32 $0xFFFFFEF7, lr;
	s5 =	simm.s32 $0xFFFFFFFF;
	p2 =	slt.u32 s8, $0xFFFFF086  }
0x1c: {  	p1 =	slt.u32 s9, $0xF7A;
	s5 =	simm.s32 @!p2 $0x0  }
0x1d: {  	s5 =	simm.s32 @p1 $0x1;
	p0 =	seq.s32 s7, s2  }
0x1e: {  	s7 =	smul.u32 @!p0 $0xF7A, s2;
	p2 =	seq.s32 @!p0 s5, $0x0  }
0x1f: {  	s9 =	smul.u32 $0xF7A, s1;
	s8 =	simm.s32 @!p0 $0x1BF5;
	p2 =	por !p2, p0  }
0x20: {  	[sflag:s8] =	ssyncset.s32 @!p0 $0xFFFFF086;
	s6 =	sadd.s32 @!p0 s3, s7;
	s7 =	simm.s32 @!p0 $0x108  }
0x21: {  	s3 =	sadd.s32 s3, s9;
	s6 =	sadd.s32 @!p0 $0x88, s6;
	s7 =	simm.s32 @p2 $0x1082  }
0x22: {  	[simem:s7], [sflag:s8] =	dma.local @!p0 [hbm:s6], $0xF7A  }
0x23: {  	s9 =	sor.u32 $0xD0000000, s2;
	s6 =	simm.s32 $0x108;
	_ =	swait.ge @!p0 [sflag:s8], $0x0  }
0x24: {  	s3 =	sadd.s32 $0x88, s3;
	s6 =	simm.s32 @!p1 $0x1082;
	[sflag:s4] =	ssyncset.s32 $0xFFFFF086  }
0x25: {  	[simem:s6], [sflag:s4] =	dma.local [hbm:s3], $0xF7A  }
0x26: {  	[smem:$0x3F9A] =	sst s1;
	(tag) =	ssettag s2;
	_ =	strace s9  }
0x27: {  	s1 =	sld [smem:$0x3FAA]  }
0x28: {  	s2 =	sld [smem:$0x3FAB]  }
0x29: {  	s4 =	sld [smem:$0x3FAD]  }
0x2a: {  	p0 =	seq.s32 s5, $0x0;
	s5 =	sld [smem:$0x3FAE]  }
0x2b: {  	s6 =	sld [smem:$0x3FAF]  }
0x2c: {  	s7 =	sld [smem:$0x3FB0]  }
0x2d: {  	s3 =	simm.s32 $0x108;
	s8 =	sld [smem:$0x3FB1]  }
0x2e: {  	s3 =	simm.s32 @!p0 $0x1082;
	s9 =	sld [smem:$0x3FB2]  }
0x2f: {  	lr =	sadd.s32 s0, s3;
	s0 =	sld [smem:$0x3FA9]  }
0x30: {  	s3 =	sld [smem:$0x3FAC]  }
0x31: {  	[smem:$0x3FB5] =	sst s10  }
0x32: {  	s10 =	sld [smem:$0x3FB3];
	_ =	sdelay $0x3  }
0x33: {  	p0 =	seq.s32 s10, $0x1;
	s10 =	sld [smem:$0x3FB5];
	_ =	sdelay $0x3  }
0x34: {  	[smem:$0x3FB5] =	sst s10  }
0x35: {  	s10 =	sld [smem:$0x3FB4];
	_ =	sdelay $0x3  }
0x36: {  	p1 =	seq.s32 s10, $0x1;
	s10 =	sld [smem:$0x3FB5];
	_ =	sdelay $0x3  }
0x37: {  	[smem:$0x3FB5] =	sst s10  }
0x38: {  	s10 =	sld [smem:$0x3FB6]  }
0x39: {  	_ = 	snop;
	(pc) =	sbr.ind lr, $3  }
0x3a: {  	_ = 	snop  }
0x3b: {  	_ = 	snop  }
0x3c: {  	p2 =	seq.s32 s10, $0x1;
	s10 =	sld [smem:$0x3FB5]  }
0x3d: {  	_ =	shalt  }
0x3e: {  	_ =	shalt  }
0x3f: {  	_ =	shalt  }
0x40: {  	_ =	shalt  }
0x41: {  	_ =	shalt  }
0x42: {  	_ =	shalt  }
0x43: {  	_ =	shalt  }
0x44: {  	_ =	shalt  }
0x45: {  	_ =	shalt  }
0x46: {  	_ =	shalt  }
0x47: {  	_ =	shalt  }
0x48: {  	_ =	shalt  }
0x49: {  	_ =	shalt  }
0x4a: {  	_ =	shalt  }
0x4b: {  	_ =	shalt  }
0x4c: {  	_ =	shalt  }
0x4d: {  	_ =	shalt  }
0x4e: {  	_ =	shalt  }
0x4f: {  	_ =	shalt  }
0x50: {  	_ =	shalt  }
0x51: {  	_ =	shalt  }
0x52: {  	_ =	shalt  }
0x53: {  	_ =	shalt  }
0x54: {  	_ =	shalt  }
0x55: {  	_ =	shalt  }
0x56: {  	_ =	shalt  }
0x57: {  	_ =	shalt  }
0x58: {  	_ =	shalt  }
0x59: {  	_ =	shalt  }
0x5a: {  	_ =	shalt  }
0x5b: {  	_ =	shalt  }
0x5c: {  	_ =	shalt  }
0x5d: {  	_ =	shalt  }
0x5e: {  	_ =	shalt  }
0x5f: {  	_ =	shalt  }
0x60: {  	_ =	shalt  }
0x61: {  	_ =	shalt  }
0x62: {  	_ =	shalt  }
0x63: {  	_ =	shalt  }
0x64: {  	_ =	shalt  }
0x65: {  	_ =	shalt  }
0x66: {  	_ =	shalt  }
0x67: {  	_ =	shalt  }
0x68: {  	_ =	shalt  }
0x69: {  	_ =	shalt  }
0x6a: {  	_ =	shalt  }
0x6b: {  	_ =	shalt  }
0x6c: {  	_ =	shalt  }
0x6d: {  	_ =	shalt  }
0x6e: {  	_ =	shalt  }
0x6f: {  	_ =	shalt  }
0x70: {  	_ =	shalt  }
0x71: {  	_ =	shalt  }
0x72: {  	_ =	shalt  }
0x73: {  	_ =	shalt  }
0x74: {  	_ =	shalt  }
0x75: {  	_ =	shalt  }
0x76: {  	_ =	shalt  }
0x77: {  	_ =	shalt  }
0x78: {  	_ =	shalt  }
0x79: {  	_ =	shalt  }
0x7a: {  	_ =	shalt  }
0x7b: {  	_ =	shalt  }
0x7c: {  	_ =	shalt  }
0x7d: {  	_ =	shalt  }
0x7e: {  	_ =	shalt  }
0x7f: {  	_ =	shalt  }
0x80: {  	_ =	shalt  }
0x81: {  	_ =	shalt  }
0x82: {  	_ =	shalt  }
0x83: {  	_ =	shalt  }
0x84: {  	_ =	shalt  }
0x85: {  	_ =	shalt  }
0x86: {  	_ =	shalt  }
0x87: {  	_ =	shalt  }
.Lfunc_end0:
.L_simem_size_0:
called_computation_lowered:
.L_overlay_start_0:
0x88: {  	s2 =	sld [smem:$0x3FD9]  }
0x89: {  	s3 =	sld [smem:$0x3FFE];
	_ =	sdelay $0x1  }
0x8a: {  	s1 =	srdreg.scid  }
0x8b: {  	s0 =	sand.u32 $0x1, s1  }
0x8c: {  	s17 =	sshll.u32 s0, $0xA;
	s2 =	sadd.s32 s3, s2  }
0x8d: {  	s2 =	sadd.s32 s2, s17  }
0x8e: {  	[smem:$0x3FC1] =	sst s2  }
0x8f: {  	_ = 	snop  }
0x90: {  	s2 =	sld [smem:$0x3FC7];
	(tm) =	ssettm $0x1  }
0x91: {  	s18 =	sld [smem:$0x3FFB];
	_ =	sdelay $0x3  }
0x92: {  	_ =	strace s18  }
0x93: {  	s3 =	sld [smem:$0x3FFC];
	_ =	sdelay $0x3  }
0x94: {  	_ =	strace s3  }
0x95: {  	s3 =	sld [smem:$0x3FFD];
	_ =	sdelay $0x3  }
0x96: {  	_ =	strace s3  }
0x97: {  	_ =	strace $0x8FFFFFFF  }
0x98: {  	s19 =	sld [smem:$0x3FDB];
	_ =	sdelay $0x1  }
0x99: {  	s4 =	simm.s32 $_scs_section_size  }
0x9a: {  	s5 =	simm.s32 $_size__tile_overlayer_lowered;
	s6 =	simm.s32 $_tile_overlayer_lowered  }
0x9b: {  	s22 =	simm.s32 $0x1BFF;
	s21 =	sshll.u32 s6, $0x1;
	s3 =	sadd.s32 s4, s19  }
0x9c: {  	s7 =	simm.s32 $0x0;
	s20 =	sshll.u32 s5, $0x1;
	s5 =	sadd.s32 s21, s3  }
0x9d: {  	[timem:s7], [sflag:s22] =	dma.local [hbm:s5], s20  }
0x9e: {  	_ =	swait.ge [sflag:s22], s20  }
0x9f: {  	s4 =	ssub.s32 $0x0, s20;
	[sflag:s22] =	ssyncset.done $0x0  }
0xa0: {  	[sflag:s22] =	ssyncadd.s32 s4;
	_ =	sdelay $0x1  }
0xa1: {  	s23 =	simm.s32 $0x1B8B  }
0xa2: {  	_ =	swait.ge [sflag:s23], $0x1  }
0xa3: {  	[sflag:s23] =	ssyncset.done $0x0  }
0xa4: {  	s25 =	simm.s32 $0x1B8E;
	s24 =	sld [smem:$0x3FFE];
	[sflag:s23] =	ssyncadd.s32 $0xFFFFFFFF  }
0xa5: {  	s26 =	simm.s32 $execute0_lowered;
	[smem:$0x3FD2] =	sst s25  }
0xa6: {  	s5 =	sshll.u32 s26, $0x1;
	_ =	strace $0x80000046;
	[dreg:$0x1] =	wrdreg $0xFFFFFFFF  }
0xa7: {  	s28 =	simm.s32 $_size_execute0_lowered;
	s3 =	sadd.s32 s3, s5;
	[dreg:$0x0] =	wrdreg $0x0  }
0xa8: {  	s5 =	sshll.u32 s28, $0x1;
	[dreg:$0x2] =	wrdreg s3  }
0xa9: {  	[dreg:$0x3] =	wrdreg s5  }
0xaa: {  	[dreg:$0x4] =	wrdreg $0xC0  }
0xab: {  	_ =	task [dreg:s7], $0x5FFFF  }
0xac: {  	[dreg:$0x1] =	wrdreg $0xFFFFFFFF  }
0xad: {  	[dreg:$0x0] =	wrdreg $0x60  }
0xae: {  	[dreg:$0x2] =	wrdreg s2  }
0xaf: {  	[dreg:$0x3] =	wrdreg s24  }
0xb0: {  	[dreg:$0x4] =	wrdreg $0x9  }
0xb1: {  	_ =	task.clear_ibuf [dreg:s7], $0x5FFFF;
	_ =	strace $0x90000046  }
0xb2: {  	s29 =	simm.s32 $0x9;
	_ =	strace $0x8000004F  }
0xb3: {  	_ =	swait.ge [sflag:s29], $0x1  }
0xb4: {  	[sflag:s29] =	ssyncadd.s32 $0xFFFFFFFF  }
0xb5: {  	_ =	strace $0x9000004F  }
0xb6: {  	_ =	sfence  }
0xb7: {  	s30 =	sld [smem:$0x0];
	_ =	sdelay $0x2  }
0xb8: {  	s31 =	sshll.u32 s1, $0xD;
	s1 =	sshrl.u32 s1, $0x2  }
0xb9: {  	s3 =	sand.u32 $0x4000, s31;
	s1 =	sadd.s32 s1, s30  }
0xba: {  	s0 =	sor.u32 s3, s0;
	s1 =	sshll.u32 s1, $0x11  }
0xbb: {  	s0 =	sor.u32 s1, s0  }
0xbc: {  	s0 =	sadd.s32 $0x8F2B, s0  }
0xbd: {  	[sflag:s0] =	ssyncadd.remote.s32 $0x1  }
0xbe: {  	_ =	sfence.sel $0xFFFF  }
0xbf: {  	[dreg:$0x0] =	wrdreg $0xFFFFFFFF;
	(pc) =	sbr.abs _section_cstart, $3  }
0xc0: {  	[dreg:$0x1] =	wrdreg $0xFFFFFFFF  }
0xc1: {  	_ =	task.clear_ibuf [dreg:s7], $0x2FFFF;
	_ =	strace $0x9FFFFFFF  }
0xc2: {  	(tm) =	ssettm $0x7FFFFFFF  }
0xc3: {  	_ =	shalt  }
tec
execute0_lowered:
.L_overlay_start_1:
0x0: {  	(tag) =	ssettag $0x1  }
0x1: {  	s0 =	srdreg.scid  }
0x2: {  	s24 =	sand.u32 $0x1, s0  }
0x3: {  	s0 =	stileid.u32;
	s1 =	sshll.u32 s24, $0x4  }
0x4: {  	s2 =	rddreg [dreg:$0x0];
	s11 =	sor.u32 s0, s1  }
0x5: {  	s10 =	rddreg [dreg:$0x1];
	s3 =	simm.s32 $0x0;
	s4 =	smul.u32 $0x60, s11  }
0x6: {  	[smem:$0x7FF] =	sst s3  }
0x7: {  	s1 =	rddreg [dreg:$0x2];
	_ =	strace $0x80000047;
	s21 =	sadd.s32 s4, s10  }
0x8: {  	_ =	strace $0x80000048;
	s4 =	sadd.s32 $0x1800, s21  }
0x9: {  	[tilespmem:s3], [sflag:$0x1] =	stream.linear.gather [hbm4b:s4+s3], $0x80, $0x200038;
	[tilespmem:$0x8100] =	vst v63  }
0xa: {  	_ =	strace $0x90000048  }
0xb: {  	s6 =	simm.s32 $0x80;
	s5 =	sadd.s32 $0x1810, s21;
	_ =	strace $0x80000049  }
0xc: {  	[tilespmem:s6], [sflag:$0x2] =	stream.linear.gather [hbm4b:s5+s3], $0x80, $0x200038;
	[tilespmem:$0x8100] =	vst v63  }
0xd: {  	_ =	strace $0x90000049  }
0xe: {  	s7 =	simm.s32 $0x1;
	_ =	strace $0x8000004A  }
0xf: {  	_ =	swait.ge [sflag:s7], $0x80  }
0x10: {  	[sflag:s7] =	ssyncset.done $0x0  }
0x11: {  	[sflag:s7] =	ssyncadd.s32 $0xFFFFFF80  }
0x12: {  	_ =	strace $0x9000004A  }
0x13: {  	s8 =	simm.s32 $0x100;
	s9 =	simm.s32 $0x5;
	_ =	strace $0x8000004B  }
0x14: {  	[tilespmem:s8], [sflag:$0x5] =	stream.indirect.gather [hbm4b:s2+s6], $0x80, s3, s6, $0x2000b8;
	[tilespmem:$0x8100] =	vst v63  }
0x15: {  	_ =	swait.ge [sflag:s9], $0x4000  }
0x16: {  	s11 =	smul.u32 $0x3000, s11;
	[sflag:s9] =	ssyncset.done $0x0  }
0x17: {  	[sflag:s9] =	ssyncadd.s32 $0xFFFFC000  }
0x18: {  	s23 =	sadd.s32 s11, s10;
	_ =	strace $0x9000004B  }
0x19: {  	s10 =	sadd.s32 $0x2400, s23;
	_ =	strace $0x8000004C  }
0x1a: {  	[hbm4b:s10+s3] =	stream.linear.scatter [tilespmem:s8], [sflag:$0x3], $0x4000, $0x200038;
	[tilespmem:$0x8100] =	vst v63  }
0x1b: {  	_ =	strace $0x9000004C  }
0x1c: {  	s11 =	sadd.s32 $0x1820, s21;
	_ =	strace $0x80000049  }
0x1d: {  	[tilespmem:s3], [sflag:$0x1] =	stream.linear.gather [hbm4b:s11+s3], $0x80, $0x200038;
	[tilespmem:$0x8100] =	vst v63  }
0x1e: {  	_ =	strace $0x90000049  }
0x1f: {  	s12 =	simm.s32 $0x2;
	_ =	strace $0x8000004A  }
0x20: {  	_ =	swait.ge [sflag:s12], $0x80  }
0x21: {  	[sflag:s12] =	ssyncset.done $0x0  }
0x22: {  	[sflag:s12] =	ssyncadd.s32 $0xFFFFFF80  }
0x23: {  	_ =	strace $0x9000004A  }
0x24: {  	s13 =	simm.s32 $0x4100;
	_ =	strace $0x8000004B  }
0x25: {  	[tilespmem:s13], [sflag:$0x5] =	stream.indirect.gather [hbm4b:s2+s6], $0x80, s6, s6, $0x2000b8;
	[tilespmem:$0x8100] =	vst v63  }
0x26: {  	_ =	swait.ge [sflag:s9], $0x4000  }
0x27: {  	[sflag:s9] =	ssyncset.done $0x0  }
0x28: {  	[sflag:s9] =	ssyncadd.s32 $0xFFFFC000  }
0x29: {  	_ =	strace $0x9000004B  }
0x2a: {  	s14 =	sadd.s32 $0x2C00, s23;
	_ =	strace $0x8000004C  }
0x2b: {  	[hbm4b:s14+s3] =	stream.linear.scatter [tilespmem:s13], [sflag:$0x4], $0x4000, $0x200038;
	[tilespmem:$0x8100] =	vst v63  }
0x2c: {  	_ =	strace $0x9000004C  }
0x2d: {  	s15 =	simm.s32 $0x3;
	_ =	strace $0x8000004D  }
0x2e: {  	_ =	swait.ge [sflag:s15], $0x4000  }
0x2f: {  	[sflag:s15] =	ssyncset.done $0x0  }
0x30: {  	[sflag:s15] =	ssyncadd.s32 $0xFFFFC000  }
0x31: {  	_ =	strace $0x9000004D  }
0x32: {  	s16 =	sadd.s32 $0x1830, s21;
	_ =	strace $0x80000049  }
0x33: {  	[tilespmem:s6], [sflag:$0x2] =	stream.linear.gather [hbm4b:s16+s3], $0x80, $0x200038;
	[tilespmem:$0x8100] =	vst v63  }
0x34: {  	_ =	strace $0x90000049  }
0x35: {  	_ =	strace $0x8000004A  }
0x36: {  	_ =	swait.ge [sflag:s7], $0x80  }
0x37: {  	[sflag:s7] =	ssyncset.done $0x0  }
0x38: {  	[sflag:s7] =	ssyncadd.s32 $0xFFFFFF80  }
0x39: {  	_ =	strace $0x9000004A  }
0x3a: {  	_ =	strace $0x8000004B  }
0x3b: {  	[tilespmem:s8], [sflag:$0x5] =	stream.indirect.gather [hbm4b:s2+s6], $0x80, s3, s6, $0x2000b8;
	[tilespmem:$0x8100] =	vst v63  }
0x3c: {  	_ =	swait.ge [sflag:s9], $0x4000  }
0x3d: {  	[sflag:s9] =	ssyncset.done $0x0  }
0x3e: {  	[sflag:s9] =	ssyncadd.s32 $0xFFFFC000  }
0x3f: {  	_ =	strace $0x9000004B  }
0x40: {  	s17 =	sadd.s32 $0x3400, s23;
	_ =	strace $0x8000004C  }
0x41: {  	[hbm4b:s17+s3] =	stream.linear.scatter [tilespmem:s8], [sflag:$0x3], $0x4000, $0x200038;
	[tilespmem:$0x8100] =	vst v63  }
0x42: {  	_ =	strace $0x9000004C  }
0x43: {  	s18 =	simm.s32 $0x4;
	_ =	strace $0x8000004D  }
0x44: {  	_ =	swait.ge [sflag:s18], $0x4000  }
0x45: {  	[sflag:s18] =	ssyncset.done $0x0  }
0x46: {  	[sflag:s18] =	ssyncadd.s32 $0xFFFFC000  }
0x47: {  	_ =	strace $0x9000004D  }
0x48: {  	s19 =	sadd.s32 $0x1840, s21;
	_ =	strace $0x80000049  }
0x49: {  	[tilespmem:s3], [sflag:$0x1] =	stream.linear.gather [hbm4b:s19+s3], $0x80, $0x200038;
	[tilespmem:$0x8100] =	vst v63  }
0x4a: {  	_ =	strace $0x90000049  }
0x4b: {  	_ =	strace $0x8000004A  }
0x4c: {  	_ =	swait.ge [sflag:s12], $0x80  }
0x4d: {  	[sflag:s12] =	ssyncset.done $0x0  }
0x4e: {  	[sflag:s12] =	ssyncadd.s32 $0xFFFFFF80  }
0x4f: {  	_ =	strace $0x9000004A  }
0x50: {  	_ =	strace $0x8000004B  }
0x51: {  	[tilespmem:s13], [sflag:$0x5] =	stream.indirect.gather [hbm4b:s2+s6], $0x80, s6, s6, $0x2000b8;
	[tilespmem:$0x8100] =	vst v63  }
0x52: {  	_ =	swait.ge [sflag:s9], $0x4000  }
0x53: {  	[sflag:s9] =	ssyncset.done $0x0  }
0x54: {  	[sflag:s9] =	ssyncadd.s32 $0xFFFFC000  }
0x55: {  	_ =	strace $0x9000004B  }
0x56: {  	s20 =	sadd.s32 $0x3C00, s23;
	_ =	strace $0x8000004C  }
0x57: {  	[hbm4b:s20+s3] =	stream.linear.scatter [tilespmem:s13], [sflag:$0x4], $0x4000, $0x200038;
	[tilespmem:$0x8100] =	vst v63  }
0x58: {  	_ =	strace $0x9000004C  }
0x59: {  	_ =	strace $0x8000004D  }
0x5a: {  	_ =	swait.ge [sflag:s15], $0x4000  }
0x5b: {  	[sflag:s15] =	ssyncset.done $0x0  }
0x5c: {  	[sflag:s15] =	ssyncadd.s32 $0xFFFFC000  }
0x5d: {  	_ =	strace $0x9000004D  }
0x5e: {  	s21 =	sadd.s32 $0x1850, s21;
	_ =	strace $0x80000049  }
0x5f: {  	[tilespmem:s6], [sflag:$0x2] =	stream.linear.gather [hbm4b:s21+s3], $0x80, $0x200038;
	[tilespmem:$0x8100] =	vst v63  }
0x60: {  	_ =	strace $0x90000049  }
0x61: {  	_ =	strace $0x8000004A  }
0x62: {  	_ =	swait.ge [sflag:s7], $0x80  }
0x63: {  	[sflag:s7] =	ssyncset.done $0x0  }
0x64: {  	[sflag:s7] =	ssyncadd.s32 $0xFFFFFF80  }
0x65: {  	_ =	strace $0x9000004A  }
0x66: {  	_ =	strace $0x8000004B  }
0x67: {  	[tilespmem:s8], [sflag:$0x5] =	stream.indirect.gather [hbm4b:s2+s6], $0x80, s3, s6, $0x2000b8;
	[tilespmem:$0x8100] =	vst v63  }
0x68: {  	_ =	swait.ge [sflag:s9], $0x4000  }
0x69: {  	[sflag:s9] =	ssyncset.done $0x0  }
0x6a: {  	[sflag:s9] =	ssyncadd.s32 $0xFFFFC000  }
0x6b: {  	_ =	strace $0x9000004B  }
0x6c: {  	s22 =	sadd.s32 $0x4400, s23;
	_ =	strace $0x8000004C  }
0x6d: {  	[hbm4b:s22+s3] =	stream.linear.scatter [tilespmem:s8], [sflag:$0x3], $0x4000, $0x200038;
	[tilespmem:$0x8100] =	vst v63  }
0x6e: {  	_ =	strace $0x9000004C  }
0x6f: {  	_ =	strace $0x8000004D  }
0x70: {  	_ =	swait.ge [sflag:s18], $0x4000  }
0x71: {  	[sflag:s18] =	ssyncset.done $0x0  }
0x72: {  	[sflag:s18] =	ssyncadd.s32 $0xFFFFC000  }
0x73: {  	_ =	strace $0x9000004D  }
0x74: {  	_ =	strace $0x8000004A  }
0x75: {  	_ =	swait.ge [sflag:s12], $0x80  }
0x76: {  	[sflag:s12] =	ssyncset.done $0x0  }
0x77: {  	[sflag:s12] =	ssyncadd.s32 $0xFFFFFF80  }
0x78: {  	_ =	strace $0x9000004A  }
0x79: {  	_ =	strace $0x8000004B  }
0x7a: {  	[tilespmem:s13], [sflag:$0x5] =	stream.indirect.gather [hbm4b:s2+s6], $0x80, s6, s6, $0x2000b8;
	[tilespmem:$0x8100] =	vst v63  }
0x7b: {  	_ =	swait.ge [sflag:s9], $0x4000  }
0x7c: {  	[sflag:s9] =	ssyncset.done $0x0  }
0x7d: {  	[sflag:s9] =	ssyncadd.s32 $0xFFFFC000  }
0x7e: {  	_ =	strace $0x9000004B  }
0x7f: {  	s23 =	sadd.s32 $0x4C00, s23;
	_ =	strace $0x8000004C  }
0x80: {  	[hbm4b:s23+s3] =	stream.linear.scatter [tilespmem:s13], [sflag:$0x4], $0x4000, $0x200038;
	[tilespmem:$0x8100] =	vst v63  }
0x81: {  	s24 =	ssub.s32 $0x2, s24;
	_ =	strace $0x9000004C  }
0x82: {  	s25 =	sshrl.u32 s24, $0x1;
	_ =	strace $0x8000004D  }
0x83: {  	s24 =	ssub.s32 s24, s25;
	_ =	swait.ge [sflag:s15], $0x4000  }
0x84: {  	s24 =	smax.u32 s24, $0x1;
	[sflag:s15] =	ssyncset.done $0x0  }
0x85: {  	p0 =	sne.s32 s24, $0x1;
	[sflag:s15] =	ssyncadd.s32 $0xFFFFC000  }
.Ltmp0:
0x86: {  	_ =	strace $0x9000004D;
	(pc) =	sbr.rel @!p0 .LBB2_2-.Ltmp0, $4  }
0x87: {  	_ =	strace $0x8000004E  }
0x88: {  	_ =	swait.ge [sflag:s18], $0x4000  }
0x89: {  	[sflag:s18] =	ssyncset.done $0x0  }
0x8a: {  	s24 =	sadd.s32 $0xFFFFFFFF, s24;
	[sflag:s18] =	ssyncadd.s32 $0xFFFFC000  }
.LBB2_1:
0x8b: {  	p0 =	sne.s32 s24, $0x1;
	s24 =	sadd.s32 $0xFFFFFFFF, s24;
	_ =	strace $0x9000004E  }
0x8c: {  	_ =	strace $0x80000048  }
0x8d: {  	[tilespmem:s3], [sflag:$0x1] =	stream.linear.gather [hbm4b:s4+s3], $0x80, $0x200038;
	[tilespmem:$0x8100] =	vst v63  }
0x8e: {  	_ =	strace $0x90000048  }
0x8f: {  	_ =	strace $0x80000049  }
0x90: {  	[tilespmem:s6], [sflag:$0x2] =	stream.linear.gather [hbm4b:s5+s3], $0x80, $0x200038;
	[tilespmem:$0x8100] =	vst v63  }
0x91: {  	_ =	strace $0x90000049  }
0x92: {  	_ =	strace $0x8000004A  }
0x93: {  	_ =	swait.ge [sflag:s7], $0x80  }
0x94: {  	[sflag:s7] =	ssyncset.done $0x0  }
0x95: {  	[sflag:s7] =	ssyncadd.s32 $0xFFFFFF80  }
0x96: {  	_ =	strace $0x9000004A  }
0x97: {  	_ =	strace $0x8000004B  }
0x98: {  	[tilespmem:s8], [sflag:$0x5] =	stream.indirect.gather [hbm4b:s2+s6], $0x80, s3, s6, $0x2000b8;
	[tilespmem:$0x8100] =	vst v63  }
0x99: {  	_ =	swait.ge [sflag:s9], $0x4000  }
0x9a: {  	[sflag:s9] =	ssyncset.done $0x0  }
0x9b: {  	[sflag:s9] =	ssyncadd.s32 $0xFFFFC000  }
0x9c: {  	_ =	strace $0x9000004B  }
0x9d: {  	_ =	strace $0x8000004C  }
0x9e: {  	[hbm4b:s10+s3] =	stream.linear.scatter [tilespmem:s8], [sflag:$0x3], $0x4000, $0x200038;
	[tilespmem:$0x8100] =	vst v63  }
0x9f: {  	_ =	strace $0x9000004C  }
0xa0: {  	_ =	strace $0x80000049  }
0xa1: {  	[tilespmem:s3], [sflag:$0x1] =	stream.linear.gather [hbm4b:s11+s3], $0x80, $0x200038;
	[tilespmem:$0x8100] =	vst v63  }
0xa2: {  	_ =	strace $0x90000049  }
0xa3: {  	_ =	strace $0x8000004A  }
0xa4: {  	_ =	swait.ge [sflag:s12], $0x80  }
0xa5: {  	[sflag:s12] =	ssyncset.done $0x0  }
0xa6: {  	[sflag:s12] =	ssyncadd.s32 $0xFFFFFF80  }
0xa7: {  	_ =	strace $0x9000004A  }
0xa8: {  	_ =	strace $0x8000004B  }
0xa9: {  	[tilespmem:s13], [sflag:$0x5] =	stream.indirect.gather [hbm4b:s2+s6], $0x80, s6, s6, $0x2000b8;
	[tilespmem:$0x8100] =	vst v63  }
0xaa: {  	_ =	swait.ge [sflag:s9], $0x4000  }
0xab: {  	[sflag:s9] =	ssyncset.done $0x0  }
0xac: {  	[sflag:s9] =	ssyncadd.s32 $0xFFFFC000  }
0xad: {  	_ =	strace $0x9000004B  }
0xae: {  	_ =	strace $0x8000004C  }
0xaf: {  	[hbm4b:s14+s3] =	stream.linear.scatter [tilespmem:s13], [sflag:$0x4], $0x4000, $0x200038;
	[tilespmem:$0x8100] =	vst v63  }
0xb0: {  	_ =	strace $0x9000004C  }
0xb1: {  	_ =	strace $0x8000004D  }
0xb2: {  	_ =	swait.ge [sflag:s15], $0x4000  }
0xb3: {  	[sflag:s15] =	ssyncset.done $0x0  }
0xb4: {  	[sflag:s15] =	ssyncadd.s32 $0xFFFFC000  }
0xb5: {  	_ =	strace $0x9000004D  }
0xb6: {  	_ =	strace $0x80000049  }
0xb7: {  	[tilespmem:s6], [sflag:$0x2] =	stream.linear.gather [hbm4b:s16+s3], $0x80, $0x200038;
	[tilespmem:$0x8100] =	vst v63  }
0xb8: {  	_ =	strace $0x90000049  }
0xb9: {  	_ =	strace $0x8000004A  }
0xba: {  	_ =	swait.ge [sflag:s7], $0x80  }
0xbb: {  	[sflag:s7] =	ssyncset.done $0x0  }
0xbc: {  	[sflag:s7] =	ssyncadd.s32 $0xFFFFFF80  }
0xbd: {  	_ =	strace $0x9000004A  }
0xbe: {  	_ =	strace $0x8000004B  }
0xbf: {  	[tilespmem:s8], [sflag:$0x5] =	stream.indirect.gather [hbm4b:s2+s6], $0x80, s3, s6, $0x2000b8;
	[tilespmem:$0x8100] =	vst v63  }
0xc0: {  	_ =	swait.ge [sflag:s9], $0x4000  }
0xc1: {  	[sflag:s9] =	ssyncset.done $0x0  }
0xc2: {  	[sflag:s9] =	ssyncadd.s32 $0xFFFFC000  }
0xc3: {  	_ =	strace $0x9000004B  }
0xc4: {  	_ =	strace $0x8000004C  }
0xc5: {  	[hbm4b:s17+s3] =	stream.linear.scatter [tilespmem:s8], [sflag:$0x3], $0x4000, $0x200038;
	[tilespmem:$0x8100] =	vst v63  }
0xc6: {  	_ =	strace $0x9000004C  }
0xc7: {  	_ =	strace $0x8000004D  }
0xc8: {  	_ =	swait.ge [sflag:s18], $0x4000  }
0xc9: {  	[sflag:s18] =	ssyncset.done $0x0  }
0xca: {  	[sflag:s18] =	ssyncadd.s32 $0xFFFFC000  }
0xcb: {  	_ =	strace $0x9000004D  }
0xcc: {  	_ =	strace $0x80000049  }
0xcd: {  	[tilespmem:s3], [sflag:$0x1] =	stream.linear.gather [hbm4b:s19+s3], $0x80, $0x200038;
	[tilespmem:$0x8100] =	vst v63  }
0xce: {  	_ =	strace $0x90000049  }
0xcf: {  	_ =	strace $0x8000004A  }
0xd0: {  	_ =	swait.ge [sflag:s12], $0x80  }
0xd1: {  	[sflag:s12] =	ssyncset.done $0x0  }
0xd2: {  	[sflag:s12] =	ssyncadd.s32 $0xFFFFFF80  }
0xd3: {  	_ =	strace $0x9000004A  }
0xd4: {  	_ =	strace $0x8000004B  }
0xd5: {  	[tilespmem:s13], [sflag:$0x5] =	stream.indirect.gather [hbm4b:s2+s6], $0x80, s6, s6, $0x2000b8;
	[tilespmem:$0x8100] =	vst v63  }
0xd6: {  	_ =	swait.ge [sflag:s9], $0x4000  }
0xd7: {  	[sflag:s9] =	ssyncset.done $0x0  }
0xd8: {  	[sflag:s9] =	ssyncadd.s32 $0xFFFFC000  }
0xd9: {  	_ =	strace $0x9000004B  }
0xda: {  	_ =	strace $0x8000004C  }
0xdb: {  	[hbm4b:s20+s3] =	stream.linear.scatter [tilespmem:s13], [sflag:$0x4], $0x4000, $0x200038;
	[tilespmem:$0x8100] =	vst v63  }
0xdc: {  	_ =	strace $0x9000004C  }
0xdd: {  	_ =	strace $0x8000004D  }
0xde: {  	_ =	swait.ge [sflag:s15], $0x4000  }
0xdf: {  	[sflag:s15] =	ssyncset.done $0x0  }
0xe0: {  	[sflag:s15] =	ssyncadd.s32 $0xFFFFC000  }
0xe1: {  	_ =	strace $0x9000004D  }
0xe2: {  	_ =	strace $0x80000049  }
0xe3: {  	[tilespmem:s6], [sflag:$0x2] =	stream.linear.gather [hbm4b:s21+s3], $0x80, $0x200038;
	[tilespmem:$0x8100] =	vst v63  }
0xe4: {  	_ =	strace $0x90000049  }
0xe5: {  	_ =	strace $0x8000004A  }
0xe6: {  	_ =	swait.ge [sflag:s7], $0x80  }
0xe7: {  	[sflag:s7] =	ssyncset.done $0x0  }
0xe8: {  	[sflag:s7] =	ssyncadd.s32 $0xFFFFFF80  }
0xe9: {  	_ =	strace $0x9000004A  }
0xea: {  	_ =	strace $0x8000004B  }
0xeb: {  	[tilespmem:s8], [sflag:$0x5] =	stream.indirect.gather [hbm4b:s2+s6], $0x80, s3, s6, $0x2000b8;
	[tilespmem:$0x8100] =	vst v63  }
0xec: {  	_ =	swait.ge [sflag:s9], $0x4000  }
0xed: {  	[sflag:s9] =	ssyncset.done $0x0  }
0xee: {  	[sflag:s9] =	ssyncadd.s32 $0xFFFFC000  }
0xef: {  	_ =	strace $0x9000004B  }
0xf0: {  	_ =	strace $0x8000004C  }
0xf1: {  	[hbm4b:s22+s3] =	stream.linear.scatter [tilespmem:s8], [sflag:$0x3], $0x4000, $0x200038;
	[tilespmem:$0x8100] =	vst v63  }
0xf2: {  	_ =	strace $0x9000004C  }
0xf3: {  	_ =	strace $0x8000004D  }
0xf4: {  	_ =	swait.ge [sflag:s18], $0x4000  }
0xf5: {  	[sflag:s18] =	ssyncset.done $0x0  }
0xf6: {  	[sflag:s18] =	ssyncadd.s32 $0xFFFFC000  }
0xf7: {  	_ =	strace $0x9000004D  }
0xf8: {  	_ =	strace $0x8000004A  }
0xf9: {  	_ =	swait.ge [sflag:s12], $0x80  }
0xfa: {  	[sflag:s12] =	ssyncset.done $0x0  }
0xfb: {  	[sflag:s12] =	ssyncadd.s32 $0xFFFFFF80  }
0xfc: {  	_ =	strace $0x9000004A  }
0xfd: {  	_ =	strace $0x8000004B  }
0xfe: {  	[tilespmem:s13], [sflag:$0x5] =	stream.indirect.gather [hbm4b:s2+s6], $0x80, s6, s6, $0x2000b8;
	[tilespmem:$0x8100] =	vst v63  }
0xff: {  	_ =	swait.ge [sflag:s9], $0x4000  }
0x100: {  	[sflag:s9] =	ssyncset.done $0x0  }
0x101: {  	[sflag:s9] =	ssyncadd.s32 $0xFFFFC000  }
0x102: {  	_ =	strace $0x9000004B  }
0x103: {  	_ =	strace $0x8000004C  }
0x104: {  	[hbm4b:s23+s3] =	stream.linear.scatter [tilespmem:s13], [sflag:$0x4], $0x4000, $0x200038;
	[tilespmem:$0x8100] =	vst v63  }
0x105: {  	_ =	strace $0x9000004C  }
0x106: {  	_ =	strace $0x8000004D  }
0x107: {  	_ =	swait.ge [sflag:s15], $0x4000  }
0x108: {  	[sflag:s15] =	ssyncset.done $0x0  }
0x109: {  	[sflag:s15] =	ssyncadd.s32 $0xFFFFC000  }
.Ltmp1:
0x10a: {  	_ =	strace $0x9000004D;
	(pc) =	sbr.rel @p0 .LBB2_1-.Ltmp1, $4  }
0x10b: {  	_ =	strace $0x8000004E  }
0x10c: {  	_ =	swait.ge [sflag:s18], $0x4000  }
0x10d: {  	[sflag:s18] =	ssyncset.done $0x0  }
0x10e: {  	[sflag:s18] =	ssyncadd.s32 $0xFFFFC000  }
.LBB2_2:
0x10f: {  	_ =	strace $0x9000004E  }
0x110: {  	_ =	sfence.sel $0x180000  }
0x111: {  	[bflag:$0x0] =	sbarrier.arrive $0xFFFF  }
0x112: {  	p0 =	sne.s32 s0, $0x0;
	_ =	strace $0x90000047  }
0x113: {  	s0 =	sadd.s32 @!p0 $0x100000, s1;
	[bflag:$0x2] =	sbarrier.arrive $0xFFFF  }
0x114: {  	[sflag:s0] =	ssyncadd.tile.s32 @!p0 $0x1;
	_ =	shalt  }
.Lfunc_end2:
_tile_overlayer_lowered:
.L_overlay_start_2:
0x115: {  	(tag) =	ssettag $0x2  }
0x116: {  	s0 =	rddreg [dreg:$0x0];
	s2 =	stileid.u32  }
0x117: {  	s1 =	rddreg [dreg:$0x1];
	p0 =	sne.s32 s2, $0x0  }
0x118: {  	s3 =	rddreg [dreg:$0x2];
	[bflag:$0x3] =	sbarrier.arrive $0xFFFF;
	s2 =	simm.s32 @!p0 $0x1C01  }
0x119: {  	[timem:s3], [sflag:s2] =	dma.local @!p0 [hbm:s0], s1  }
0x11a: {  	s0 =	simm.s32 @!p0 $0x1  }
0x11b: {  	_ =	swait.ge @!p0 [sflag:s0], s1  }
0x11c: {  	s1 =	ssub.s32 @!p0 $0x0, s1;
	[sflag:s0] =	ssyncset.done @!p0 $0x0  }
0x11d: {  	[sflag:s0] =	ssyncadd.s32 @!p0 s1  }
0x11e: {  	[bflag:$0x3] =	sbarrier.arrive $0xFFFF  }
0x11f: {  	_ =	shalt  }

</sc_bundles>
